<compile_context>
chip_gen: v7x
topology: tpu7x:2x2x1
jax: 0.10.2.dev20260603
libtpu: 0.0.44.dev20260713+nightly
codegen_flags: <defaults>
</compile_context>

<pallas_src>
import functools

import jax
import jax.numpy as jnp
from jax import lax
from jax.experimental import pallas as pl
from jax.experimental.pallas import tpu as pltpu
from jax.experimental.pallas import tpu_sc as plsc

_BLK = 2000


def _sc_hist(dst, n):
    e = dst.shape[0]
    nw = 32
    epw = e // nw
    mesh = plsc.VectorSubcoreMesh(core_axis_name="c", subcore_axis_name="s")

    @functools.partial(
        pl.kernel,
        out_type=jax.ShapeDtypeStruct((nw * n,), jnp.float32),
        mesh=mesh,
        compiler_params=pltpu.CompilerParams(needs_layout_passes=False),
        scratch_types=[
            pltpu.VMEM((n,), jnp.float32),
            pltpu.VMEM((epw,), jnp.int32),
        ],
    )
    def k(dst_hbm, out_hbm, hist_v, idx_v):
        cid = lax.axis_index("c")
        sid = lax.axis_index("s")
        wid = sid * 2 + cid
        zero16 = jnp.zeros((16,), jnp.float32)

        def zbody(i, _):
            hist_v[pl.ds(i * 16, 16)] = zero16
            return 0

        lax.fori_loop(0, n // 16, zbody, 0)
        pltpu.sync_copy(dst_hbm.at[pl.ds(wid * epw, epw)], idx_v)
        ones16 = jnp.ones((16,), jnp.float32)

        def body(i, _):
            idx16 = idx_v[pl.ds(i * 16, 16)]
            plsc.addupdate_scatter(hist_v, [idx16], ones16)
            return 0

        lax.fori_loop(0, epw // 16, body, 0)
        pltpu.sync_copy(hist_v, out_hbm.at[pl.ds(wid * n, n)])

    return k(dst).reshape(nw, n)


def _sc_seg(src2, dst2, table, n):
    rows_tot, ch = src2.shape
    ns = 16
    nch = rows_tot // ns
    ib = 32
    nblk = nch // ib
    rps = 624
    rem = n - ns * rps
    zr = 8
    mesh = plsc.VectorSubcoreMesh(core_axis_name="c", subcore_axis_name="s")

    @functools.partial(
        pl.kernel,
        out_type=jax.ShapeDtypeStruct((2 * n, 128), jnp.float32),
        mesh=mesh,
        scratch_types=[
            pltpu.VMEM((2, ib, ch), jnp.int32),
            pltpu.VMEM((2, ib, ch), jnp.int32),
            pltpu.VMEM((ch, 128), jnp.float32),
            pltpu.VMEM((ch, 128), jnp.float32),
            pltpu.VMEM((zr, 128), jnp.float32),
            pltpu.VMEM_SHARED((n, 128), jnp.float32),
            pltpu.SemaphoreType.DMA,
            pltpu.SemaphoreType.DMA,
            pltpu.SemaphoreType.DMA,
            pltpu.SemaphoreType.DMA,
            pltpu.SemaphoreType.DMA,
        ],
    )
    def k(src_hbm, dst_hbm, table_hbm, out_hbm, src_v, dst_v, rows0, rows1,
          zbuf, acc, sem0, sem1, semi, sems0, sems1):
        cid = lax.axis_index("c")
        sid = lax.axis_index("s")
        zero16 = jnp.zeros((16,), jnp.float32)
        for i in range(zr):
            for j in range(8):
                zbuf[i, pl.ds(j * 16, 16)] = zero16

        def zb(i, _):
            pltpu.sync_copy(zbuf, acc.at[pl.ds(sid * rps + i * zr, zr)])
            return 0

        lax.fori_loop(0, rps // zr, zb, 0)

        @pl.when(sid == ns - 1)
        def _():
            pltpu.sync_copy(zbuf, acc.at[pl.ds(ns * rps, zr)])
            pltpu.sync_copy(zbuf, acc.at[pl.ds(ns * rps + zr, rem - zr)])

        ibase = sid * nch
        pltpu.sync_copy(src_hbm.at[pl.ds(ibase, ib)], src_v.at[0])
        pltpu.sync_copy(dst_hbm.at[pl.ds(ibase, ib)], dst_v.at[0])
        plsc.subcore_barrier()

        tbl = table_hbm.at[pl.ds(pl.multiple_of(cid * n, 8), n)]

        def blk(b, _):
            bb = lax.rem(b, 2)

            @pl.when(b > 0)
            def _():
                pltpu.make_async_copy(
                    src_hbm.at[pl.ds(ibase, ib)], src_v.at[bb], semi).wait()
                pltpu.make_async_copy(
                    dst_hbm.at[pl.ds(ibase, ib)], dst_v.at[bb], semi).wait()

            @pl.when(b < nblk - 1)
            def _():
                nb = lax.rem(b + 1, 2)
                noff = ibase + (b + 1) * ib
                pltpu.async_copy(src_hbm.at[pl.ds(noff, ib)], src_v.at[nb],
                                 semi)
                pltpu.async_copy(dst_hbm.at[pl.ds(noff, ib)], dst_v.at[nb],
                                 semi)

            pltpu.async_copy(tbl.at[src_v.at[bb, 0]], rows0, sem0)

            def body(p, _):
                g0 = p * 2
                pltpu.async_copy(tbl.at[src_v.at[bb, g0 + 1]], rows1, sem1)
                pltpu.make_async_copy(tbl.at[src_v.at[bb, g0]], rows0,
                                      sem0).wait()
                pltpu.sync_copy(rows0, acc.at[dst_v.at[bb, g0]], add=True)

                @pl.when(p < ib // 2 - 1)
                def _():
                    pltpu.async_copy(tbl.at[src_v.at[bb, g0 + 2]], rows0,
                                     sem0)

                pltpu.make_async_copy(tbl.at[src_v.at[bb, g0 + 1]], rows1,
                                      sem1).wait()
                pltpu.sync_copy(rows1, acc.at[dst_v.at[bb, g0 + 1]], add=True)
                return 0

            lax.fori_loop(0, ib // 2, body, 0)
            return 0

        lax.fori_loop(0, nblk, blk, 0)
        plsc.subcore_barrier()
        pltpu.sync_copy(acc.at[pl.ds(sid * rps, rps)],
                        out_hbm.at[pl.ds(cid * n + sid * rps, rps)])

        @pl.when(sid == ns - 1)
        def _():
            pltpu.sync_copy(acc.at[pl.ds(ns * rps, rem)],
                            out_hbm.at[pl.ds(cid * n + ns * rps, rem)])

    return k(src2, dst2, table)


def _full(shape):
    return pl.BlockSpec(shape, lambda i: tuple(0 for _ in shape))


def _mm(a, b):
    return lax.dot_general(a, b, (((1,), (0,)), ((), ())),
                           preferred_element_type=jnp.float32)


def _tc_a(flat, spatial, degp, Wt1, bt1, Wt2, bt2, Wg1, Wa, ba, va):
    n, tin = flat.shape
    nb = n // _BLK

    def body(flat_r, sp_r, degp_r, wt1, bt1r, wt2, bt2r, wg1, wa, bar, var_,
             tf_r, et_r, h1p_r, dis_r):
        deg = 1.0 + jnp.sum(degp_r[0], axis=0)[:, None]
        dis = lax.rsqrt(deg)
        t1 = jnp.maximum(_mm(flat_r[...], wt1[...]) + bt1r[...], 0.0)
        tf = _mm(t1, wt2[...]) + bt2r[...]
        tf_r[...] = tf
        et_r[...] = _mm(jnp.tanh(_mm(tf, wa[...]) + bar[...]), var_[...])
        h1p = dis * _mm(sp_r[...], wg1[...])
        h1p_r[0] = h1p[:, :128]
        h1p_r[1] = h1p[:, 128:]
        dis_r[...] = dis

    return pl.pallas_call(
        body,
        grid=(nb,),
        in_specs=[
            pl.BlockSpec((_BLK, tin), lambda i: (i, 0)),
            pl.BlockSpec((_BLK, 128), lambda i: (i, 0)),
            pl.BlockSpec((1, 32, _BLK), lambda i: (i, 0, 0)),
            _full(Wt1.shape), _full(bt1.shape), _full(Wt2.shape),
            _full(bt2.shape), _full(Wg1.shape), _full(Wa.shape),
            _full(ba.shape), _full(va.shape),
        ],
        out_specs=[
            pl.BlockSpec((_BLK, 256), lambda i: (i, 0)),
            pl.BlockSpec((_BLK, 1), lambda i: (i, 0)),
            pl.BlockSpec((2, _BLK, 128), lambda i: (0, i, 0)),
            pl.BlockSpec((_BLK, 1), lambda i: (i, 0)),
        ],
        out_shape=[
            jax.ShapeDtypeStruct((n, 256), jnp.float32),
            jax.ShapeDtypeStruct((n, 1), jnp.float32),
            jax.ShapeDtypeStruct((2, n, 128), jnp.float32),
            jax.ShapeDtypeStruct((n, 1), jnp.float32),
        ],
    )(flat, spatial, degp, Wt1, bt1, Wt2, bt2, Wg1, Wa, ba, va)


def _tc_b(s1, h1p, dis, bg1, Wg2):
    n = dis.shape[0]
    nb = n // _BLK

    def body(s1_r, h1p_r, dis_r, bg1r, wg2, h2p_r):
        dis = dis_r[...]
        sf = jnp.concatenate([s1_r[0], s1_r[1]], axis=1)
        hf = jnp.concatenate([h1p_r[0], h1p_r[1]], axis=1)
        x1 = jnp.maximum(dis * (sf + hf) + bg1r[...], 0.0)
        h2p = dis * _mm(x1, wg2[...])
        h2p_r[0] = h2p[:, :128]
        h2p_r[1] = h2p[:, 128:]

    return pl.pallas_call(
        body,
        grid=(nb,),
        in_specs=[
            pl.BlockSpec((2, _BLK, 128), lambda i: (0, i, 0)),
            pl.BlockSpec((2, _BLK, 128), lambda i: (0, i, 0)),
            pl.BlockSpec((_BLK, 1), lambda i: (i, 0)),
            _full(bg1.shape), _full(Wg2.shape),
        ],
        out_specs=pl.BlockSpec((2, _BLK, 128), lambda i: (0, i, 0)),
        out_shape=jax.ShapeDtypeStruct((2, n, 128), jnp.float32),
    )(s1, h1p, dis, bg1, Wg2)


def _tc_c(s2, h2p, dis, tf, et, bg2, Wsp, bsp, Wa, ba, va, Wc1, bc1, Wc2,
          bc2):
    n = dis.shape[0]
    nb = n // _BLK
    c = Wc2.shape[1]

    def body(s2_r, h2p_r, dis_r, tf_r, et_r, bg2r, wsp, bspr, wa, bar, var_,
             wc1, bc1r, wc2, bc2r, out_r):
        dis = dis_r[...]
        sf = jnp.concatenate([s2_r[0], s2_r[1]], axis=1)
        hf = jnp.concatenate([h2p_r[0], h2p_r[1]], axis=1)
        x2 = dis * (sf + hf) + bg2r[...]
        s = jnp.maximum(_mm(x2, wsp[...]) + bspr[...], 0.0)
        t = tf_r[...]
        et = et_r[...]
        es = _mm(jnp.tanh(_mm(s, wa[...]) + bar[...]), var_[...])
        m = jnp.maximum(et, es)
        aet = jnp.exp(et - m)
        aes = jnp.exp(es - m)
        fused = (aet * t + aes * s) / (aet + aes)
        h = jnp.maximum(_mm(fused, wc1[...]) + bc1r[...], 0.0)
        out_r[...] = _mm(h, wc2[...]) + bc2r[...]

    return pl.pallas_call(
        body,
        grid=(nb,),
        in_specs=[
            pl.BlockSpec((2, _BLK, 128), lambda i: (0, i, 0)),
            pl.BlockSpec((2, _BLK, 128), lambda i: (0, i, 0)),
            pl.BlockSpec((_BLK, 1), lambda i: (i, 0)),
            pl.BlockSpec((_BLK, 256), lambda i: (i, 0)),
            pl.BlockSpec((_BLK, 1), lambda i: (i, 0)),
            _full(bg2.shape), _full(Wsp.shape), _full(bsp.shape),
            _full(Wa.shape), _full(ba.shape), _full(va.shape),
            _full(Wc1.shape), _full(bc1.shape), _full(Wc2.shape),
            _full(bc2.shape),
        ],
        out_specs=pl.BlockSpec((_BLK, c), lambda i: (i, 0)),
        out_shape=jax.ShapeDtypeStruct((n, c), jnp.float32),
    )(s2, h2p, dis, tf, et, bg2, Wsp, bsp, Wa, ba, va, Wc1, bc1, Wc2, bc2)


def kernel(temporal_input, spatial_input, edge_index, Wt1, bt1, Wt2, bt2,
           Wg1, bg1, Wg2, bg2, Wsp, bsp, Wa, ba, va, Wc1, bc1, Wc2, bc2):
    n = spatial_input.shape[0]
    e = edge_index.shape[1]
    ch = 125
    flat = temporal_input.reshape(n, -1)
    src = edge_index[0]
    dst = edge_index[1]
    src2 = src.reshape(e // ch, ch)
    dst2 = dst.reshape(e // ch, ch)
    degp = _sc_hist(dst, n)
    degp = degp.reshape(32, n // _BLK, _BLK).transpose(1, 0, 2)
    tf, et, h1p, dis = _tc_a(flat, spatial_input, degp, Wt1,
                             bt1.reshape(1, -1), Wt2, bt2.reshape(1, -1),
                             Wg1, Wa, ba.reshape(1, -1), va.reshape(-1, 1))
    s1 = _sc_seg(src2, dst2, h1p.reshape(2 * n, 128), n).reshape(2, n, 128)
    h2p = _tc_b(s1, h1p, dis, bg1.reshape(1, -1), Wg2)
    s2 = _sc_seg(src2, dst2, h2p.reshape(2 * n, 128), n).reshape(2, n, 128)
    logits = _tc_c(s2, h2p, dis, tf, et, bg2.reshape(1, -1), Wsp,
                   bsp.reshape(1, -1), Wa, ba.reshape(1, -1),
                   va.reshape(-1, 1), Wc1, bc1.reshape(1, -1), Wc2,
                   bc2.reshape(1, -1))
    return logits

# --- scband reference (transcript-rebuilt; emitter-appended) ---
"""Pipeline reference for scband-dual-branch-no-dy-sat-17858474016931 (READ-ONLY COPY).

The authoritative reference and input builder live on the scoring server;
editing this copy changes nothing except your own understanding.
"""

import jax, jax.numpy as jnp
import numpy as np

N = 10000
E = 320000
T = 24
TIN = 2
SIN = 128
H = 256
C = 10


def setup_inputs(seed: int = 0) -> dict:
    key = jax.random.key(seed)
    ks = jax.random.split(key, 24)
    s = 0.02
    inp = {}
    inp["temporal_input"] = jax.random.normal(ks[0], (N, T, TIN), jnp.float32)
    inp["spatial_input"] = jax.random.normal(ks[1], (N, SIN), jnp.float32)
    inp["edge_index"] = jax.random.randint(ks[2], (2, E), 0, N, jnp.int32)
    # TemporalBranch params (2-layer MLP over flattened series)
    inp["Wt1"] = s * jax.random.normal(ks[3], (T * TIN, H), jnp.float32)
    inp["bt1"] = jnp.zeros((H,), jnp.float32)
    inp["Wt2"] = s * jax.random.normal(ks[4], (H, H), jnp.float32)
    inp["bt2"] = jnp.zeros((H,), jnp.float32)
    # GCN layers
    inp["Wg1"] = s * jax.random.normal(ks[5], (SIN, H), jnp.float32)
    inp["bg1"] = jnp.zeros((H,), jnp.float32)
    inp["Wg2"] = s * jax.random.normal(ks[6], (H, H), jnp.float32)
    inp["bg2"] = jnp.zeros((H,), jnp.float32)
    # spatial_proj linear
    inp["Wsp"] = s * jax.random.normal(ks[7], (H, H), jnp.float32)
    inp["bsp"] = jnp.zeros((H,), jnp.float32)
    # AttentionFusion params
    inp["Wa"] = s * jax.random.normal(ks[8], (H, H), jnp.float32)
    inp["ba"] = jnp.zeros((H,), jnp.float32)
    inp["va"] = s * jax.random.normal(ks[9], (H,), jnp.float32)
    # classifier
    inp["Wc1"] = s * jax.random.normal(ks[10], (H, H // 2), jnp.float32)
    inp["bc1"] = jnp.zeros((H // 2,), jnp.float32)
    inp["Wc2"] = s * jax.random.normal(ks[11], (H // 2, C), jnp.float32)
    inp["bc2"] = jnp.zeros((C,), jnp.float32)
    return inp


def _gcn_conv(x, edge_index, W, b):
    n = x.shape[0]
    loop = jnp.arange(n, dtype=edge_index.dtype)
    src = jnp.concatenate([edge_index[0], loop])
    dst = jnp.concatenate([edge_index[1], loop])
    deg = jnp.zeros((n,), x.dtype).at[dst].add(1.0)
    dis = jnp.where(deg > 0, jax.lax.rsqrt(jnp.maximum(deg, 1e-12)), 0.0)
    norm = dis[src] * dis[dst]
    h = x @ W
    msg = h[src] * norm[:, None]
    out = jax.ops.segment_sum(msg, dst, num_segments=n)
    return out + b


def reference(temporal_input, spatial_input, edge_index, Wt1, bt1, Wt2, bt2,
              Wg1, bg1, Wg2, bg2, Wsp, bsp, Wa, ba, va, Wc1, bc1, Wc2, bc2):
    # Temporal branch: flatten series -> MLP (dropout = identity in eval)
    flat = temporal_input.reshape(temporal_input.shape[0], -1)
    tf = jax.nn.relu(flat @ Wt1 + bt1)
    temporal_features = tf @ Wt2 + bt2
    # Spatial branch: 2x GCNConv
    x = _gcn_conv(spatial_input, edge_index, Wg1, bg1)
    x = jax.nn.relu(x)
    x = _gcn_conv(x, edge_index, Wg2, bg2)
    spatial_features = jax.nn.relu(x @ Wsp + bsp)
    # AttentionFusion: softmax-weighted combination of the two branches
    stacked = jnp.stack([temporal_features, spatial_features], axis=1)  # [N,2,H]
    e = jnp.tanh(stacked @ Wa + ba) @ va  # [N,2]
    alpha = jax.nn.softmax(e, axis=1)
    fused = jnp.sum(alpha[:, :, None] * stacked, axis=1)  # [N,H]
    # Classifier
    h = jax.nn.relu(fused @ Wc1 + bc1)
    logits = h @ Wc2 + bc2
    return logits

if __name__ == "__main__":
    import jax
    _d = setup_inputs()
    print(jax.jit(kernel)(*tuple(_d.values())))

</pallas_src>

<mosaic_0001>
#map = affine_map<(d0, d1) -> (0, 0)>
module attributes {stable_mosaic.version = 14 : i64} {
  func.func @k(%arg0: i32, %arg1: i32, %arg2: memref<2560x125xi32, #tpu.memory_space<hbm>>, %arg3: memref<2560x125xi32, #tpu.memory_space<hbm>>, %arg4: memref<20000x128xf32, #tpu.memory_space<hbm>>, %arg5: memref<20000x128xf32, #tpu.memory_space<hbm>>, %arg6: memref<2x32x125xi32, #tpu.memory_space<vmem>>, %arg7: memref<2x32x125xi32, #tpu.memory_space<vmem>>, %arg8: memref<125x128xf32, #tpu.memory_space<vmem>>, %arg9: memref<125x128xf32, #tpu.memory_space<vmem>>, %arg10: memref<8x128xf32, #tpu.memory_space<vmem>>, %arg11: memref<10000x128xf32, #tpu.memory_space<vmem_shared>>, %arg12: memref<!tpu.dma_semaphore, #tpu.memory_space<semaphore_mem>>, %arg13: memref<!tpu.dma_semaphore, #tpu.memory_space<semaphore_mem>>, %arg14: memref<!tpu.dma_semaphore, #tpu.memory_space<semaphore_mem>>, %arg15: memref<!tpu.dma_semaphore, #tpu.memory_space<semaphore_mem>>, %arg16: memref<!tpu.dma_semaphore, #tpu.memory_space<semaphore_mem>>) attributes {dimension_semantics = [#tpu.dimension_semantics<core_parallel>, #tpu.dimension_semantics<subcore_parallel>], iteration_bounds = array<i64: 2, 16>, scalar_prefetch = 0 : i64, scratch_operands = 11 : i64, tpu.core_type = #tpu.core_type<sc_vector_subcore>, window_params = [{transform_indices = #map}, {transform_indices = #map}, {transform_indices = #map}, {transform_indices = #map}]} {
    %broadcast_in_dim3A = arith.constant 0.000000e+00 : f32
    %broadcast_in_dim3A_0 = vector.broadcast %broadcast_in_dim3A : f32 to vector<16xf32>
    %swap3A = arith.constant 0 : i32
    %swap3A_1 = arith.index_cast %swap3A : i32 to index
    %swap3A_2 = arith.constant 0 : index
    %swap3A_3 = tpu.vector_load %arg10[%swap3A_1, %swap3A_2] {strides = array<i32>} : memref<8x128xf32, #tpu.memory_space<vmem>>, vector<1x16xf32>,
    %swap3A_4 = vector.shape_cast %swap3A_3 : vector<1x16xf32> to vector<16xf32>
    %swap3A_5 = vector.shape_cast %broadcast_in_dim3A_0 : vector<16xf32> to vector<1x16xf32>
    tpu.vector_store %arg10[%swap3A_1, %swap3A_2], %swap3A_5 {strides = array<i32>} : memref<8x128xf32, #tpu.memory_space<vmem>>, vector<1x16xf32>,
    %swap3A_6 = arith.constant 0 : i32
    %swap3A_7 = arith.index_cast %swap3A_6 : i32 to index
    %swap3A_8 = arith.constant 16 : index
    %swap3A_9 = tpu.vector_load %arg10[%swap3A_7, %swap3A_8] {strides = array<i32>} : memref<8x128xf32, #tpu.memory_space<vmem>>, vector<1x16xf32>,
    %swap3A_10 = vector.shape_cast %swap3A_9 : vector<1x16xf32> to vector<16xf32>
    %swap3A_11 = vector.shape_cast %broadcast_in_dim3A_0 : vector<16xf32> to vector<1x16xf32>
    tpu.vector_store %arg10[%swap3A_7, %swap3A_8], %swap3A_11 {strides = array<i32>} : memref<8x128xf32, #tpu.memory_space<vmem>>, vector<1x16xf32>,
    %swap3A_12 = arith.constant 0 : i32
    %swap3A_13 = arith.index_cast %swap3A_12 : i32 to index
    %swap3A_14 = arith.constant 32 : index
    %swap3A_15 = tpu.vector_load %arg10[%swap3A_13, %swap3A_14] {strides = array<i32>} : memref<8x128xf32, #tpu.memory_space<vmem>>, vector<1x16xf32>,
    %swap3A_16 = vector.shape_cast %swap3A_15 : vector<1x16xf32> to vector<16xf32>
    %swap3A_17 = vector.shape_cast %broadcast_in_dim3A_0 : vector<16xf32> to vector<1x16xf32>
    tpu.vector_store %arg10[%swap3A_13, %swap3A_14], %swap3A_17 {strides = array<i32>} : memref<8x128xf32, #tpu.memory_space<vmem>>, vector<1x16xf32>,
    %swap3A_18 = arith.constant 0 : i32
    %swap3A_19 = arith.index_cast %swap3A_18 : i32 to index
    %swap3A_20 = arith.constant 48 : index
    %swap3A_21 = tpu.vector_load %arg10[%swap3A_19, %swap3A_20] {strides = array<i32>} : memref<8x128xf32, #tpu.memory_space<vmem>>, vector<1x16xf32>,
    %swap3A_22 = vector.shape_cast %swap3A_21 : vector<1x16xf32> to vector<16xf32>
    %swap3A_23 = vector.shape_cast %broadcast_in_dim3A_0 : vector<16xf32> to vector<1x16xf32>
    tpu.vector_store %arg10[%swap3A_19, %swap3A_20], %swap3A_23 {strides = array<i32>} : memref<8x128xf32, #tpu.memory_space<vmem>>, vector<1x16xf32>,
    %swap3A_24 = arith.constant 0 : i32
    %swap3A_25 = arith.index_cast %swap3A_24 : i32 to index
    %swap3A_26 = arith.constant 64 : index
    %swap3A_27 = tpu.vector_load %arg10[%swap3A_25, %swap3A_26] {strides = array<i32>} : memref<8x128xf32, #tpu.memory_space<vmem>>, vector<1x16xf32>,
    %swap3A_28 = vector.shape_cast %swap3A_27 : vector<1x16xf32> to vector<16xf32>
    %swap3A_29 = vector.shape_cast %broadcast_in_dim3A_0 : vector<16xf32> to vector<1x16xf32>
    tpu.vector_store %arg10[%swap3A_25, %swap3A_26], %swap3A_29 {strides = array<i32>} : memref<8x128xf32, #tpu.memory_space<vmem>>, vector<1x16xf32>,
    %swap3A_30 = arith.constant 0 : i32
    %swap3A_31 = arith.index_cast %swap3A_30 : i32 to index
    %swap3A_32 = arith.constant 80 : index
    %swap3A_33 = tpu.vector_load %arg10[%swap3A_31, %swap3A_32] {strides = array<i32>} : memref<8x128xf32, #tpu.memory_space<vmem>>, vector<1x16xf32>,
    %swap3A_34 = vector.shape_cast %swap3A_33 : vector<1x16xf32> to vector<16xf32>
    %swap3A_35 = vector.shape_cast %broadcast_in_dim3A_0 : vector<16xf32> to vector<1x16xf32>
    tpu.vector_store %arg10[%swap3A_31, %swap3A_32], %swap3A_35 {strides = array<i32>} : memref<8x128xf32, #tpu.memory_space<vmem>>, vector<1x16xf32>,
    %swap3A_36 = arith.constant 0 : i32
    %swap3A_37 = arith.index_cast %swap3A_36 : i32 to index
    %swap3A_38 = arith.constant 96 : index
    %swap3A_39 = tpu.vector_load %arg10[%swap3A_37, %swap3A_38] {strides = array<i32>} : memref<8x128xf32, #tpu.memory_space<vmem>>, vector<1x16xf32>,
    %swap3A_40 = vector.shape_cast %swap3A_39 : vector<1x16xf32> to vector<16xf32>
    %swap3A_41 = vector.shape_cast %broadcast_in_dim3A_0 : vector<16xf32> to vector<1x16xf32>
    tpu.vector_store %arg10[%swap3A_37, %swap3A_38], %swap3A_41 {strides = array<i32>} : memref<8x128xf32, #tpu.memory_space<vmem>>, vector<1x16xf32>,
    %swap3A_42 = arith.constant 0 : i32
    %swap3A_43 = arith.index_cast %swap3A_42 : i32 to index
    %swap3A_44 = arith.constant 112 : index
    %swap3A_45 = tpu.vector_load %arg10[%swap3A_43, %swap3A_44] {strides = array<i32>} : memref<8x128xf32, #tpu.memory_space<vmem>>, vector<1x16xf32>,
    %swap3A_46 = vector.shape_cast %swap3A_45 : vector<1x16xf32> to vector<16xf32>
    %swap3A_47 = vector.shape_cast %broadcast_in_dim3A_0 : vector<16xf32> to vector<1x16xf32>
    tpu.vector_store %arg10[%swap3A_43, %swap3A_44], %swap3A_47 {strides = array<i32>} : memref<8x128xf32, #tpu.memory_space<vmem>>, vector<1x16xf32>,
    %swap3A_48 = arith.constant 1 : i32
    %swap3A_49 = arith.index_cast %swap3A_48 : i32 to index
    %swap3A_50 = arith.constant 0 : index
    %swap3A_51 = tpu.vector_load %arg10[%swap3A_49, %swap3A_50] {strides = array<i32>} : memref<8x128xf32, #tpu.memory_space<vmem>>, vector<1x16xf32>,
    %swap3A_52 = vector.shape_cast %swap3A_51 : vector<1x16xf32> to vector<16xf32>
    %swap3A_53 = vector.shape_cast %broadcast_in_dim3A_0 : vector<16xf32> to vector<1x16xf32>
    tpu.vector_store %arg10[%swap3A_49, %swap3A_50], %swap3A_53 {strides = array<i32>} : memref<8x128xf32, #tpu.memory_space<vmem>>, vector<1x16xf32>,
    %swap3A_54 = arith.constant 1 : i32
    %swap3A_55 = arith.index_cast %swap3A_54 : i32 to index
    %swap3A_56 = arith.constant 16 : index
    %swap3A_57 = tpu.vector_load %arg10[%swap3A_55, %swap3A_56] {strides = array<i32>} : memref<8x128xf32, #tpu.memory_space<vmem>>, vector<1x16xf32>,
    %swap3A_58 = vector.shape_cast %swap3A_57 : vector<1x16xf32> to vector<16xf32>
    %swap3A_59 = vector.shape_cast %broadcast_in_dim3A_0 : vector<16xf32> to vector<1x16xf32>
    tpu.vector_store %arg10[%swap3A_55, %swap3A_56], %swap3A_59 {strides = array<i32>} : memref<8x128xf32, #tpu.memory_space<vmem>>, vector<1x16xf32>,
    %swap3A_60 = arith.constant 1 : i32
    %swap3A_61 = arith.index_cast %swap3A_60 : i32 to index
    %swap3A_62 = arith.constant 32 : index
    %swap3A_63 = tpu.vector_load %arg10[%swap3A_61, %swap3A_62] {strides = array<i32>} : memref<8x128xf32, #tpu.memory_space<vmem>>, vector<1x16xf32>,
    %swap3A_64 = vector.shape_cast %swap3A_63 : vector<1x16xf32> to vector<16xf32>
    %swap3A_65 = vector.shape_cast %broadcast_in_dim3A_0 : vector<16xf32> to vector<1x16xf32>
    tpu.vector_store %arg10[%swap3A_61, %swap3A_62], %swap3A_65 {strides = array<i32>} : memref<8x128xf32, #tpu.memory_space<vmem>>, vector<1x16xf32>,
    %swap3A_66 = arith.constant 1 : i32
    %swap3A_67 = arith.index_cast %swap3A_66 : i32 to index
    %swap3A_68 = arith.constant 48 : index
    %swap3A_69 = tpu.vector_load %arg10[%swap3A_67, %swap3A_68] {strides = array<i32>} : memref<8x128xf32, #tpu.memory_space<vmem>>, vector<1x16xf32>,
    %swap3A_70 = vector.shape_cast %swap3A_69 : vector<1x16xf32> to vector<16xf32>
    %swap3A_71 = vector.shape_cast %broadcast_in_dim3A_0 : vector<16xf32> to vector<1x16xf32>
    tpu.vector_store %arg10[%swap3A_67, %swap3A_68], %swap3A_71 {strides = array<i32>} : memref<8x128xf32, #tpu.memory_space<vmem>>, vector<1x16xf32>,
    %swap3A_72 = arith.constant 1 : i32
    %swap3A_73 = arith.index_cast %swap3A_72 : i32 to index
    %swap3A_74 = arith.constant 64 : index
    %swap3A_75 = tpu.vector_load %arg10[%swap3A_73, %swap3A_74] {strides = array<i32>} : memref<8x128xf32, #tpu.memory_space<vmem>>, vector<1x16xf32>,
    %swap3A_76 = vector.shape_cast %swap3A_75 : vector<1x16xf32> to vector<16xf32>
    %swap3A_77 = vector.shape_cast %broadcast_in_dim3A_0 : vector<16xf32> to vector<1x16xf32>
    tpu.vector_store %arg10[%swap3A_73, %swap3A_74], %swap3A_77 {strides = array<i32>} : memref<8x128xf32, #tpu.memory_space<vmem>>, vector<1x16xf32>,
    %swap3A_78 = arith.constant 1 : i32
    %swap3A_79 = arith.index_cast %swap3A_78 : i32 to index
    %swap3A_80 = arith.constant 80 : index
    %swap3A_81 = tpu.vector_load %arg10[%swap3A_79, %swap3A_80] {strides = array<i32>} : memref<8x128xf32, #tpu.memory_space<vmem>>, vector<1x16xf32>,
    %swap3A_82 = vector.shape_cast %swap3A_81 : vector<1x16xf32> to vector<16xf32>
    %swap3A_83 = vector.shape_cast %broadcast_in_dim3A_0 : vector<16xf32> to vector<1x16xf32>
    tpu.vector_store %arg10[%swap3A_79, %swap3A_80], %swap3A_83 {strides = array<i32>} : memref<8x128xf32, #tpu.memory_space<vmem>>, vector<1x16xf32>,
    %swap3A_84 = arith.constant 1 : i32
    %swap3A_85 = arith.index_cast %swap3A_84 : i32 to index
    %swap3A_86 = arith.constant 96 : index
    %swap3A_87 = tpu.vector_load %arg10[%swap3A_85, %swap3A_86] {strides = array<i32>} : memref<8x128xf32, #tpu.memory_space<vmem>>, vector<1x16xf32>,
    %swap3A_88 = vector.shape_cast %swap3A_87 : vector<1x16xf32> to vector<16xf32>
    %swap3A_89 = vector.shape_cast %broadcast_in_dim3A_0 : vector<16xf32> to vector<1x16xf32>
    tpu.vector_store %arg10[%swap3A_85, %swap3A_86], %swap3A_89 {strides = array<i32>} : memref<8x128xf32, #tpu.memory_space<vmem>>, vector<1x16xf32>,
    %swap3A_90 = arith.constant 1 : i32
    %swap3A_91 = arith.index_cast %swap3A_90 : i32 to index
    %swap3A_92 = arith.constant 112 : index
    %swap3A_93 = tpu.vector_load %arg10[%swap3A_91, %swap3A_92] {strides = array<i32>} : memref<8x128xf32, #tpu.memory_space<vmem>>, vector<1x16xf32>,
    %swap3A_94 = vector.shape_cast %swap3A_93 : vector<1x16xf32> to vector<16xf32>
    %swap3A_95 = vector.shape_cast %broadcast_in_dim3A_0 : vector<16xf32> to vector<1x16xf32>
    tpu.vector_store %arg10[%swap3A_91, %swap3A_92], %swap3A_95 {strides = array<i32>} : memref<8x128xf32, #tpu.memory_space<vmem>>, vector<1x16xf32>,
    %swap3A_96 = arith.constant 2 : i32
    %swap3A_97 = arith.index_cast %swap3A_96 : i32 to index
    %swap3A_98 = arith.constant 0 : index
    %swap3A_99 = tpu.vector_load %arg10[%swap3A_97, %swap3A_98] {strides = array<i32>} : memref<8x128xf32, #tpu.memory_space<vmem>>, vector<1x16xf32>,
    %swap3A_100 = vector.shape_cast %swap3A_99 : vector<1x16xf32> to vector<16xf32>
    %swap3A_101 = vector.shape_cast %broadcast_in_dim3A_0 : vector<16xf32> to vector<1x16xf32>
    tpu.vector_store %arg10[%swap3A_97, %swap3A_98], %swap3A_101 {strides = array<i32>} : memref<8x128xf32, #tpu.memory_space<vmem>>, vector<1x16xf32>,
    %swap3A_102 = arith.constant 2 : i32
    %swap3A_103 = arith.index_cast %swap3A_102 : i32 to index
    %swap3A_104 = arith.constant 16 : index
    %swap3A_105 = tpu.vector_load %arg10[%swap3A_103, %swap3A_104] {strides = array<i32>} : memref<8x128xf32, #tpu.memory_space<vmem>>, vector<1x16xf32>,
    %swap3A_106 = vector.shape_cast %swap3A_105 : vector<1x16xf32> to vector<16xf32>
    %swap3A_107 = vector.shape_cast %broadcast_in_dim3A_0 : vector<16xf32> to vector<1x16xf32>
    tpu.vector_store %arg10[%swap3A_103, %swap3A_104], %swap3A_107 {strides = array<i32>} : memref<8x128xf32, #tpu.memory_space<vmem>>, vector<1x16xf32>,
    %swap3A_108 = arith.constant 2 : i32
    %swap3A_109 = arith.index_cast %swap3A_108 : i32 to index
    %swap3A_110 = arith.constant 32 : index
    %swap3A_111 = tpu.vector_load %arg10[%swap3A_109, %swap3A_110] {strides = array<i32>} : memref<8x128xf32, #tpu.memory_space<vmem>>, vector<1x16xf32>,
    %swap3A_112 = vector.shape_cast %swap3A_111 : vector<1x16xf32> to vector<16xf32>
    %swap3A_113 = vector.shape_cast %broadcast_in_dim3A_0 : vector<16xf32> to vector<1x16xf32>
    tpu.vector_store %arg10[%swap3A_109, %swap3A_110], %swap3A_113 {strides = array<i32>} : memref<8x128xf32, #tpu.memory_space<vmem>>, vector<1x16xf32>,
    %swap3A_114 = arith.constant 2 : i32
    %swap3A_115 = arith.index_cast %swap3A_114 : i32 to index
    %swap3A_116 = arith.constant 48 : index
    %swap3A_117 = tpu.vector_load %arg10[%swap3A_115, %swap3A_116] {strides = array<i32>} : memref<8x128xf32, #tpu.memory_space<vmem>>, vector<1x16xf32>,
    %swap3A_118 = vector.shape_cast %swap3A_117 : vector<1x16xf32> to vector<16xf32>
    %swap3A_119 = vector.shape_cast %broadcast_in_dim3A_0 : vector<16xf32> to vector<1x16xf32>
    tpu.vector_store %arg10[%swap3A_115, %swap3A_116], %swap3A_119 {strides = array<i32>} : memref<8x128xf32, #tpu.memory_space<vmem>>, vector<1x16xf32>,
    %swap3A_120 = arith.constant 2 : i32
    %swap3A_121 = arith.index_cast %swap3A_120 : i32 to index
    %swap3A_122 = arith.constant 64 : index
    %swap3A_123 = tpu.vector_load %arg10[%swap3A_121, %swap3A_122] {strides = array<i32>} : memref<8x128xf32, #tpu.memory_space<vmem>>, vector<1x16xf32>,
    %swap3A_124 = vector.shape_cast %swap3A_123 : vector<1x16xf32> to vector<16xf32>
    %swap3A_125 = vector.shape_cast %broadcast_in_dim3A_0 : vector<16xf32> to vector<1x16xf32>
    tpu.vector_store %arg10[%swap3A_121, %swap3A_122], %swap3A_125 {strides = array<i32>} : memref<8x128xf32, #tpu.memory_space<vmem>>, vector<1x16xf32>,
    %swap3A_126 = arith.constant 2 : i32
    %swap3A_127 = arith.index_cast %swap3A_126 : i32 to index
    %swap3A_128 = arith.constant 80 : index
    %swap3A_129 = tpu.vector_load %arg10[%swap3A_127, %swap3A_128] {strides = array<i32>} : memref<8x128xf32, #tpu.memory_space<vmem>>, vector<1x16xf32>,
    %swap3A_130 = vector.shape_cast %swap3A_129 : vector<1x16xf32> to vector<16xf32>
    %swap3A_131 = vector.shape_cast %broadcast_in_dim3A_0 : vector<16xf32> to vector<1x16xf32>
    tpu.vector_store %arg10[%swap3A_127, %swap3A_128], %swap3A_131 {strides = array<i32>} : memref<8x128xf32, #tpu.memory_space<vmem>>, vector<1x16xf32>,
    %swap3A_132 = arith.constant 2 : i32
    %swap3A_133 = arith.index_cast %swap3A_132 : i32 to index
    %swap3A_134 = arith.constant 96 : index
    %swap3A_135 = tpu.vector_load %arg10[%swap3A_133, %swap3A_134] {strides = array<i32>} : memref<8x128xf32, #tpu.memory_space<vmem>>, vector<1x16xf32>,
    %swap3A_136 = vector.shape_cast %swap3A_135 : vector<1x16xf32> to vector<16xf32>
    %swap3A_137 = vector.shape_cast %broadcast_in_dim3A_0 : vector<16xf32> to vector<1x16xf32>
    tpu.vector_store %arg10[%swap3A_133, %swap3A_134], %swap3A_137 {strides = array<i32>} : memref<8x128xf32, #tpu.memory_space<vmem>>, vector<1x16xf32>,
    %swap3A_138 = arith.constant 2 : i32
    %swap3A_139 = arith.index_cast %swap3A_138 : i32 to index
    %swap3A_140 = arith.constant 112 : index
    %swap3A_141 = tpu.vector_load %arg10[%swap3A_139, %swap3A_140] {strides = array<i32>} : memref<8x128xf32, #tpu.memory_space<vmem>>, vector<1x16xf32>,
    %swap3A_142 = vector.shape_cast %swap3A_141 : vector<1x16xf32> to vector<16xf32>
    %swap3A_143 = vector.shape_cast %broadcast_in_dim3A_0 : vector<16xf32> to vector<1x16xf32>
    tpu.vector_store %arg10[%swap3A_139, %swap3A_140], %swap3A_143 {strides = array<i32>} : memref<8x128xf32, #tpu.memory_space<vmem>>, vector<1x16xf32>,
    %swap3A_144 = arith.constant 3 : i32
    %swap3A_145 = arith.index_cast %swap3A_144 : i32 to index
    %swap3A_146 = arith.constant 0 : index
    %swap3A_147 = tpu.vector_load %arg10[%swap3A_145, %swap3A_146] {strides = array<i32>} : memref<8x128xf32, #tpu.memory_space<vmem>>, vector<1x16xf32>,
    %swap3A_148 = vector.shape_cast %swap3A_147 : vector<1x16xf32> to vector<16xf32>
    %swap3A_149 = vector.shape_cast %broadcast_in_dim3A_0 : vector<16xf32> to vector<1x16xf32>
    tpu.vector_store %arg10[%swap3A_145, %swap3A_146], %swap3A_149 {strides = array<i32>} : memref<8x128xf32, #tpu.memory_space<vmem>>, vector<1x16xf32>,
    %swap3A_150 = arith.constant 3 : i32
    %swap3A_151 = arith.index_cast %swap3A_150 : i32 to index
    %swap3A_152 = arith.constant 16 : index
    %swap3A_153 = tpu.vector_load %arg10[%swap3A_151, %swap3A_152] {strides = array<i32>} : memref<8x128xf32, #tpu.memory_space<vmem>>, vector<1x16xf32>,
    %swap3A_154 = vector.shape_cast %swap3A_153 : vector<1x16xf32> to vector<16xf32>
    %swap3A_155 = vector.shape_cast %broadcast_in_dim3A_0 : vector<16xf32> to vector<1x16xf32>
    tpu.vector_store %arg10[%swap3A_151, %swap3A_152], %swap3A_155 {strides = array<i32>} : memref<8x128xf32, #tpu.memory_space<vmem>>, vector<1x16xf32>,
    %swap3A_156 = arith.constant 3 : i32
    %swap3A_157 = arith.index_cast %swap3A_156 : i32 to index
    %swap3A_158 = arith.constant 32 : index
    %swap3A_159 = tpu.vector_load %arg10[%swap3A_157, %swap3A_158] {strides = array<i32>} : memref<8x128xf32, #tpu.memory_space<vmem>>, vector<1x16xf32>,
    %swap3A_160 = vector.shape_cast %swap3A_159 : vector<1x16xf32> to vector<16xf32>
    %swap3A_161 = vector.shape_cast %broadcast_in_dim3A_0 : vector<16xf32> to vector<1x16xf32>
    tpu.vector_store %arg10[%swap3A_157, %swap3A_158], %swap3A_161 {strides = array<i32>} : memref<8x128xf32, #tpu.memory_space<vmem>>, vector<1x16xf32>,
    %swap3A_162 = arith.constant 3 : i32
    %swap3A_163 = arith.index_cast %swap3A_162 : i32 to index
    %swap3A_164 = arith.constant 48 : index
    %swap3A_165 = tpu.vector_load %arg10[%swap3A_163, %swap3A_164] {strides = array<i32>} : memref<8x128xf32, #tpu.memory_space<vmem>>, vector<1x16xf32>,
    %swap3A_166 = vector.shape_cast %swap3A_165 : vector<1x16xf32> to vector<16xf32>
    %swap3A_167 = vector.shape_cast %broadcast_in_dim3A_0 : vector<16xf32> to vector<1x16xf32>
    tpu.vector_store %arg10[%swap3A_163, %swap3A_164], %swap3A_167 {strides = array<i32>} : memref<8x128xf32, #tpu.memory_space<vmem>>, vector<1x16xf32>,
    %swap3A_168 = arith.constant 3 : i32
    %swap3A_169 = arith.index_cast %swap3A_168 : i32 to index
    %swap3A_170 = arith.constant 64 : index
    %swap3A_171 = tpu.vector_load %arg10[%swap3A_169, %swap3A_170] {strides = array<i32>} : memref<8x128xf32, #tpu.memory_space<vmem>>, vector<1x16xf32>,
    %swap3A_172 = vector.shape_cast %swap3A_171 : vector<1x16xf32> to vector<16xf32>
    %swap3A_173 = vector.shape_cast %broadcast_in_dim3A_0 : vector<16xf32> to vector<1x16xf32>
    tpu.vector_store %arg10[%swap3A_169, %swap3A_170], %swap3A_173 {strides = array<i32>} : memref<8x128xf32, #tpu.memory_space<vmem>>, vector<1x16xf32>,
    %swap3A_174 = arith.constant 3 : i32
    %swap3A_175 = arith.index_cast %swap3A_174 : i32 to index
    %swap3A_176 = arith.constant 80 : index
    %swap3A_177 = tpu.vector_load %arg10[%swap3A_175, %swap3A_176] {strides = array<i32>} : memref<8x128xf32, #tpu.memory_space<vmem>>, vector<1x16xf32>,
    %swap3A_178 = vector.shape_cast %swap3A_177 : vector<1x16xf32> to vector<16xf32>
    %swap3A_179 = vector.shape_cast %broadcast_in_dim3A_0 : vector<16xf32> to vector<1x16xf32>
    tpu.vector_store %arg10[%swap3A_175, %swap3A_176], %swap3A_179 {strides = array<i32>} : memref<8x128xf32, #tpu.memory_space<vmem>>, vector<1x16xf32>,
    %swap3A_180 = arith.constant 3 : i32
    %swap3A_181 = arith.index_cast %swap3A_180 : i32 to index
    %swap3A_182 = arith.constant 96 : index
    %swap3A_183 = tpu.vector_load %arg10[%swap3A_181, %swap3A_182] {strides = array<i32>} : memref<8x128xf32, #tpu.memory_space<vmem>>, vector<1x16xf32>,
    %swap3A_184 = vector.shape_cast %swap3A_183 : vector<1x16xf32> to vector<16xf32>
    %swap3A_185 = vector.shape_cast %broadcast_in_dim3A_0 : vector<16xf32> to vector<1x16xf32>
    tpu.vector_store %arg10[%swap3A_181, %swap3A_182], %swap3A_185 {strides = array<i32>} : memref<8x128xf32, #tpu.memory_space<vmem>>, vector<1x16xf32>,
    %swap3A_186 = arith.constant 3 : i32
    %swap3A_187 = arith.index_cast %swap3A_186 : i32 to index
    %swap3A_188 = arith.constant 112 : index
    %swap3A_189 = tpu.vector_load %arg10[%swap3A_187, %swap3A_188] {strides = array<i32>} : memref<8x128xf32, #tpu.memory_space<vmem>>, vector<1x16xf32>,
    %swap3A_190 = vector.shape_cast %swap3A_189 : vector<1x16xf32> to vector<16xf32>
    %swap3A_191 = vector.shape_cast %broadcast_in_dim3A_0 : vector<16xf32> to vector<1x16xf32>
    tpu.vector_store %arg10[%swap3A_187, %swap3A_188], %swap3A_191 {strides = array<i32>} : memref<8x128xf32, #tpu.memory_space<vmem>>, vector<1x16xf32>,
    %swap3A_192 = arith.constant 4 : i32
    %swap3A_193 = arith.index_cast %swap3A_192 : i32 to index
    %swap3A_194 = arith.constant 0 : index
    %swap3A_195 = tpu.vector_load %arg10[%swap3A_193, %swap3A_194] {strides = array<i32>} : memref<8x128xf32, #tpu.memory_space<vmem>>, vector<1x16xf32>,
    %swap3A_196 = vector.shape_cast %swap3A_195 : vector<1x16xf32> to vector<16xf32>
    %swap3A_197 = vector.shape_cast %broadcast_in_dim3A_0 : vector<16xf32> to vector<1x16xf32>
    tpu.vector_store %arg10[%swap3A_193, %swap3A_194], %swap3A_197 {strides = array<i32>} : memref<8x128xf32, #tpu.memory_space<vmem>>, vector<1x16xf32>,
    %swap3A_198 = arith.constant 4 : i32
    %swap3A_199 = arith.index_cast %swap3A_198 : i32 to index
    %swap3A_200 = arith.constant 16 : index
    %swap3A_201 = tpu.vector_load %arg10[%swap3A_199, %swap3A_200] {strides = array<i32>} : memref<8x128xf32, #tpu.memory_space<vmem>>, vector<1x16xf32>,
    %swap3A_202 = vector.shape_cast %swap3A_201 : vector<1x16xf32> to vector<16xf32>
    %swap3A_203 = vector.shape_cast %broadcast_in_dim3A_0 : vector<16xf32> to vector<1x16xf32>
    tpu.vector_store %arg10[%swap3A_199, %swap3A_200], %swap3A_203 {strides = array<i32>} : memref<8x128xf32, #tpu.memory_space<vmem>>, vector<1x16xf32>,
    %swap3A_204 = arith.constant 4 : i32
    %swap3A_205 = arith.index_cast %swap3A_204 : i32 to index
    %swap3A_206 = arith.constant 32 : index
    %swap3A_207 = tpu.vector_load %arg10[%swap3A_205, %swap3A_206] {strides = array<i32>} : memref<8x128xf32, #tpu.memory_space<vmem>>, vector<1x16xf32>,
    %swap3A_208 = vector.shape_cast %swap3A_207 : vector<1x16xf32> to vector<16xf32>
    %swap3A_209 = vector.shape_cast %broadcast_in_dim3A_0 : vector<16xf32> to vector<1x16xf32>
    tpu.vector_store %arg10[%swap3A_205, %swap3A_206], %swap3A_209 {strides = array<i32>} : memref<8x128xf32, #tpu.memory_space<vmem>>, vector<1x16xf32>,
    %swap3A_210 = arith.constant 4 : i32
    %swap3A_211 = arith.index_cast %swap3A_210 : i32 to index
    %swap3A_212 = arith.constant 48 : index
    %swap3A_213 = tpu.vector_load %arg10[%swap3A_211, %swap3A_212] {strides = array<i32>} : memref<8x128xf32, #tpu.memory_space<vmem>>, vector<1x16xf32>,
    %swap3A_214 = vector.shape_cast %swap3A_213 : vector<1x16xf32> to vector<16xf32>
    %swap3A_215 = vector.shape_cast %broadcast_in_dim3A_0 : vector<16xf32> to vector<1x16xf32>
    tpu.vector_store %arg10[%swap3A_211, %swap3A_212], %swap3A_215 {strides = array<i32>} : memref<8x128xf32, #tpu.memory_space<vmem>>, vector<1x16xf32>,
    %swap3A_216 = arith.constant 4 : i32
    %swap3A_217 = arith.index_cast %swap3A_216 : i32 to index
    %swap3A_218 = arith.constant 64 : index
    %swap3A_219 = tpu.vector_load %arg10[%swap3A_217, %swap3A_218] {strides = array<i32>} : memref<8x128xf32, #tpu.memory_space<vmem>>, vector<1x16xf32>,
    %swap3A_220 = vector.shape_cast %swap3A_219 : vector<1x16xf32> to vector<16xf32>
    %swap3A_221 = vector.shape_cast %broadcast_in_dim3A_0 : vector<16xf32> to vector<1x16xf32>
    tpu.vector_store %arg10[%swap3A_217, %swap3A_218], %swap3A_221 {strides = array<i32>} : memref<8x128xf32, #tpu.memory_space<vmem>>, vector<1x16xf32>,
    %swap3A_222 = arith.constant 4 : i32
    %swap3A_223 = arith.index_cast %swap3A_222 : i32 to index
    %swap3A_224 = arith.constant 80 : index
    %swap3A_225 = tpu.vector_load %arg10[%swap3A_223, %swap3A_224] {strides = array<i32>} : memref<8x128xf32, #tpu.memory_space<vmem>>, vector<1x16xf32>,
    %swap3A_226 = vector.shape_cast %swap3A_225 : vector<1x16xf32> to vector<16xf32>
    %swap3A_227 = vector.shape_cast %broadcast_in_dim3A_0 : vector<16xf32> to vector<1x16xf32>
    tpu.vector_store %arg10[%swap3A_223, %swap3A_224], %swap3A_227 {strides = array<i32>} : memref<8x128xf32, #tpu.memory_space<vmem>>, vector<1x16xf32>,
    %swap3A_228 = arith.constant 4 : i32
    %swap3A_229 = arith.index_cast %swap3A_228 : i32 to index
    %swap3A_230 = arith.constant 96 : index
    %swap3A_231 = tpu.vector_load %arg10[%swap3A_229, %swap3A_230] {strides = array<i32>} : memref<8x128xf32, #tpu.memory_space<vmem>>, vector<1x16xf32>,
    %swap3A_232 = vector.shape_cast %swap3A_231 : vector<1x16xf32> to vector<16xf32>
    %swap3A_233 = vector.shape_cast %broadcast_in_dim3A_0 : vector<16xf32> to vector<1x16xf32>
    tpu.vector_store %arg10[%swap3A_229, %swap3A_230], %swap3A_233 {strides = array<i32>} : memref<8x128xf32, #tpu.memory_space<vmem>>, vector<1x16xf32>,
    %swap3A_234 = arith.constant 4 : i32
    %swap3A_235 = arith.index_cast %swap3A_234 : i32 to index
    %swap3A_236 = arith.constant 112 : index
    %swap3A_237 = tpu.vector_load %arg10[%swap3A_235, %swap3A_236] {strides = array<i32>} : memref<8x128xf32, #tpu.memory_space<vmem>>, vector<1x16xf32>,
    %swap3A_238 = vector.shape_cast %swap3A_237 : vector<1x16xf32> to vector<16xf32>
    %swap3A_239 = vector.shape_cast %broadcast_in_dim3A_0 : vector<16xf32> to vector<1x16xf32>
    tpu.vector_store %arg10[%swap3A_235, %swap3A_236], %swap3A_239 {strides = array<i32>} : memref<8x128xf32, #tpu.memory_space<vmem>>, vector<1x16xf32>,
    %swap3A_240 = arith.constant 5 : i32
    %swap3A_241 = arith.index_cast %swap3A_240 : i32 to index
    %swap3A_242 = arith.constant 0 : index
    %swap3A_243 = tpu.vector_load %arg10[%swap3A_241, %swap3A_242] {strides = array<i32>} : memref<8x128xf32, #tpu.memory_space<vmem>>, vector<1x16xf32>,
    %swap3A_244 = vector.shape_cast %swap3A_243 : vector<1x16xf32> to vector<16xf32>
    %swap3A_245 = vector.shape_cast %broadcast_in_dim3A_0 : vector<16xf32> to vector<1x16xf32>
    tpu.vector_store %arg10[%swap3A_241, %swap3A_242], %swap3A_245 {strides = array<i32>} : memref<8x128xf32, #tpu.memory_space<vmem>>, vector<1x16xf32>,
    %swap3A_246 = arith.constant 5 : i32
    %swap3A_247 = arith.index_cast %swap3A_246 : i32 to index
    %swap3A_248 = arith.constant 16 : index
    %swap3A_249 = tpu.vector_load %arg10[%swap3A_247, %swap3A_248] {strides = array<i32>} : memref<8x128xf32, #tpu.memory_space<vmem>>, vector<1x16xf32>,
    %swap3A_250 = vector.shape_cast %swap3A_249 : vector<1x16xf32> to vector<16xf32>
    %swap3A_251 = vector.shape_cast %broadcast_in_dim3A_0 : vector<16xf32> to vector<1x16xf32>
    tpu.vector_store %arg10[%swap3A_247, %swap3A_248], %swap3A_251 {strides = array<i32>} : memref<8x128xf32, #tpu.memory_space<vmem>>, vector<1x16xf32>,
    %swap3A_252 = arith.constant 5 : i32
    %swap3A_253 = arith.index_cast %swap3A_252 : i32 to index
    %swap3A_254 = arith.constant 32 : index
    %swap3A_255 = tpu.vector_load %arg10[%swap3A_253, %swap3A_254] {strides = array<i32>} : memref<8x128xf32, #tpu.memory_space<vmem>>, vector<1x16xf32>,
    %swap3A_256 = vector.shape_cast %swap3A_255 : vector<1x16xf32> to vector<16xf32>
    %swap3A_257 = vector.shape_cast %broadcast_in_dim3A_0 : vector<16xf32> to vector<1x16xf32>
    tpu.vector_store %arg10[%swap3A_253, %swap3A_254], %swap3A_257 {strides = array<i32>} : memref<8x128xf32, #tpu.memory_space<vmem>>, vector<1x16xf32>,
    %swap3A_258 = arith.constant 5 : i32
    %swap3A_259 = arith.index_cast %swap3A_258 : i32 to index
    %swap3A_260 = arith.constant 48 : index
    %swap3A_261 = tpu.vector_load %arg10[%swap3A_259, %swap3A_260] {strides = array<i32>} : memref<8x128xf32, #tpu.memory_space<vmem>>, vector<1x16xf32>,
    %swap3A_262 = vector.shape_cast %swap3A_261 : vector<1x16xf32> to vector<16xf32>
    %swap3A_263 = vector.shape_cast %broadcast_in_dim3A_0 : vector<16xf32> to vector<1x16xf32>
    tpu.vector_store %arg10[%swap3A_259, %swap3A_260], %swap3A_263 {strides = array<i32>} : memref<8x128xf32, #tpu.memory_space<vmem>>, vector<1x16xf32>,
    %swap3A_264 = arith.constant 5 : i32
    %swap3A_265 = arith.index_cast %swap3A_264 : i32 to index
    %swap3A_266 = arith.constant 64 : index
    %swap3A_267 = tpu.vector_load %arg10[%swap3A_265, %swap3A_266] {strides = array<i32>} : memref<8x128xf32, #tpu.memory_space<vmem>>, vector<1x16xf32>,
    %swap3A_268 = vector.shape_cast %swap3A_267 : vector<1x16xf32> to vector<16xf32>
    %swap3A_269 = vector.shape_cast %broadcast_in_dim3A_0 : vector<16xf32> to vector<1x16xf32>
    tpu.vector_store %arg10[%swap3A_265, %swap3A_266], %swap3A_269 {strides = array<i32>} : memref<8x128xf32, #tpu.memory_space<vmem>>, vector<1x16xf32>,
    %swap3A_270 = arith.constant 5 : i32
    %swap3A_271 = arith.index_cast %swap3A_270 : i32 to index
    %swap3A_272 = arith.constant 80 : index
    %swap3A_273 = tpu.vector_load %arg10[%swap3A_271, %swap3A_272] {strides = array<i32>} : memref<8x128xf32, #tpu.memory_space<vmem>>, vector<1x16xf32>,
    %swap3A_274 = vector.shape_cast %swap3A_273 : vector<1x16xf32> to vector<16xf32>
    %swap3A_275 = vector.shape_cast %broadcast_in_dim3A_0 : vector<16xf32> to vector<1x16xf32>
    tpu.vector_store %arg10[%swap3A_271, %swap3A_272], %swap3A_275 {strides = array<i32>} : memref<8x128xf32, #tpu.memory_space<vmem>>, vector<1x16xf32>,
    %swap3A_276 = arith.constant 5 : i32
    %swap3A_277 = arith.index_cast %swap3A_276 : i32 to index
    %swap3A_278 = arith.constant 96 : index
    %swap3A_279 = tpu.vector_load %arg10[%swap3A_277, %swap3A_278] {strides = array<i32>} : memref<8x128xf32, #tpu.memory_space<vmem>>, vector<1x16xf32>,
    %swap3A_280 = vector.shape_cast %swap3A_279 : vector<1x16xf32> to vector<16xf32>
    %swap3A_281 = vector.shape_cast %broadcast_in_dim3A_0 : vector<16xf32> to vector<1x16xf32>
    tpu.vector_store %arg10[%swap3A_277, %swap3A_278], %swap3A_281 {strides = array<i32>} : memref<8x128xf32, #tpu.memory_space<vmem>>, vector<1x16xf32>,
    %swap3A_282 = arith.constant 5 : i32
    %swap3A_283 = arith.index_cast %swap3A_282 : i32 to index
    %swap3A_284 = arith.constant 112 : index
    %swap3A_285 = tpu.vector_load %arg10[%swap3A_283, %swap3A_284] {strides = array<i32>} : memref<8x128xf32, #tpu.memory_space<vmem>>, vector<1x16xf32>,
    %swap3A_286 = vector.shape_cast %swap3A_285 : vector<1x16xf32> to vector<16xf32>
    %swap3A_287 = vector.shape_cast %broadcast_in_dim3A_0 : vector<16xf32> to vector<1x16xf32>
    tpu.vector_store %arg10[%swap3A_283, %swap3A_284], %swap3A_287 {strides = array<i32>} : memref<8x128xf32, #tpu.memory_space<vmem>>, vector<1x16xf32>,
    %swap3A_288 = arith.constant 6 : i32
    %swap3A_289 = arith.index_cast %swap3A_288 : i32 to index
    %swap3A_290 = arith.constant 0 : index
    %swap3A_291 = tpu.vector_load %arg10[%swap3A_289, %swap3A_290] {strides = array<i32>} : memref<8x128xf32, #tpu.memory_space<vmem>>, vector<1x16xf32>,
    %swap3A_292 = vector.shape_cast %swap3A_291 : vector<1x16xf32> to vector<16xf32>
    %swap3A_293 = vector.shape_cast %broadcast_in_dim3A_0 : vector<16xf32> to vector<1x16xf32>
    tpu.vector_store %arg10[%swap3A_289, %swap3A_290], %swap3A_293 {strides = array<i32>} : memref<8x128xf32, #tpu.memory_space<vmem>>, vector<1x16xf32>,
    %swap3A_294 = arith.constant 6 : i32
    %swap3A_295 = arith.index_cast %swap3A_294 : i32 to index
    %swap3A_296 = arith.constant 16 : index
    %swap3A_297 = tpu.vector_load %arg10[%swap3A_295, %swap3A_296] {strides = array<i32>} : memref<8x128xf32, #tpu.memory_space<vmem>>, vector<1x16xf32>,
    %swap3A_298 = vector.shape_cast %swap3A_297 : vector<1x16xf32> to vector<16xf32>
    %swap3A_299 = vector.shape_cast %broadcast_in_dim3A_0 : vector<16xf32> to vector<1x16xf32>
    tpu.vector_store %arg10[%swap3A_295, %swap3A_296], %swap3A_299 {strides = array<i32>} : memref<8x128xf32, #tpu.memory_space<vmem>>, vector<1x16xf32>,
    %swap3A_300 = arith.constant 6 : i32
    %swap3A_301 = arith.index_cast %swap3A_300 : i32 to index
    %swap3A_302 = arith.constant 32 : index
    %swap3A_303 = tpu.vector_load %arg10[%swap3A_301, %swap3A_302] {strides = array<i32>} : memref<8x128xf32, #tpu.memory_space<vmem>>, vector<1x16xf32>,
    %swap3A_304 = vector.shape_cast %swap3A_303 : vector<1x16xf32> to vector<16xf32>
    %swap3A_305 = vector.shape_cast %broadcast_in_dim3A_0 : vector<16xf32> to vector<1x16xf32>
    tpu.vector_store %arg10[%swap3A_301, %swap3A_302], %swap3A_305 {strides = array<i32>} : memref<8x128xf32, #tpu.memory_space<vmem>>, vector<1x16xf32>,
    %swap3A_306 = arith.constant 6 : i32
    %swap3A_307 = arith.index_cast %swap3A_306 : i32 to index
    %swap3A_308 = arith.constant 48 : index
    %swap3A_309 = tpu.vector_load %arg10[%swap3A_307, %swap3A_308] {strides = array<i32>} : memref<8x128xf32, #tpu.memory_space<vmem>>, vector<1x16xf32>,
    %swap3A_310 = vector.shape_cast %swap3A_309 : vector<1x16xf32> to vector<16xf32>
    %swap3A_311 = vector.shape_cast %broadcast_in_dim3A_0 : vector<16xf32> to vector<1x16xf32>
    tpu.vector_store %arg10[%swap3A_307, %swap3A_308], %swap3A_311 {strides = array<i32>} : memref<8x128xf32, #tpu.memory_space<vmem>>, vector<1x16xf32>,
    %swap3A_312 = arith.constant 6 : i32
    %swap3A_313 = arith.index_cast %swap3A_312 : i32 to index
    %swap3A_314 = arith.constant 64 : index
    %swap3A_315 = tpu.vector_load %arg10[%swap3A_313, %swap3A_314] {strides = array<i32>} : memref<8x128xf32, #tpu.memory_space<vmem>>, vector<1x16xf32>,
    %swap3A_316 = vector.shape_cast %swap3A_315 : vector<1x16xf32> to vector<16xf32>
    %swap3A_317 = vector.shape_cast %broadcast_in_dim3A_0 : vector<16xf32> to vector<1x16xf32>
    tpu.vector_store %arg10[%swap3A_313, %swap3A_314], %swap3A_317 {strides = array<i32>} : memref<8x128xf32, #tpu.memory_space<vmem>>, vector<1x16xf32>,
    %swap3A_318 = arith.constant 6 : i32
    %swap3A_319 = arith.index_cast %swap3A_318 : i32 to index
    %swap3A_320 = arith.constant 80 : index
    %swap3A_321 = tpu.vector_load %arg10[%swap3A_319, %swap3A_320] {strides = array<i32>} : memref<8x128xf32, #tpu.memory_space<vmem>>, vector<1x16xf32>,
    %swap3A_322 = vector.shape_cast %swap3A_321 : vector<1x16xf32> to vector<16xf32>
    %swap3A_323 = vector.shape_cast %broadcast_in_dim3A_0 : vector<16xf32> to vector<1x16xf32>
    tpu.vector_store %arg10[%swap3A_319, %swap3A_320], %swap3A_323 {strides = array<i32>} : memref<8x128xf32, #tpu.memory_space<vmem>>, vector<1x16xf32>,
    %swap3A_324 = arith.constant 6 : i32
    %swap3A_325 = arith.index_cast %swap3A_324 : i32 to index
    %swap3A_326 = arith.constant 96 : index
    %swap3A_327 = tpu.vector_load %arg10[%swap3A_325, %swap3A_326] {strides = array<i32>} : memref<8x128xf32, #tpu.memory_space<vmem>>, vector<1x16xf32>,
    %swap3A_328 = vector.shape_cast %swap3A_327 : vector<1x16xf32> to vector<16xf32>
    %swap3A_329 = vector.shape_cast %broadcast_in_dim3A_0 : vector<16xf32> to vector<1x16xf32>
    tpu.vector_store %arg10[%swap3A_325, %swap3A_326], %swap3A_329 {strides = array<i32>} : memref<8x128xf32, #tpu.memory_space<vmem>>, vector<1x16xf32>,
    %swap3A_330 = arith.constant 6 : i32
    %swap3A_331 = arith.index_cast %swap3A_330 : i32 to index
    %swap3A_332 = arith.constant 112 : index
    %swap3A_333 = tpu.vector_load %arg10[%swap3A_331, %swap3A_332] {strides = array<i32>} : memref<8x128xf32, #tpu.memory_space<vmem>>, vector<1x16xf32>,
    %swap3A_334 = vector.shape_cast %swap3A_333 : vector<1x16xf32> to vector<16xf32>
    %swap3A_335 = vector.shape_cast %broadcast_in_dim3A_0 : vector<16xf32> to vector<1x16xf32>
    tpu.vector_store %arg10[%swap3A_331, %swap3A_332], %swap3A_335 {strides = array<i32>} : memref<8x128xf32, #tpu.memory_space<vmem>>, vector<1x16xf32>,
    %swap3A_336 = arith.constant 7 : i32
    %swap3A_337 = arith.index_cast %swap3A_336 : i32 to index
    %swap3A_338 = arith.constant 0 : index
    %swap3A_339 = tpu.vector_load %arg10[%swap3A_337, %swap3A_338] {strides = array<i32>} : memref<8x128xf32, #tpu.memory_space<vmem>>, vector<1x16xf32>,
    %swap3A_340 = vector.shape_cast %swap3A_339 : vector<1x16xf32> to vector<16xf32>
    %swap3A_341 = vector.shape_cast %broadcast_in_dim3A_0 : vector<16xf32> to vector<1x16xf32>
    tpu.vector_store %arg10[%swap3A_337, %swap3A_338], %swap3A_341 {strides = array<i32>} : memref<8x128xf32, #tpu.memory_space<vmem>>, vector<1x16xf32>,
    %swap3A_342 = arith.constant 7 : i32
    %swap3A_343 = arith.index_cast %swap3A_342 : i32 to index
    %swap3A_344 = arith.constant 16 : index
    %swap3A_345 = tpu.vector_load %arg10[%swap3A_343, %swap3A_344] {strides = array<i32>} : memref<8x128xf32, #tpu.memory_space<vmem>>, vector<1x16xf32>,
    %swap3A_346 = vector.shape_cast %swap3A_345 : vector<1x16xf32> to vector<16xf32>
    %swap3A_347 = vector.shape_cast %broadcast_in_dim3A_0 : vector<16xf32> to vector<1x16xf32>
    tpu.vector_store %arg10[%swap3A_343, %swap3A_344], %swap3A_347 {strides = array<i32>} : memref<8x128xf32, #tpu.memory_space<vmem>>, vector<1x16xf32>,
    %swap3A_348 = arith.constant 7 : i32
    %swap3A_349 = arith.index_cast %swap3A_348 : i32 to index
    %swap3A_350 = arith.constant 32 : index
    %swap3A_351 = tpu.vector_load %arg10[%swap3A_349, %swap3A_350] {strides = array<i32>} : memref<8x128xf32, #tpu.memory_space<vmem>>, vector<1x16xf32>,
    %swap3A_352 = vector.shape_cast %swap3A_351 : vector<1x16xf32> to vector<16xf32>
    %swap3A_353 = vector.shape_cast %broadcast_in_dim3A_0 : vector<16xf32> to vector<1x16xf32>
    tpu.vector_store %arg10[%swap3A_349, %swap3A_350], %swap3A_353 {strides = array<i32>} : memref<8x128xf32, #tpu.memory_space<vmem>>, vector<1x16xf32>,
    %swap3A_354 = arith.constant 7 : i32
    %swap3A_355 = arith.index_cast %swap3A_354 : i32 to index
    %swap3A_356 = arith.constant 48 : index
    %swap3A_357 = tpu.vector_load %arg10[%swap3A_355, %swap3A_356] {strides = array<i32>} : memref<8x128xf32, #tpu.memory_space<vmem>>, vector<1x16xf32>,
    %swap3A_358 = vector.shape_cast %swap3A_357 : vector<1x16xf32> to vector<16xf32>
    %swap3A_359 = vector.shape_cast %broadcast_in_dim3A_0 : vector<16xf32> to vector<1x16xf32>
    tpu.vector_store %arg10[%swap3A_355, %swap3A_356], %swap3A_359 {strides = array<i32>} : memref<8x128xf32, #tpu.memory_space<vmem>>, vector<1x16xf32>,
    %swap3A_360 = arith.constant 7 : i32
    %swap3A_361 = arith.index_cast %swap3A_360 : i32 to index
    %swap3A_362 = arith.constant 64 : index
    %swap3A_363 = tpu.vector_load %arg10[%swap3A_361, %swap3A_362] {strides = array<i32>} : memref<8x128xf32, #tpu.memory_space<vmem>>, vector<1x16xf32>,
    %swap3A_364 = vector.shape_cast %swap3A_363 : vector<1x16xf32> to vector<16xf32>
    %swap3A_365 = vector.shape_cast %broadcast_in_dim3A_0 : vector<16xf32> to vector<1x16xf32>
    tpu.vector_store %arg10[%swap3A_361, %swap3A_362], %swap3A_365 {strides = array<i32>} : memref<8x128xf32, #tpu.memory_space<vmem>>, vector<1x16xf32>,
    %swap3A_366 = arith.constant 7 : i32
    %swap3A_367 = arith.index_cast %swap3A_366 : i32 to index
    %swap3A_368 = arith.constant 80 : index
    %swap3A_369 = tpu.vector_load %arg10[%swap3A_367, %swap3A_368] {strides = array<i32>} : memref<8x128xf32, #tpu.memory_space<vmem>>, vector<1x16xf32>,
    %swap3A_370 = vector.shape_cast %swap3A_369 : vector<1x16xf32> to vector<16xf32>
    %swap3A_371 = vector.shape_cast %broadcast_in_dim3A_0 : vector<16xf32> to vector<1x16xf32>
    tpu.vector_store %arg10[%swap3A_367, %swap3A_368], %swap3A_371 {strides = array<i32>} : memref<8x128xf32, #tpu.memory_space<vmem>>, vector<1x16xf32>,
    %swap3A_372 = arith.constant 7 : i32
    %swap3A_373 = arith.index_cast %swap3A_372 : i32 to index
    %swap3A_374 = arith.constant 96 : index
    %swap3A_375 = tpu.vector_load %arg10[%swap3A_373, %swap3A_374] {strides = array<i32>} : memref<8x128xf32, #tpu.memory_space<vmem>>, vector<1x16xf32>,
    %swap3A_376 = vector.shape_cast %swap3A_375 : vector<1x16xf32> to vector<16xf32>
    %swap3A_377 = vector.shape_cast %broadcast_in_dim3A_0 : vector<16xf32> to vector<1x16xf32>
    tpu.vector_store %arg10[%swap3A_373, %swap3A_374], %swap3A_377 {strides = array<i32>} : memref<8x128xf32, #tpu.memory_space<vmem>>, vector<1x16xf32>,
    %swap3A_378 = arith.constant 7 : i32
    %swap3A_379 = arith.index_cast %swap3A_378 : i32 to index
    %swap3A_380 = arith.constant 112 : index
    %swap3A_381 = tpu.vector_load %arg10[%swap3A_379, %swap3A_380] {strides = array<i32>} : memref<8x128xf32, #tpu.memory_space<vmem>>, vector<1x16xf32>,
    %swap3A_382 = vector.shape_cast %swap3A_381 : vector<1x16xf32> to vector<16xf32>
    %swap3A_383 = vector.shape_cast %broadcast_in_dim3A_0 : vector<16xf32> to vector<1x16xf32>
    tpu.vector_store %arg10[%swap3A_379, %swap3A_380], %swap3A_383 {strides = array<i32>} : memref<8x128xf32, #tpu.memory_space<vmem>>, vector<1x16xf32>,
    %scan3A = arith.constant 0 : i32
    %scan3A_384 = arith.constant 0 : i32
    %scan3A_385 = arith.constant 78 : i32
    %scan3A_386 = arith.addi %scan3A_384, %scan3A_385 : i32
    %scan3A_387 = arith.constant 1 : i32
    %scan3A_388 = scf.for %scan3A_415 = %scan3A_384 to %scan3A_386 step %scan3A_387 iter_args(%scan3A_416 = %scan3A) -> (i32)  : i32 {
      %mul3A_417 = arith.constant 624 : i32
      %mul3A_418 = arith.muli %arg1, %mul3A_417 : i32
      %mul3A_419 = arith.constant 8 : i32
      %mul3A_420 = arith.muli %scan3A_415, %mul3A_419 : i32
      %add3A_421 = arith.addi %mul3A_418, %mul3A_420 : i32
      "tpu.region"() ({
        %run_scoped3A_423 = tpu.sem_alloc : memref<!tpu.dma_semaphore, #tpu.memory_space<semaphore_mem>>
        %dma_start3A = arith.constant 0 : i32
        %dma_start3A_424 = tpu.memref_slice %arg11[%add3A_421, %dma_start3A] : memref<10000x128xf32, #tpu.memory_space<vmem_shared>> -> memref<8x128xf32, #tpu.memory_space<vmem_shared>>
        %dma_start3A_425 = arith.constant 0 : i32
        %dma_start3A_426 = tpu.memref_slice %arg11[%add3A_421, %dma_start3A_425] : memref<10000x128xf32, #tpu.memory_space<vmem_shared>> -> memref<8x128xf32, #tpu.memory_space<vmem_shared>>
        tpu.enqueue_dma source(%arg10 : memref<8x128xf32, #tpu.memory_space<vmem>>) target(%dma_start3A_426 : memref<8x128xf32, #tpu.memory_space<vmem_shared>>) target_semaphore(%run_scoped3A_423 : memref<!tpu.dma_semaphore, #tpu.memory_space<semaphore_mem>>)
        %dma_wait3A = arith.constant 0 : i32
        %dma_wait3A_427 = tpu.memref_slice %arg11[%add3A_421, %dma_wait3A] : memref<10000x128xf32, #tpu.memory_space<vmem_shared>> -> memref<8x128xf32, #tpu.memory_space<vmem_shared>>
        %dma_wait3A_428 = arith.constant 0 : i32
        %dma_wait3A_429 = tpu.memref_slice %arg11[%add3A_421, %dma_wait3A_428] : memref<10000x128xf32, #tpu.memory_space<vmem_shared>> -> memref<8x128xf32, #tpu.memory_space<vmem_shared>>
        tpu.wait_dma2 semaphore(%run_scoped3A_423 : memref<!tpu.dma_semaphore, #tpu.memory_space<semaphore_mem>>) src(%arg10 : memref<8x128xf32, #tpu.memory_space<vmem>>) dst(%dma_wait3A_429 : memref<8x128xf32, #tpu.memory_space<vmem_shared>>)
        tpu.yield
      }) : () -> ()
      %scan3A_422 = arith.constant 0 : i32
      scf.yield %scan3A_422 : i32
    }
    %scan3A_389 = arith.constant 78 : i32
    %eq3A = arith.constant 15 : i32
    %eq3A_390 = arith.cmpi eq, %arg1, %eq3A : i32
    %convert_element_type3A = arith.extui %eq3A_390 : i1 to i32
    %cond3A = arith.constant 0 : i32
    %cond3A_391 = arith.cmpi ne, %convert_element_type3A, %cond3A : i32
    scf.if %cond3A_391 {
      "tpu.region"() ({
        %run_scoped3A_415 = tpu.sem_alloc : memref<!tpu.dma_semaphore, #tpu.memory_space<semaphore_mem>>
        %dma_start3A = arith.constant 9984 : i32
        %dma_start3A_416 = arith.constant 0 : i32
        %dma_start3A_417 = tpu.memref_slice %arg11[%dma_start3A, %dma_start3A_416] : memref<10000x128xf32, #tpu.memory_space<vmem_shared>> -> memref<8x128xf32, #tpu.memory_space<vmem_shared>>
        %dma_start3A_418 = arith.constant 9984 : i32
        %dma_start3A_419 = arith.constant 0 : i32
        %dma_start3A_420 = tpu.memref_slice %arg11[%dma_start3A_418, %dma_start3A_419] : memref<10000x128xf32, #tpu.memory_space<vmem_shared>> -> memref<8x128xf32, #tpu.memory_space<vmem_shared>>
        tpu.enqueue_dma source(%arg10 : memref<8x128xf32, #tpu.memory_space<vmem>>) target(%dma_start3A_420 : memref<8x128xf32, #tpu.memory_space<vmem_shared>>) target_semaphore(%run_scoped3A_415 : memref<!tpu.dma_semaphore, #tpu.memory_space<semaphore_mem>>)
        %dma_wait3A = arith.constant 9984 : i32
        %dma_wait3A_421 = arith.constant 0 : i32
        %dma_wait3A_422 = tpu.memref_slice %arg11[%dma_wait3A, %dma_wait3A_421] : memref<10000x128xf32, #tpu.memory_space<vmem_shared>> -> memref<8x128xf32, #tpu.memory_space<vmem_shared>>
        %dma_wait3A_423 = arith.constant 9984 : i32
        %dma_wait3A_424 = arith.constant 0 : i32
        %dma_wait3A_425 = tpu.memref_slice %arg11[%dma_wait3A_423, %dma_wait3A_424] : memref<10000x128xf32, #tpu.memory_space<vmem_shared>> -> memref<8x128xf32, #tpu.memory_space<vmem_shared>>
        tpu.wait_dma2 semaphore(%run_scoped3A_415 : memref<!tpu.dma_semaphore, #tpu.memory_space<semaphore_mem>>) src(%arg10 : memref<8x128xf32, #tpu.memory_space<vmem>>) dst(%dma_wait3A_425 : memref<8x128xf32, #tpu.memory_space<vmem_shared>>)
        tpu.yield
      }) : () -> ()
      "tpu.region"() ({
        %run_scoped3A_415 = tpu.sem_alloc : memref<!tpu.dma_semaphore, #tpu.memory_space<semaphore_mem>>
        %dma_start3A = arith.constant 9992 : i32
        %dma_start3A_416 = arith.constant 0 : i32
        %dma_start3A_417 = tpu.memref_slice %arg11[%dma_start3A, %dma_start3A_416] : memref<10000x128xf32, #tpu.memory_space<vmem_shared>> -> memref<8x128xf32, #tpu.memory_space<vmem_shared>>
        %dma_start3A_418 = arith.constant 9992 : i32
        %dma_start3A_419 = arith.constant 0 : i32
        %dma_start3A_420 = tpu.memref_slice %arg11[%dma_start3A_418, %dma_start3A_419] : memref<10000x128xf32, #tpu.memory_space<vmem_shared>> -> memref<8x128xf32, #tpu.memory_space<vmem_shared>>
        tpu.enqueue_dma source(%arg10 : memref<8x128xf32, #tpu.memory_space<vmem>>) target(%dma_start3A_420 : memref<8x128xf32, #tpu.memory_space<vmem_shared>>) target_semaphore(%run_scoped3A_415 : memref<!tpu.dma_semaphore, #tpu.memory_space<semaphore_mem>>)
        %dma_wait3A = arith.constant 9992 : i32
        %dma_wait3A_421 = arith.constant 0 : i32
        %dma_wait3A_422 = tpu.memref_slice %arg11[%dma_wait3A, %dma_wait3A_421] : memref<10000x128xf32, #tpu.memory_space<vmem_shared>> -> memref<8x128xf32, #tpu.memory_space<vmem_shared>>
        %dma_wait3A_423 = arith.constant 9992 : i32
        %dma_wait3A_424 = arith.constant 0 : i32
        %dma_wait3A_425 = tpu.memref_slice %arg11[%dma_wait3A_423, %dma_wait3A_424] : memref<10000x128xf32, #tpu.memory_space<vmem_shared>> -> memref<8x128xf32, #tpu.memory_space<vmem_shared>>
        tpu.wait_dma2 semaphore(%run_scoped3A_415 : memref<!tpu.dma_semaphore, #tpu.memory_space<semaphore_mem>>) src(%arg10 : memref<8x128xf32, #tpu.memory_space<vmem>>) dst(%dma_wait3A_425 : memref<8x128xf32, #tpu.memory_space<vmem_shared>>)
        tpu.yield
      }) : () -> ()
    } else {
    }
    %mul3A = arith.constant 160 : i32
    %mul3A_392 = arith.muli %arg1, %mul3A : i32
    %run_scoped3A = arith.constant 0 : i32
    "tpu.region"() ({
      %run_scoped3A_415 = tpu.sem_alloc : memref<!tpu.dma_semaphore, #tpu.memory_space<semaphore_mem>>
      %dma_start3A = arith.constant 0 : i32
      %dma_start3A_416 = arith.constant 0 : i32
      %dma_start3A_417 = tpu.memref_slice %arg6[%run_scoped3A, %dma_start3A, %dma_start3A_416] : memref<2x32x125xi32, #tpu.memory_space<vmem>> -> memref<1x32x125xi32, #tpu.memory_space<vmem>>
      %dma_start3A_418 = tpu.memref_squeeze %dma_start3A_417 : memref<1x32x125xi32, #tpu.memory_space<vmem>> -> memref<32x125xi32, #tpu.memory_space<vmem>>
      %dma_start3A_419 = arith.constant 0 : i32
      %dma_start3A_420 = tpu.memref_slice %arg2[%mul3A_392, %dma_start3A_419] : memref<2560x125xi32, #tpu.memory_space<hbm>> -> memref<32x125xi32, #tpu.memory_space<hbm>>
      %dma_start3A_421 = arith.constant 0 : i32
      %dma_start3A_422 = arith.constant 0 : i32
      %dma_start3A_423 = tpu.memref_slice %arg6[%run_scoped3A, %dma_start3A_421, %dma_start3A_422] : memref<2x32x125xi32, #tpu.memory_space<vmem>> -> memref<1x32x125xi32, #tpu.memory_space<vmem>>
      %dma_start3A_424 = tpu.memref_squeeze %dma_start3A_423 : memref<1x32x125xi32, #tpu.memory_space<vmem>> -> memref<32x125xi32, #tpu.memory_space<vmem>>
      %dma_start3A_425 = arith.constant 0 : i32
      %dma_start3A_426 = tpu.memref_slice %arg2[%mul3A_392, %dma_start3A_425] : memref<2560x125xi32, #tpu.memory_space<hbm>> -> memref<32x125xi32, #tpu.memory_space<hbm>>
      tpu.enqueue_dma source(%dma_start3A_426 : memref<32x125xi32, #tpu.memory_space<hbm>>) target(%dma_start3A_424 : memref<32x125xi32, #tpu.memory_space<vmem>>) target_semaphore(%run_scoped3A_415 : memref<!tpu.dma_semaphore, #tpu.memory_space<semaphore_mem>>)
      %dma_wait3A = arith.constant 0 : i32
      %dma_wait3A_427 = arith.constant 0 : i32
      %dma_wait3A_428 = tpu.memref_slice %arg6[%run_scoped3A, %dma_wait3A, %dma_wait3A_427] : memref<2x32x125xi32, #tpu.memory_space<vmem>> -> memref<1x32x125xi32, #tpu.memory_space<vmem>>
      %dma_wait3A_429 = tpu.memref_squeeze %dma_wait3A_428 : memref<1x32x125xi32, #tpu.memory_space<vmem>> -> memref<32x125xi32, #tpu.memory_space<vmem>>
      %dma_wait3A_430 = arith.constant 0 : i32
      %dma_wait3A_431 = tpu.memref_slice %arg2[%mul3A_392, %dma_wait3A_430] : memref<2560x125xi32, #tpu.memory_space<hbm>> -> memref<32x125xi32, #tpu.memory_space<hbm>>
      %dma_wait3A_432 = arith.constant 0 : i32
      %dma_wait3A_433 = arith.constant 0 : i32
      %dma_wait3A_434 = tpu.memref_slice %arg6[%run_scoped3A, %dma_wait3A_432, %dma_wait3A_433] : memref<2x32x125xi32, #tpu.memory_space<vmem>> -> memref<1x32x125xi32, #tpu.memory_space<vmem>>
      %dma_wait3A_435 = tpu.memref_squeeze %dma_wait3A_434 : memref<1x32x125xi32, #tpu.memory_space<vmem>> -> memref<32x125xi32, #tpu.memory_space<vmem>>
      %dma_wait3A_436 = arith.constant 0 : i32
      %dma_wait3A_437 = tpu.memref_slice %arg2[%mul3A_392, %dma_wait3A_436] : memref<2560x125xi32, #tpu.memory_space<hbm>> -> memref<32x125xi32, #tpu.memory_space<hbm>>
      tpu.wait_dma2 semaphore(%run_scoped3A_415 : memref<!tpu.dma_semaphore, #tpu.memory_space<semaphore_mem>>) src(%dma_wait3A_437 : memref<32x125xi32, #tpu.memory_space<hbm>>) dst(%dma_wait3A_435 : memref<32x125xi32, #tpu.memory_space<vmem>>)
      tpu.yield
    }) : () -> ()
    %run_scoped3A_393 = arith.constant 0 : i32
    "tpu.region"() ({
      %run_scoped3A_415 = tpu.sem_alloc : memref<!tpu.dma_semaphore, #tpu.memory_space<semaphore_mem>>
      %dma_start3A = arith.constant 0 : i32
      %dma_start3A_416 = arith.constant 0 : i32
      %dma_start3A_417 = tpu.memref_slice %arg7[%run_scoped3A_393, %dma_start3A, %dma_start3A_416] : memref<2x32x125xi32, #tpu.memory_space<vmem>> -> memref<1x32x125xi32, #tpu.memory_space<vmem>>
      %dma_start3A_418 = tpu.memref_squeeze %dma_start3A_417 : memref<1x32x125xi32, #tpu.memory_space<vmem>> -> memref<32x125xi32, #tpu.memory_space<vmem>>
      %dma_start3A_419 = arith.constant 0 : i32
      %dma_start3A_420 = tpu.memref_slice %arg3[%mul3A_392, %dma_start3A_419] : memref<2560x125xi32, #tpu.memory_space<hbm>> -> memref<32x125xi32, #tpu.memory_space<hbm>>
      %dma_start3A_421 = arith.constant 0 : i32
      %dma_start3A_422 = arith.constant 0 : i32
      %dma_start3A_423 = tpu.memref_slice %arg7[%run_scoped3A_393, %dma_start3A_421, %dma_start3A_422] : memref<2x32x125xi32, #tpu.memory_space<vmem>> -> memref<1x32x125xi32, #tpu.memory_space<vmem>>
      %dma_start3A_424 = tpu.memref_squeeze %dma_start3A_423 : memref<1x32x125xi32, #tpu.memory_space<vmem>> -> memref<32x125xi32, #tpu.memory_space<vmem>>
      %dma_start3A_425 = arith.constant 0 : i32
      %dma_start3A_426 = tpu.memref_slice %arg3[%mul3A_392, %dma_start3A_425] : memref<2560x125xi32, #tpu.memory_space<hbm>> -> memref<32x125xi32, #tpu.memory_space<hbm>>
      tpu.enqueue_dma source(%dma_start3A_426 : memref<32x125xi32, #tpu.memory_space<hbm>>) target(%dma_start3A_424 : memref<32x125xi32, #tpu.memory_space<vmem>>) target_semaphore(%run_scoped3A_415 : memref<!tpu.dma_semaphore, #tpu.memory_space<semaphore_mem>>)
      %dma_wait3A = arith.constant 0 : i32
      %dma_wait3A_427 = arith.constant 0 : i32
      %dma_wait3A_428 = tpu.memref_slice %arg7[%run_scoped3A_393, %dma_wait3A, %dma_wait3A_427] : memref<2x32x125xi32, #tpu.memory_space<vmem>> -> memref<1x32x125xi32, #tpu.memory_space<vmem>>
      %dma_wait3A_429 = tpu.memref_squeeze %dma_wait3A_428 : memref<1x32x125xi32, #tpu.memory_space<vmem>> -> memref<32x125xi32, #tpu.memory_space<vmem>>
      %dma_wait3A_430 = arith.constant 0 : i32
      %dma_wait3A_431 = tpu.memref_slice %arg3[%mul3A_392, %dma_wait3A_430] : memref<2560x125xi32, #tpu.memory_space<hbm>> -> memref<32x125xi32, #tpu.memory_space<hbm>>
      %dma_wait3A_432 = arith.constant 0 : i32
      %dma_wait3A_433 = arith.constant 0 : i32
      %dma_wait3A_434 = tpu.memref_slice %arg7[%run_scoped3A_393, %dma_wait3A_432, %dma_wait3A_433] : memref<2x32x125xi32, #tpu.memory_space<vmem>> -> memref<1x32x125xi32, #tpu.memory_space<vmem>>
      %dma_wait3A_435 = tpu.memref_squeeze %dma_wait3A_434 : memref<1x32x125xi32, #tpu.memory_space<vmem>> -> memref<32x125xi32, #tpu.memory_space<vmem>>
      %dma_wait3A_436 = arith.constant 0 : i32
      %dma_wait3A_437 = tpu.memref_slice %arg3[%mul3A_392, %dma_wait3A_436] : memref<2560x125xi32, #tpu.memory_space<hbm>> -> memref<32x125xi32, #tpu.memory_space<hbm>>
      tpu.wait_dma2 semaphore(%run_scoped3A_415 : memref<!tpu.dma_semaphore, #tpu.memory_space<semaphore_mem>>) src(%dma_wait3A_437 : memref<32x125xi32, #tpu.memory_space<hbm>>) dst(%dma_wait3A_435 : memref<32x125xi32, #tpu.memory_space<vmem>>)
      tpu.yield
    }) : () -> ()
    %barrier3A = arith.constant 0 : index
    tpu.barrier barrier_id(%barrier3A)
    %mul3A_394 = arith.constant 10000 : i32
    %mul3A_395 = arith.muli %arg0, %mul3A_394 : i32
    %multiple_of3A = tpu.assume_multiple %mul3A_395, 8 : i32
    %scan3A_396 = arith.constant 0 : i32
    %scan3A_397 = arith.constant 0 : i32
    %scan3A_398 = arith.constant 5 : i32
    %scan3A_399 = arith.addi %scan3A_397, %scan3A_398 : i32
    %scan3A_400 = arith.constant 1 : i32
    %scan3A_401 = scf.for %scan3A_415 = %scan3A_397 to %scan3A_399 step %scan3A_400 iter_args(%scan3A_416 = %scan3A_396) -> (i32)  : i32 {
      %rem3A = arith.constant 2 : i32
      %rem3A_417 = arith.remsi %scan3A_415, %rem3A : i32
      %gt3A = arith.constant 0 : i32
      %gt3A_418 = arith.cmpi sgt, %scan3A_415, %gt3A : i32
      %convert_element_type3A_419 = arith.extui %gt3A_418 : i1 to i32
      %cond3A_420 = arith.constant 0 : i32
      %cond3A_421 = arith.cmpi ne, %convert_element_type3A_419, %cond3A_420 : i32
      scf.if %cond3A_421 {
        %dma_wait3A = arith.constant 0 : i32
        %dma_wait3A_442 = arith.constant 0 : i32
        %dma_wait3A_443 = tpu.memref_slice %arg6[%rem3A_417, %dma_wait3A, %dma_wait3A_442] : memref<2x32x125xi32, #tpu.memory_space<vmem>> -> memref<1x32x125xi32, #tpu.memory_space<vmem>>
        %dma_wait3A_444 = tpu.memref_squeeze %dma_wait3A_443 : memref<1x32x125xi32, #tpu.memory_space<vmem>> -> memref<32x125xi32, #tpu.memory_space<vmem>>
        %dma_wait3A_445 = arith.constant 0 : i32
        %dma_wait3A_446 = tpu.memref_slice %arg2[%mul3A_392, %dma_wait3A_445] : memref<2560x125xi32, #tpu.memory_space<hbm>> -> memref<32x125xi32, #tpu.memory_space<hbm>>
        %dma_wait3A_447 = arith.constant 0 : i32
        %dma_wait3A_448 = arith.constant 0 : i32
        %dma_wait3A_449 = tpu.memref_slice %arg6[%rem3A_417, %dma_wait3A_447, %dma_wait3A_448] : memref<2x32x125xi32, #tpu.memory_space<vmem>> -> memref<1x32x125xi32, #tpu.memory_space<vmem>>
        %dma_wait3A_450 = tpu.memref_squeeze %dma_wait3A_449 : memref<1x32x125xi32, #tpu.memory_space<vmem>> -> memref<32x125xi32, #tpu.memory_space<vmem>>
        %dma_wait3A_451 = arith.constant 0 : i32
        %dma_wait3A_452 = tpu.memref_slice %arg2[%mul3A_392, %dma_wait3A_451] : memref<2560x125xi32, #tpu.memory_space<hbm>> -> memref<32x125xi32, #tpu.memory_space<hbm>>
        tpu.wait_dma2 semaphore(%arg14 : memref<!tpu.dma_semaphore, #tpu.memory_space<semaphore_mem>>) src(%dma_wait3A_452 : memref<32x125xi32, #tpu.memory_space<hbm>>) dst(%dma_wait3A_450 : memref<32x125xi32, #tpu.memory_space<vmem>>)
        %dma_wait3A_453 = arith.constant 0 : i32
        %dma_wait3A_454 = arith.constant 0 : i32
        %dma_wait3A_455 = tpu.memref_slice %arg7[%rem3A_417, %dma_wait3A_453, %dma_wait3A_454] : memref<2x32x125xi32, #tpu.memory_space<vmem>> -> memref<1x32x125xi32, #tpu.memory_space<vmem>>
        %dma_wait3A_456 = tpu.memref_squeeze %dma_wait3A_455 : memref<1x32x125xi32, #tpu.memory_space<vmem>> -> memref<32x125xi32, #tpu.memory_space<vmem>>
        %dma_wait3A_457 = arith.constant 0 : i32
        %dma_wait3A_458 = tpu.memref_slice %arg3[%mul3A_392, %dma_wait3A_457] : memref<2560x125xi32, #tpu.memory_space<hbm>> -> memref<32x125xi32, #tpu.memory_space<hbm>>
        %dma_wait3A_459 = arith.constant 0 : i32
        %dma_wait3A_460 = arith.constant 0 : i32
        %dma_wait3A_461 = tpu.memref_slice %arg7[%rem3A_417, %dma_wait3A_459, %dma_wait3A_460] : memref<2x32x125xi32, #tpu.memory_space<vmem>> -> memref<1x32x125xi32, #tpu.memory_space<vmem>>
        %dma_wait3A_462 = tpu.memref_squeeze %dma_wait3A_461 : memref<1x32x125xi32, #tpu.memory_space<vmem>> -> memref<32x125xi32, #tpu.memory_space<vmem>>
        %dma_wait3A_463 = arith.constant 0 : i32
        %dma_wait3A_464 = tpu.memref_slice %arg3[%mul3A_392, %dma_wait3A_463] : memref<2560x125xi32, #tpu.memory_space<hbm>> -> memref<32x125xi32, #tpu.memory_space<hbm>>
        tpu.wait_dma2 semaphore(%arg14 : memref<!tpu.dma_semaphore, #tpu.memory_space<semaphore_mem>>) src(%dma_wait3A_464 : memref<32x125xi32, #tpu.memory_space<hbm>>) dst(%dma_wait3A_462 : memref<32x125xi32, #tpu.memory_space<vmem>>)
      } else {
      }
      %lt3A = arith.constant 4 : i32
      %lt3A_422 = arith.cmpi slt, %scan3A_415, %lt3A : i32
      %convert_element_type3A_423 = arith.extui %lt3A_422 : i1 to i32
      %cond3A_424 = arith.constant 0 : i32
      %cond3A_425 = arith.cmpi ne, %convert_element_type3A_423, %cond3A_424 : i32
      scf.if %cond3A_425 {
        %add3A_442 = arith.constant 1 : i32
        %add3A_443 = arith.addi %scan3A_415, %add3A_442 : i32
        %rem3A_444 = arith.constant 2 : i32
        %rem3A_445 = arith.remsi %add3A_443, %rem3A_444 : i32
        %add3A_446 = arith.constant 1 : i32
        %add3A_447 = arith.addi %scan3A_415, %add3A_446 : i32
        %mul3A_448 = arith.constant 32 : i32
        %mul3A_449 = arith.muli %add3A_447, %mul3A_448 : i32
        %add3A_450 = arith.addi %mul3A_392, %mul3A_449 : i32
        %dma_start3A_451 = arith.constant 0 : i32
        %dma_start3A_452 = arith.constant 0 : i32
        %dma_start3A_453 = tpu.memref_slice %arg6[%rem3A_445, %dma_start3A_451, %dma_start3A_452] : memref<2x32x125xi32, #tpu.memory_space<vmem>> -> memref<1x32x125xi32, #tpu.memory_space<vmem>>
        %dma_start3A_454 = tpu.memref_squeeze %dma_start3A_453 : memref<1x32x125xi32, #tpu.memory_space<vmem>> -> memref<32x125xi32, #tpu.memory_space<vmem>>
        %dma_start3A_455 = arith.constant 0 : i32
        %dma_start3A_456 = tpu.memref_slice %arg2[%add3A_450, %dma_start3A_455] : memref<2560x125xi32, #tpu.memory_space<hbm>> -> memref<32x125xi32, #tpu.memory_space<hbm>>
        %dma_start3A_457 = arith.constant 0 : i32
        %dma_start3A_458 = arith.constant 0 : i32
        %dma_start3A_459 = tpu.memref_slice %arg6[%rem3A_445, %dma_start3A_457, %dma_start3A_458] : memref<2x32x125xi32, #tpu.memory_space<vmem>> -> memref<1x32x125xi32, #tpu.memory_space<vmem>>
        %dma_start3A_460 = tpu.memref_squeeze %dma_start3A_459 : memref<1x32x125xi32, #tpu.memory_space<vmem>> -> memref<32x125xi32, #tpu.memory_space<vmem>>
        %dma_start3A_461 = arith.constant 0 : i32
        %dma_start3A_462 = tpu.memref_slice %arg2[%add3A_450, %dma_start3A_461] : memref<2560x125xi32, #tpu.memory_space<hbm>> -> memref<32x125xi32, #tpu.memory_space<hbm>>
        tpu.enqueue_dma source(%dma_start3A_462 : memref<32x125xi32, #tpu.memory_space<hbm>>) target(%dma_start3A_460 : memref<32x125xi32, #tpu.memory_space<vmem>>) target_semaphore(%arg14 : memref<!tpu.dma_semaphore, #tpu.memory_space<semaphore_mem>>)
        %dma_start3A_463 = arith.constant 0 : i32
        %dma_start3A_464 = arith.constant 0 : i32
        %dma_start3A_465 = tpu.memref_slice %arg7[%rem3A_445, %dma_start3A_463, %dma_start3A_464] : memref<2x32x125xi32, #tpu.memory_space<vmem>> -> memref<1x32x125xi32, #tpu.memory_space<vmem>>
        %dma_start3A_466 = tpu.memref_squeeze %dma_start3A_465 : memref<1x32x125xi32, #tpu.memory_space<vmem>> -> memref<32x125xi32, #tpu.memory_space<vmem>>
        %dma_start3A_467 = arith.constant 0 : i32
        %dma_start3A_468 = tpu.memref_slice %arg3[%add3A_450, %dma_start3A_467] : memref<2560x125xi32, #tpu.memory_space<hbm>> -> memref<32x125xi32, #tpu.memory_space<hbm>>
        %dma_start3A_469 = arith.constant 0 : i32
        %dma_start3A_470 = arith.constant 0 : i32
        %dma_start3A_471 = tpu.memref_slice %arg7[%rem3A_445, %dma_start3A_469, %dma_start3A_470] : memref<2x32x125xi32, #tpu.memory_space<vmem>> -> memref<1x32x125xi32, #tpu.memory_space<vmem>>
        %dma_start3A_472 = tpu.memref_squeeze %dma_start3A_471 : memref<1x32x125xi32, #tpu.memory_space<vmem>> -> memref<32x125xi32, #tpu.memory_space<vmem>>
        %dma_start3A_473 = arith.constant 0 : i32
        %dma_start3A_474 = tpu.memref_slice %arg3[%add3A_450, %dma_start3A_473] : memref<2560x125xi32, #tpu.memory_space<hbm>> -> memref<32x125xi32, #tpu.memory_space<hbm>>
        tpu.enqueue_dma source(%dma_start3A_474 : memref<32x125xi32, #tpu.memory_space<hbm>>) target(%dma_start3A_472 : memref<32x125xi32, #tpu.memory_space<vmem>>) target_semaphore(%arg14 : memref<!tpu.dma_semaphore, #tpu.memory_space<semaphore_mem>>)
      } else {
      }
      %dma_start3A = arith.constant 0 : i32
      %dma_start3A_426 = arith.constant 0 : i32
      %dma_start3A_427 = tpu.memref_slice %arg6[%rem3A_417, %dma_start3A, %dma_start3A_426] : memref<2x32x125xi32, #tpu.memory_space<vmem>> -> memref<1x1x125xi32, #tpu.memory_space<vmem>>
      %dma_start3A_428 = tpu.memref_squeeze %dma_start3A_427 : memref<1x1x125xi32, #tpu.memory_space<vmem>> -> memref<125xi32, #tpu.memory_space<vmem>>
      %dma_start3A_429 = arith.constant 0 : i32
      %dma_start3A_430 = tpu.memref_slice %arg4[%multiple_of3A, %dma_start3A_429] : memref<20000x128xf32, #tpu.memory_space<hbm>> -> memref<10000x128xf32, #tpu.memory_space<hbm>>
      %dma_start3A_431 = arith.constant 0 : i32
      %dma_start3A_432 = arith.constant 0 : i32
      %dma_start3A_433 = tpu.memref_slice %dma_start3A_430[%dma_start3A_431, %dma_start3A_432] : memref<10000x128xf32, #tpu.memory_space<hbm>> -> memref<10000x128xf32, #tpu.memory_space<hbm>>
      tpu.enqueue_indirect_dma source(%dma_start3A_433 : memref<10000x128xf32, #tpu.memory_space<hbm>>) target(%arg8 : memref<125x128xf32, #tpu.memory_space<vmem>>) offsets(%dma_start3A_428 : memref<125xi32, #tpu.memory_space<vmem>>) semaphore(%arg12 : memref<!tpu.dma_semaphore, #tpu.memory_space<semaphore_mem>>)
      %scan3A_434 = arith.constant 0 : i32
      %scan3A_435 = arith.constant 0 : i32
      %scan3A_436 = arith.constant 16 : i32
      %scan3A_437 = arith.addi %scan3A_435, %scan3A_436 : i32
      %scan3A_438 = arith.constant 1 : i32
      %scan3A_439 = scf.for %scan3A_442 = %scan3A_435 to %scan3A_437 step %scan3A_438 iter_args(%scan3A_443 = %scan3A_434) -> (i32)  : i32 {
        %mul3A_444 = arith.constant 2 : i32
        %mul3A_445 = arith.muli %scan3A_442, %mul3A_444 : i32
        %add3A_446 = arith.constant 1 : i32
        %add3A_447 = arith.addi %mul3A_445, %add3A_446 : i32
        %dma_start3A_448 = arith.constant 0 : i32
        %dma_start3A_449 = tpu.memref_slice %arg6[%rem3A_417, %add3A_447, %dma_start3A_448] : memref<2x32x125xi32, #tpu.memory_space<vmem>> -> memref<1x1x125xi32, #tpu.memory_space<vmem>>
        %dma_start3A_450 = tpu.memref_squeeze %dma_start3A_449 : memref<1x1x125xi32, #tpu.memory_space<vmem>> -> memref<125xi32, #tpu.memory_space<vmem>>
        %dma_start3A_451 = arith.constant 0 : i32
        %dma_start3A_452 = tpu.memref_slice %arg4[%multiple_of3A, %dma_start3A_451] : memref<20000x128xf32, #tpu.memory_space<hbm>> -> memref<10000x128xf32, #tpu.memory_space<hbm>>
        %dma_start3A_453 = arith.constant 0 : i32
        %dma_start3A_454 = arith.constant 0 : i32
        %dma_start3A_455 = tpu.memref_slice %dma_start3A_452[%dma_start3A_453, %dma_start3A_454] : memref<10000x128xf32, #tpu.memory_space<hbm>> -> memref<10000x128xf32, #tpu.memory_space<hbm>>
        tpu.enqueue_indirect_dma source(%dma_start3A_455 : memref<10000x128xf32, #tpu.memory_space<hbm>>) target(%arg9 : memref<125x128xf32, #tpu.memory_space<vmem>>) offsets(%dma_start3A_450 : memref<125xi32, #tpu.memory_space<vmem>>) semaphore(%arg13 : memref<!tpu.dma_semaphore, #tpu.memory_space<semaphore_mem>>)
        %dma_wait3A = arith.constant 0 : i32
        %dma_wait3A_456 = tpu.memref_slice %arg6[%rem3A_417, %mul3A_445, %dma_wait3A] : memref<2x32x125xi32, #tpu.memory_space<vmem>> -> memref<1x1x125xi32, #tpu.memory_space<vmem>>
        %dma_wait3A_457 = tpu.memref_squeeze %dma_wait3A_456 : memref<1x1x125xi32, #tpu.memory_space<vmem>> -> memref<125xi32, #tpu.memory_space<vmem>>
        %dma_wait3A_458 = arith.constant 0 : i32
        %dma_wait3A_459 = tpu.memref_slice %arg4[%multiple_of3A, %dma_wait3A_458] : memref<20000x128xf32, #tpu.memory_space<hbm>> -> memref<10000x128xf32, #tpu.memory_space<hbm>>
        %dma_wait3A_460 = arith.constant 0 : i32
        %dma_wait3A_461 = arith.constant 0 : i32
        %dma_wait3A_462 = tpu.memref_slice %dma_wait3A_459[%dma_wait3A_460, %dma_wait3A_461] : memref<10000x128xf32, #tpu.memory_space<hbm>> -> memref<10000x128xf32, #tpu.memory_space<hbm>>
        tpu.wait_indirect_dma semaphore(%arg12 : memref<!tpu.dma_semaphore, #tpu.memory_space<semaphore_mem>>) src(%dma_wait3A_462 : memref<10000x128xf32, #tpu.memory_space<hbm>>) dst(%arg8 : memref<125x128xf32, #tpu.memory_space<vmem>>)
        "tpu.region"() ({
          %run_scoped3A_481 = tpu.sem_alloc : memref<!tpu.dma_semaphore, #tpu.memory_space<semaphore_mem>>
          %dma_start3A_482 = arith.constant 0 : i32
          %dma_start3A_483 = tpu.memref_slice %arg7[%rem3A_417, %mul3A_445, %dma_start3A_482] : memref<2x32x125xi32, #tpu.memory_space<vmem>> -> memref<1x1x125xi32, #tpu.memory_space<vmem>>
          %dma_start3A_484 = tpu.memref_squeeze %dma_start3A_483 : memref<1x1x125xi32, #tpu.memory_space<vmem>> -> memref<125xi32, #tpu.memory_space<vmem>>
          %dma_start3A_485 = arith.constant 0 : i32
          %dma_start3A_486 = arith.constant 0 : i32
          %dma_start3A_487 = tpu.memref_slice %arg11[%dma_start3A_485, %dma_start3A_486] : memref<10000x128xf32, #tpu.memory_space<vmem_shared>> -> memref<10000x128xf32, #tpu.memory_space<vmem_shared>>
          tpu.enqueue_indirect_dma source(%arg8 : memref<125x128xf32, #tpu.memory_space<vmem>>) target(%dma_start3A_487 : memref<10000x128xf32, #tpu.memory_space<vmem_shared>>) offsets(%dma_start3A_484 : memref<125xi32, #tpu.memory_space<vmem>>) semaphore(%run_scoped3A_481 : memref<!tpu.dma_semaphore, #tpu.memory_space<semaphore_mem>>) {add = true}
          %dma_wait3A_488 = arith.constant 0 : i32
          %dma_wait3A_489 = tpu.memref_slice %arg7[%rem3A_417, %mul3A_445, %dma_wait3A_488] : memref<2x32x125xi32, #tpu.memory_space<vmem>> -> memref<1x1x125xi32, #tpu.memory_space<vmem>>
          %dma_wait3A_490 = tpu.memref_squeeze %dma_wait3A_489 : memref<1x1x125xi32, #tpu.memory_space<vmem>> -> memref<125xi32, #tpu.memory_space<vmem>>
          %dma_wait3A_491 = arith.constant 0 : i32
          %dma_wait3A_492 = arith.constant 0 : i32
          %dma_wait3A_493 = tpu.memref_slice %arg11[%dma_wait3A_491, %dma_wait3A_492] : memref<10000x128xf32, #tpu.memory_space<vmem_shared>> -> memref<10000x128xf32, #tpu.memory_space<vmem_shared>>
          tpu.wait_indirect_dma semaphore(%run_scoped3A_481 : memref<!tpu.dma_semaphore, #tpu.memory_space<semaphore_mem>>) src(%arg8 : memref<125x128xf32, #tpu.memory_space<vmem>>) dst(%dma_wait3A_493 : memref<10000x128xf32, #tpu.memory_space<vmem_shared>>)
          tpu.yield
        }) : () -> ()
        %lt3A_463 = arith.constant 15 : i32
        %lt3A_464 = arith.cmpi slt, %scan3A_442, %lt3A_463 : i32
        %convert_element_type3A_465 = arith.extui %lt3A_464 : i1 to i32
        %cond3A_466 = arith.constant 0 : i32
        %cond3A_467 = arith.cmpi ne, %convert_element_type3A_465, %cond3A_466 : i32
        scf.if %cond3A_467 {
          %add3A_481 = arith.constant 2 : i32
          %add3A_482 = arith.addi %mul3A_445, %add3A_481 : i32
          %dma_start3A_483 = arith.constant 0 : i32
          %dma_start3A_484 = tpu.memref_slice %arg6[%rem3A_417, %add3A_482, %dma_start3A_483] : memref<2x32x125xi32, #tpu.memory_space<vmem>> -> memref<1x1x125xi32, #tpu.memory_space<vmem>>
          %dma_start3A_485 = tpu.memref_squeeze %dma_start3A_484 : memref<1x1x125xi32, #tpu.memory_space<vmem>> -> memref<125xi32, #tpu.memory_space<vmem>>
          %dma_start3A_486 = arith.constant 0 : i32
          %dma_start3A_487 = tpu.memref_slice %arg4[%multiple_of3A, %dma_start3A_486] : memref<20000x128xf32, #tpu.memory_space<hbm>> -> memref<10000x128xf32, #tpu.memory_space<hbm>>
          %dma_start3A_488 = arith.constant 0 : i32
          %dma_start3A_489 = arith.constant 0 : i32
          %dma_start3A_490 = tpu.memref_slice %dma_start3A_487[%dma_start3A_488, %dma_start3A_489] : memref<10000x128xf32, #tpu.memory_space<hbm>> -> memref<10000x128xf32, #tpu.memory_space<hbm>>
          tpu.enqueue_indirect_dma source(%dma_start3A_490 : memref<10000x128xf32, #tpu.memory_space<hbm>>) target(%arg8 : memref<125x128xf32, #tpu.memory_space<vmem>>) offsets(%dma_start3A_485 : memref<125xi32, #tpu.memory_space<vmem>>) semaphore(%arg12 : memref<!tpu.dma_semaphore, #tpu.memory_space<semaphore_mem>>)
        } else {
        }
        %add3A_468 = arith.constant 1 : i32
        %add3A_469 = arith.addi %mul3A_445, %add3A_468 : i32
        %dma_wait3A_470 = arith.constant 0 : i32
        %dma_wait3A_471 = tpu.memref_slice %arg6[%rem3A_417, %add3A_469, %dma_wait3A_470] : memref<2x32x125xi32, #tpu.memory_space<vmem>> -> memref<1x1x125xi32, #tpu.memory_space<vmem>>
        %dma_wait3A_472 = tpu.memref_squeeze %dma_wait3A_471 : memref<1x1x125xi32, #tpu.memory_space<vmem>> -> memref<125xi32, #tpu.memory_space<vmem>>
        %dma_wait3A_473 = arith.constant 0 : i32
        %dma_wait3A_474 = tpu.memref_slice %arg4[%multiple_of3A, %dma_wait3A_473] : memref<20000x128xf32, #tpu.memory_space<hbm>> -> memref<10000x128xf32, #tpu.memory_space<hbm>>
        %dma_wait3A_475 = arith.constant 0 : i32
        %dma_wait3A_476 = arith.constant 0 : i32
        %dma_wait3A_477 = tpu.memref_slice %dma_wait3A_474[%dma_wait3A_475, %dma_wait3A_476] : memref<10000x128xf32, #tpu.memory_space<hbm>> -> memref<10000x128xf32, #tpu.memory_space<hbm>>
        tpu.wait_indirect_dma semaphore(%arg13 : memref<!tpu.dma_semaphore, #tpu.memory_space<semaphore_mem>>) src(%dma_wait3A_477 : memref<10000x128xf32, #tpu.memory_space<hbm>>) dst(%arg9 : memref<125x128xf32, #tpu.memory_space<vmem>>)
        %add3A_478 = arith.constant 1 : i32
        %add3A_479 = arith.addi %mul3A_445, %add3A_478 : i32
        "tpu.region"() ({
          %run_scoped3A_481 = tpu.sem_alloc : memref<!tpu.dma_semaphore, #tpu.memory_space<semaphore_mem>>
          %dma_start3A_482 = arith.constant 0 : i32
          %dma_start3A_483 = tpu.memref_slice %arg7[%rem3A_417, %add3A_479, %dma_start3A_482] : memref<2x32x125xi32, #tpu.memory_space<vmem>> -> memref<1x1x125xi32, #tpu.memory_space<vmem>>
          %dma_start3A_484 = tpu.memref_squeeze %dma_start3A_483 : memref<1x1x125xi32, #tpu.memory_space<vmem>> -> memref<125xi32, #tpu.memory_space<vmem>>
          %dma_start3A_485 = arith.constant 0 : i32
          %dma_start3A_486 = arith.constant 0 : i32
          %dma_start3A_487 = tpu.memref_slice %arg11[%dma_start3A_485, %dma_start3A_486] : memref<10000x128xf32, #tpu.memory_space<vmem_shared>> -> memref<10000x128xf32, #tpu.memory_space<vmem_shared>>
          tpu.enqueue_indirect_dma source(%arg9 : memref<125x128xf32, #tpu.memory_space<vmem>>) target(%dma_start3A_487 : memref<10000x128xf32, #tpu.memory_space<vmem_shared>>) offsets(%dma_start3A_484 : memref<125xi32, #tpu.memory_space<vmem>>) semaphore(%run_scoped3A_481 : memref<!tpu.dma_semaphore, #tpu.memory_space<semaphore_mem>>) {add = true}
          %dma_wait3A_488 = arith.constant 0 : i32
          %dma_wait3A_489 = tpu.memref_slice %arg7[%rem3A_417, %add3A_479, %dma_wait3A_488] : memref<2x32x125xi32, #tpu.memory_space<vmem>> -> memref<1x1x125xi32, #tpu.memory_space<vmem>>
          %dma_wait3A_490 = tpu.memref_squeeze %dma_wait3A_489 : memref<1x1x125xi32, #tpu.memory_space<vmem>> -> memref<125xi32, #tpu.memory_space<vmem>>
          %dma_wait3A_491 = arith.constant 0 : i32
          %dma_wait3A_492 = arith.constant 0 : i32
          %dma_wait3A_493 = tpu.memref_slice %arg11[%dma_wait3A_491, %dma_wait3A_492] : memref<10000x128xf32, #tpu.memory_space<vmem_shared>> -> memref<10000x128xf32, #tpu.memory_space<vmem_shared>>
          tpu.wait_indirect_dma semaphore(%run_scoped3A_481 : memref<!tpu.dma_semaphore, #tpu.memory_space<semaphore_mem>>) src(%arg9 : memref<125x128xf32, #tpu.memory_space<vmem>>) dst(%dma_wait3A_493 : memref<10000x128xf32, #tpu.memory_space<vmem_shared>>)
          tpu.yield
        }) : () -> ()
        %scan3A_480 = arith.constant 0 : i32
        scf.yield %scan3A_480 : i32
      }
      %scan3A_440 = arith.constant 16 : i32
      %scan3A_441 = arith.constant 0 : i32
      scf.yield %scan3A_441 : i32
    }
    %scan3A_402 = arith.constant 5 : i32
    %barrier3A_403 = arith.constant 0 : index
    tpu.barrier barrier_id(%barrier3A_403)
    %mul3A_404 = arith.constant 624 : i32
    %mul3A_405 = arith.muli %arg1, %mul3A_404 : i32
    %mul3A_406 = arith.constant 10000 : i32
    %mul3A_407 = arith.muli %arg0, %mul3A_406 : i32
    %mul3A_408 = arith.constant 624 : i32
    %mul3A_409 = arith.muli %arg1, %mul3A_408 : i32
    %add3A = arith.addi %mul3A_407, %mul3A_409 : i32
    "tpu.region"() ({
      %run_scoped3A_415 = tpu.sem_alloc : memref<!tpu.dma_semaphore, #tpu.memory_space<semaphore_mem>>
      %dma_start3A = arith.constant 0 : i32
      %dma_start3A_416 = tpu.memref_slice %arg5[%add3A, %dma_start3A] : memref<20000x128xf32, #tpu.memory_space<hbm>> -> memref<624x128xf32, #tpu.memory_space<hbm>>
      %dma_start3A_417 = arith.constant 0 : i32
      %dma_start3A_418 = tpu.memref_slice %arg11[%mul3A_405, %dma_start3A_417] : memref<10000x128xf32, #tpu.memory_space<vmem_shared>> -> memref<624x128xf32, #tpu.memory_space<vmem_shared>>
      tpu.enqueue_dma source(%dma_start3A_418 : memref<624x128xf32, #tpu.memory_space<vmem_shared>>) target(%dma_start3A_416 : memref<624x128xf32, #tpu.memory_space<hbm>>) target_semaphore(%run_scoped3A_415 : memref<!tpu.dma_semaphore, #tpu.memory_space<semaphore_mem>>)
      %dma_wait3A = arith.constant 0 : i32
      %dma_wait3A_419 = tpu.memref_slice %arg5[%add3A, %dma_wait3A] : memref<20000x128xf32, #tpu.memory_space<hbm>> -> memref<624x128xf32, #tpu.memory_space<hbm>>
      %dma_wait3A_420 = arith.constant 0 : i32
      %dma_wait3A_421 = tpu.memref_slice %arg11[%mul3A_405, %dma_wait3A_420] : memref<10000x128xf32, #tpu.memory_space<vmem_shared>> -> memref<624x128xf32, #tpu.memory_space<vmem_shared>>
      tpu.wait_dma2 semaphore(%run_scoped3A_415 : memref<!tpu.dma_semaphore, #tpu.memory_space<semaphore_mem>>) src(%dma_wait3A_421 : memref<624x128xf32, #tpu.memory_space<vmem_shared>>) dst(%dma_wait3A_419 : memref<624x128xf32, #tpu.memory_space<hbm>>)
      tpu.yield
    }) : () -> ()
    %eq3A_410 = arith.constant 15 : i32
    %eq3A_411 = arith.cmpi eq, %arg1, %eq3A_410 : i32
    %convert_element_type3A_412 = arith.extui %eq3A_411 : i1 to i32
    %cond3A_413 = arith.constant 0 : i32
    %cond3A_414 = arith.cmpi ne, %convert_element_type3A_412, %cond3A_413 : i32
    scf.if %cond3A_414 {
      %mul3A_415 = arith.constant 10000 : i32
      %mul3A_416 = arith.muli %arg0, %mul3A_415 : i32
      %add3A_417 = arith.constant 9984 : i32
      %add3A_418 = arith.addi %mul3A_416, %add3A_417 : i32
      "tpu.region"() ({
        %run_scoped3A_419 = tpu.sem_alloc : memref<!tpu.dma_semaphore, #tpu.memory_space<semaphore_mem>>
        %dma_start3A = arith.constant 0 : i32
        %dma_start3A_420 = tpu.memref_slice %arg5[%add3A_418, %dma_start3A] : memref<20000x128xf32, #tpu.memory_space<hbm>> -> memref<16x128xf32, #tpu.memory_space<hbm>>
        %dma_start3A_421 = arith.constant 9984 : i32
        %dma_start3A_422 = arith.constant 0 : i32
        %dma_start3A_423 = tpu.memref_slice %arg11[%dma_start3A_421, %dma_start3A_422] : memref<10000x128xf32, #tpu.memory_space<vmem_shared>> -> memref<16x128xf32, #tpu.memory_space<vmem_shared>>
        tpu.enqueue_dma source(%dma_start3A_423 : memref<16x128xf32, #tpu.memory_space<vmem_shared>>) target(%dma_start3A_420 : memref<16x128xf32, #tpu.memory_space<hbm>>) target_semaphore(%run_scoped3A_419 : memref<!tpu.dma_semaphore, #tpu.memory_space<semaphore_mem>>)
        %dma_wait3A = arith.constant 0 : i32
        %dma_wait3A_424 = tpu.memref_slice %arg5[%add3A_418, %dma_wait3A] : memref<20000x128xf32, #tpu.memory_space<hbm>> -> memref<16x128xf32, #tpu.memory_space<hbm>>
        %dma_wait3A_425 = arith.constant 9984 : i32
        %dma_wait3A_426 = arith.constant 0 : i32
        %dma_wait3A_427 = tpu.memref_slice %arg11[%dma_wait3A_425, %dma_wait3A_426] : memref<10000x128xf32, #tpu.memory_space<vmem_shared>> -> memref<16x128xf32, #tpu.memory_space<vmem_shared>>
        tpu.wait_dma2 semaphore(%run_scoped3A_419 : memref<!tpu.dma_semaphore, #tpu.memory_space<semaphore_mem>>) src(%dma_wait3A_427 : memref<16x128xf32, #tpu.memory_space<vmem_shared>>) dst(%dma_wait3A_424 : memref<16x128xf32, #tpu.memory_space<hbm>>)
        tpu.yield
      }) : () -> ()
    } else {
    }
    return
  }
}

#map = affine_map<(d0, d1) -> (0)>
module attributes {stable_mosaic.version = 14 : i64} {
  func.func @k(%arg0: i32, %arg1: i32, %arg2: memref<320000xi32, #tpu.memory_space<hbm>>, %arg3: memref<320000xf32, #tpu.memory_space<hbm>>, %arg4: memref<10000xf32, #tpu.memory_space<vmem>>, %arg5: memref<10000xi32, #tpu.memory_space<vmem>>) attributes {dimension_semantics = [#tpu.dimension_semantics<core_parallel>, #tpu.dimension_semantics<subcore_parallel>], iteration_bounds = array<i64: 2, 16>, scalar_prefetch = 0 : i64, scratch_operands = 2 : i64, tpu.core_type = #tpu.core_type<sc_vector_subcore>, window_params = [{transform_indices = #map}, {transform_indices = #map}]} {
    %mul3A = arith.constant 2 : i32
    %mul3A_0 = arith.muli %arg1, %mul3A : i32
    %add3A = arith.addi %mul3A_0, %arg0 : i32
    %broadcast_in_dim3A = arith.constant 0.000000e+00 : f32
    %broadcast_in_dim3A_1 = vector.broadcast %broadcast_in_dim3A : f32 to vector<16xf32>
    %scan3A = arith.constant 0 : i32
    %scan3A_2 = arith.constant 0 : i32
    %scan3A_3 = arith.constant 625 : i32
    %scan3A_4 = arith.addi %scan3A_2, %scan3A_3 : i32
    %scan3A_5 = arith.constant 1 : i32
    %scan3A_6 = scf.for %scan3A_21 = %scan3A_2 to %scan3A_4 step %scan3A_5 iter_args(%scan3A_22 = %scan3A) -> (i32)  : i32 {
      %mul3A_23 = arith.constant 16 : i32
      %mul3A_24 = arith.muli %scan3A_21, %mul3A_23 : i32
      %swap3A = arith.index_cast %mul3A_24 : i32 to index
      %swap3A_25 = tpu.vector_load %arg4[%swap3A] {strides = array<i32>} : memref<10000xf32, #tpu.memory_space<vmem>>, vector<16xf32>,
      tpu.vector_store %arg4[%swap3A], %broadcast_in_dim3A_1 {strides = array<i32>} : memref<10000xf32, #tpu.memory_space<vmem>>, vector<16xf32>,
      %scan3A_26 = arith.constant 0 : i32
      scf.yield %scan3A_26 : i32
    }
    %scan3A_7 = arith.constant 625 : i32
    %mul3A_8 = arith.constant 10000 : i32
    %mul3A_9 = arith.muli %add3A, %mul3A_8 : i32
    "tpu.region"() ({
      %run_scoped3A = tpu.sem_alloc : memref<!tpu.dma_semaphore, #tpu.memory_space<semaphore_mem>>
      %dma_start3A = tpu.memref_slice %arg2[%mul3A_9] : memref<320000xi32, #tpu.memory_space<hbm>> -> memref<10000xi32, #tpu.memory_space<hbm>>
      %dma_start3A_21 = tpu.memref_slice %arg2[%mul3A_9] : memref<320000xi32, #tpu.memory_space<hbm>> -> memref<10000xi32, #tpu.memory_space<hbm>>
      tpu.enqueue_dma source(%dma_start3A_21 : memref<10000xi32, #tpu.memory_space<hbm>>) target(%arg5 : memref<10000xi32, #tpu.memory_space<vmem>>) target_semaphore(%run_scoped3A : memref<!tpu.dma_semaphore, #tpu.memory_space<semaphore_mem>>)
      %dma_wait3A = tpu.memref_slice %arg2[%mul3A_9] : memref<320000xi32, #tpu.memory_space<hbm>> -> memref<10000xi32, #tpu.memory_space<hbm>>
      %dma_wait3A_22 = tpu.memref_slice %arg2[%mul3A_9] : memref<320000xi32, #tpu.memory_space<hbm>> -> memref<10000xi32, #tpu.memory_space<hbm>>
      tpu.wait_dma2 semaphore(%run_scoped3A : memref<!tpu.dma_semaphore, #tpu.memory_space<semaphore_mem>>) src(%dma_wait3A_22 : memref<10000xi32, #tpu.memory_space<hbm>>) dst(%arg5 : memref<10000xi32, #tpu.memory_space<vmem>>)
      tpu.yield
    }) : () -> ()
    %broadcast_in_dim3A_10 = arith.constant 1.000000e+00 : f32
    %broadcast_in_dim3A_11 = vector.broadcast %broadcast_in_dim3A_10 : f32 to vector<16xf32>
    %scan3A_12 = arith.constant 0 : i32
    %scan3A_13 = arith.constant 0 : i32
    %scan3A_14 = arith.constant 625 : i32
    %scan3A_15 = arith.addi %scan3A_13, %scan3A_14 : i32
    %scan3A_16 = arith.constant 1 : i32
    %scan3A_17 = scf.for %scan3A_21 = %scan3A_13 to %scan3A_15 step %scan3A_16 iter_args(%scan3A_22 = %scan3A_12) -> (i32)  : i32 {
      %mul3A_23 = arith.constant 16 : i32
      %mul3A_24 = arith.muli %scan3A_21, %mul3A_23 : i32
      %get3A = arith.index_cast %mul3A_24 : i32 to index
      %get3A_25 = tpu.vector_load %arg5[%get3A] {strides = array<i32>} : memref<10000xi32, #tpu.memory_space<vmem>>, vector<16xi32>,
      tpu.vector_store_idx %arg4[%get3A_25], %broadcast_in_dim3A_11 {add = true} : memref<10000xf32, #tpu.memory_space<vmem>>[vector<16xi32>], vector<16xf32>,
      %scan3A_26 = arith.constant 0 : i32
      scf.yield %scan3A_26 : i32
    }
    %scan3A_18 = arith.constant 625 : i32
    %mul3A_19 = arith.constant 10000 : i32
    %mul3A_20 = arith.muli %add3A, %mul3A_19 : i32
    "tpu.region"() ({
      %run_scoped3A = tpu.sem_alloc : memref<!tpu.dma_semaphore, #tpu.memory_space<semaphore_mem>>
      %dma_start3A = tpu.memref_slice %arg3[%mul3A_20] : memref<320000xf32, #tpu.memory_space<hbm>> -> memref<10000xf32, #tpu.memory_space<hbm>>
      %dma_start3A_21 = tpu.memref_slice %arg3[%mul3A_20] : memref<320000xf32, #tpu.memory_space<hbm>> -> memref<10000xf32, #tpu.memory_space<hbm>>
      tpu.enqueue_dma source(%arg4 : memref<10000xf32, #tpu.memory_space<vmem>>) target(%dma_start3A_21 : memref<10000xf32, #tpu.memory_space<hbm>>) target_semaphore(%run_scoped3A : memref<!tpu.dma_semaphore, #tpu.memory_space<semaphore_mem>>)
      %dma_wait3A = tpu.memref_slice %arg3[%mul3A_20] : memref<320000xf32, #tpu.memory_space<hbm>> -> memref<10000xf32, #tpu.memory_space<hbm>>
      %dma_wait3A_22 = tpu.memref_slice %arg3[%mul3A_20] : memref<320000xf32, #tpu.memory_space<hbm>> -> memref<10000xf32, #tpu.memory_space<hbm>>
      tpu.wait_dma2 semaphore(%run_scoped3A : memref<!tpu.dma_semaphore, #tpu.memory_space<semaphore_mem>>) src(%arg4 : memref<10000xf32, #tpu.memory_space<vmem>>) dst(%dma_wait3A_22 : memref<10000xf32, #tpu.memory_space<hbm>>)
      tpu.yield
    }) : () -> ()
    return
  }
}

#map = affine_map<(d0, d1) -> (0, 0)>
module attributes {stable_mosaic.version = 14 : i64} {
  func.func @k(%arg0: i32, %arg1: i32, %arg2: memref<2560x125xi32, #tpu.memory_space<hbm>>, %arg3: memref<2560x125xi32, #tpu.memory_space<hbm>>, %arg4: memref<20000x128xf32, #tpu.memory_space<hbm>>, %arg5: memref<20000x128xf32, #tpu.memory_space<hbm>>, %arg6: memref<2x32x125xi32, #tpu.memory_space<vmem>>, %arg7: memref<2x32x125xi32, #tpu.memory_space<vmem>>, %arg8: memref<125x128xf32, #tpu.memory_space<vmem>>, %arg9: memref<125x128xf32, #tpu.memory_space<vmem>>, %arg10: memref<8x128xf32, #tpu.memory_space<vmem>>, %arg11: memref<10000x128xf32, #tpu.memory_space<vmem_shared>>, %arg12: memref<!tpu.dma_semaphore, #tpu.memory_space<semaphore_mem>>, %arg13: memref<!tpu.dma_semaphore, #tpu.memory_space<semaphore_mem>>, %arg14: memref<!tpu.dma_semaphore, #tpu.memory_space<semaphore_mem>>, %arg15: memref<!tpu.dma_semaphore, #tpu.memory_space<semaphore_mem>>, %arg16: memref<!tpu.dma_semaphore, #tpu.memory_space<semaphore_mem>>) attributes {dimension_semantics = [#tpu.dimension_semantics<core_parallel>, #tpu.dimension_semantics<subcore_parallel>], iteration_bounds = array<i64: 2, 16>, scalar_prefetch = 0 : i64, scratch_operands = 11 : i64, tpu.core_type = #tpu.core_type<sc_vector_subcore>, window_params = [{transform_indices = #map}, {transform_indices = #map}, {transform_indices = #map}, {transform_indices = #map}]} {
    %broadcast_in_dim3A = arith.constant 0.000000e+00 : f32
    %broadcast_in_dim3A_0 = vector.broadcast %broadcast_in_dim3A : f32 to vector<16xf32>
    %swap3A = arith.constant 0 : i32
    %swap3A_1 = arith.index_cast %swap3A : i32 to index
    %swap3A_2 = arith.constant 0 : index
    %swap3A_3 = tpu.vector_load %arg10[%swap3A_1, %swap3A_2] {strides = array<i32>} : memref<8x128xf32, #tpu.memory_space<vmem>>, vector<1x16xf32>,
    %swap3A_4 = vector.shape_cast %swap3A_3 : vector<1x16xf32> to vector<16xf32>
    %swap3A_5 = vector.shape_cast %broadcast_in_dim3A_0 : vector<16xf32> to vector<1x16xf32>
    tpu.vector_store %arg10[%swap3A_1, %swap3A_2], %swap3A_5 {strides = array<i32>} : memref<8x128xf32, #tpu.memory_space<vmem>>, vector<1x16xf32>,
    %swap3A_6 = arith.constant 0 : i32
    %swap3A_7 = arith.index_cast %swap3A_6 : i32 to index
    %swap3A_8 = arith.constant 16 : index
    %swap3A_9 = tpu.vector_load %arg10[%swap3A_7, %swap3A_8] {strides = array<i32>} : memref<8x128xf32, #tpu.memory_space<vmem>>, vector<1x16xf32>,
    %swap3A_10 = vector.shape_cast %swap3A_9 : vector<1x16xf32> to vector<16xf32>
    %swap3A_11 = vector.shape_cast %broadcast_in_dim3A_0 : vector<16xf32> to vector<1x16xf32>
    tpu.vector_store %arg10[%swap3A_7, %swap3A_8], %swap3A_11 {strides = array<i32>} : memref<8x128xf32, #tpu.memory_space<vmem>>, vector<1x16xf32>,
    %swap3A_12 = arith.constant 0 : i32
    %swap3A_13 = arith.index_cast %swap3A_12 : i32 to index
    %swap3A_14 = arith.constant 32 : index
    %swap3A_15 = tpu.vector_load %arg10[%swap3A_13, %swap3A_14] {strides = array<i32>} : memref<8x128xf32, #tpu.memory_space<vmem>>, vector<1x16xf32>,
    %swap3A_16 = vector.shape_cast %swap3A_15 : vector<1x16xf32> to vector<16xf32>
    %swap3A_17 = vector.shape_cast %broadcast_in_dim3A_0 : vector<16xf32> to vector<1x16xf32>
    tpu.vector_store %arg10[%swap3A_13, %swap3A_14], %swap3A_17 {strides = array<i32>} : memref<8x128xf32, #tpu.memory_space<vmem>>, vector<1x16xf32>,
    %swap3A_18 = arith.constant 0 : i32
    %swap3A_19 = arith.index_cast %swap3A_18 : i32 to index
    %swap3A_20 = arith.constant 48 : index
    %swap3A_21 = tpu.vector_load %arg10[%swap3A_19, %swap3A_20] {strides = array<i32>} : memref<8x128xf32, #tpu.memory_space<vmem>>, vector<1x16xf32>,
    %swap3A_22 = vector.shape_cast %swap3A_21 : vector<1x16xf32> to vector<16xf32>
    %swap3A_23 = vector.shape_cast %broadcast_in_dim3A_0 : vector<16xf32> to vector<1x16xf32>
    tpu.vector_store %arg10[%swap3A_19, %swap3A_20], %swap3A_23 {strides = array<i32>} : memref<8x128xf32, #tpu.memory_space<vmem>>, vector<1x16xf32>,
    %swap3A_24 = arith.constant 0 : i32
    %swap3A_25 = arith.index_cast %swap3A_24 : i32 to index
    %swap3A_26 = arith.constant 64 : index
    %swap3A_27 = tpu.vector_load %arg10[%swap3A_25, %swap3A_26] {strides = array<i32>} : memref<8x128xf32, #tpu.memory_space<vmem>>, vector<1x16xf32>,
    %swap3A_28 = vector.shape_cast %swap3A_27 : vector<1x16xf32> to vector<16xf32>
    %swap3A_29 = vector.shape_cast %broadcast_in_dim3A_0 : vector<16xf32> to vector<1x16xf32>
    tpu.vector_store %arg10[%swap3A_25, %swap3A_26], %swap3A_29 {strides = array<i32>} : memref<8x128xf32, #tpu.memory_space<vmem>>, vector<1x16xf32>,
    %swap3A_30 = arith.constant 0 : i32
    %swap3A_31 = arith.index_cast %swap3A_30 : i32 to index
    %swap3A_32 = arith.constant 80 : index
    %swap3A_33 = tpu.vector_load %arg10[%swap3A_31, %swap3A_32] {strides = array<i32>} : memref<8x128xf32, #tpu.memory_space<vmem>>, vector<1x16xf32>,
    %swap3A_34 = vector.shape_cast %swap3A_33 : vector<1x16xf32> to vector<16xf32>
    %swap3A_35 = vector.shape_cast %broadcast_in_dim3A_0 : vector<16xf32> to vector<1x16xf32>
    tpu.vector_store %arg10[%swap3A_31, %swap3A_32], %swap3A_35 {strides = array<i32>} : memref<8x128xf32, #tpu.memory_space<vmem>>, vector<1x16xf32>,
    %swap3A_36 = arith.constant 0 : i32
    %swap3A_37 = arith.index_cast %swap3A_36 : i32 to index
    %swap3A_38 = arith.constant 96 : index
    %swap3A_39 = tpu.vector_load %arg10[%swap3A_37, %swap3A_38] {strides = array<i32>} : memref<8x128xf32, #tpu.memory_space<vmem>>, vector<1x16xf32>,
    %swap3A_40 = vector.shape_cast %swap3A_39 : vector<1x16xf32> to vector<16xf32>
    %swap3A_41 = vector.shape_cast %broadcast_in_dim3A_0 : vector<16xf32> to vector<1x16xf32>
    tpu.vector_store %arg10[%swap3A_37, %swap3A_38], %swap3A_41 {strides = array<i32>} : memref<8x128xf32, #tpu.memory_space<vmem>>, vector<1x16xf32>,
    %swap3A_42 = arith.constant 0 : i32
    %swap3A_43 = arith.index_cast %swap3A_42 : i32 to index
    %swap3A_44 = arith.constant 112 : index
    %swap3A_45 = tpu.vector_load %arg10[%swap3A_43, %swap3A_44] {strides = array<i32>} : memref<8x128xf32, #tpu.memory_space<vmem>>, vector<1x16xf32>,
    %swap3A_46 = vector.shape_cast %swap3A_45 : vector<1x16xf32> to vector<16xf32>
    %swap3A_47 = vector.shape_cast %broadcast_in_dim3A_0 : vector<16xf32> to vector<1x16xf32>
    tpu.vector_store %arg10[%swap3A_43, %swap3A_44], %swap3A_47 {strides = array<i32>} : memref<8x128xf32, #tpu.memory_space<vmem>>, vector<1x16xf32>,
    %swap3A_48 = arith.constant 1 : i32
    %swap3A_49 = arith.index_cast %swap3A_48 : i32 to index
    %swap3A_50 = arith.constant 0 : index
    %swap3A_51 = tpu.vector_load %arg10[%swap3A_49, %swap3A_50] {strides = array<i32>} : memref<8x128xf32, #tpu.memory_space<vmem>>, vector<1x16xf32>,
    %swap3A_52 = vector.shape_cast %swap3A_51 : vector<1x16xf32> to vector<16xf32>
    %swap3A_53 = vector.shape_cast %broadcast_in_dim3A_0 : vector<16xf32> to vector<1x16xf32>
    tpu.vector_store %arg10[%swap3A_49, %swap3A_50], %swap3A_53 {strides = array<i32>} : memref<8x128xf32, #tpu.memory_space<vmem>>, vector<1x16xf32>,
    %swap3A_54 = arith.constant 1 : i32
    %swap3A_55 = arith.index_cast %swap3A_54 : i32 to index
    %swap3A_56 = arith.constant 16 : index
    %swap3A_57 = tpu.vector_load %arg10[%swap3A_55, %swap3A_56] {strides = array<i32>} : memref<8x128xf32, #tpu.memory_space<vmem>>, vector<1x16xf32>,
    %swap3A_58 = vector.shape_cast %swap3A_57 : vector<1x16xf32> to vector<16xf32>
    %swap3A_59 = vector.shape_cast %broadcast_in_dim3A_0 : vector<16xf32> to vector<1x16xf32>
    tpu.vector_store %arg10[%swap3A_55, %swap3A_56], %swap3A_59 {strides = array<i32>} : memref<8x128xf32, #tpu.memory_space<vmem>>, vector<1x16xf32>,
    %swap3A_60 = arith.constant 1 : i32
    %swap3A_61 = arith.index_cast %swap3A_60 : i32 to index
    %swap3A_62 = arith.constant 32 : index
    %swap3A_63 = tpu.vector_load %arg10[%swap3A_61, %swap3A_62] {strides = array<i32>} : memref<8x128xf32, #tpu.memory_space<vmem>>, vector<1x16xf32>,
    %swap3A_64 = vector.shape_cast %swap3A_63 : vector<1x16xf32> to vector<16xf32>
    %swap3A_65 = vector.shape_cast %broadcast_in_dim3A_0 : vector<16xf32> to vector<1x16xf32>
    tpu.vector_store %arg10[%swap3A_61, %swap3A_62], %swap3A_65 {strides = array<i32>} : memref<8x128xf32, #tpu.memory_space<vmem>>, vector<1x16xf32>,
    %swap3A_66 = arith.constant 1 : i32
    %swap3A_67 = arith.index_cast %swap3A_66 : i32 to index
    %swap3A_68 = arith.constant 48 : index
    %swap3A_69 = tpu.vector_load %arg10[%swap3A_67, %swap3A_68] {strides = array<i32>} : memref<8x128xf32, #tpu.memory_space<vmem>>, vector<1x16xf32>,
    %swap3A_70 = vector.shape_cast %swap3A_69 : vector<1x16xf32> to vector<16xf32>
    %swap3A_71 = vector.shape_cast %broadcast_in_dim3A_0 : vector<16xf32> to vector<1x16xf32>
    tpu.vector_store %arg10[%swap3A_67, %swap3A_68], %swap3A_71 {strides = array<i32>} : memref<8x128xf32, #tpu.memory_space<vmem>>, vector<1x16xf32>,
    %swap3A_72 = arith.constant 1 : i32
    %swap3A_73 = arith.index_cast %swap3A_72 : i32 to index
    %swap3A_74 = arith.constant 64 : index
    %swap3A_75 = tpu.vector_load %arg10[%swap3A_73, %swap3A_74] {strides = array<i32>} : memref<8x128xf32, #tpu.memory_space<vmem>>, vector<1x16xf32>,
    %swap3A_76 = vector.shape_cast %swap3A_75 : vector<1x16xf32> to vector<16xf32>
    %swap3A_77 = vector.shape_cast %broadcast_in_dim3A_0 : vector<16xf32> to vector<1x16xf32>
    tpu.vector_store %arg10[%swap3A_73, %swap3A_74], %swap3A_77 {strides = array<i32>} : memref<8x128xf32, #tpu.memory_space<vmem>>, vector<1x16xf32>,
    %swap3A_78 = arith.constant 1 : i32
    %swap3A_79 = arith.index_cast %swap3A_78 : i32 to index
    %swap3A_80 = arith.constant 80 : index
    %swap3A_81 = tpu.vector_load %arg10[%swap3A_79, %swap3A_80] {strides = array<i32>} : memref<8x128xf32, #tpu.memory_space<vmem>>, vector<1x16xf32>,
    %swap3A_82 = vector.shape_cast %swap3A_81 : vector<1x16xf32> to vector<16xf32>
    %swap3A_83 = vector.shape_cast %broadcast_in_dim3A_0 : vector<16xf32> to vector<1x16xf32>
    tpu.vector_store %arg10[%swap3A_79, %swap3A_80], %swap3A_83 {strides = array<i32>} : memref<8x128xf32, #tpu.memory_space<vmem>>, vector<1x16xf32>,
    %swap3A_84 = arith.constant 1 : i32
    %swap3A_85 = arith.index_cast %swap3A_84 : i32 to index
    %swap3A_86 = arith.constant 96 : index
    %swap3A_87 = tpu.vector_load %arg10[%swap3A_85, %swap3A_86] {strides = array<i32>} : memref<8x128xf32, #tpu.memory_space<vmem>>, vector<1x16xf32>,
    %swap3A_88 = vector.shape_cast %swap3A_87 : vector<1x16xf32> to vector<16xf32>
    %swap3A_89 = vector.shape_cast %broadcast_in_dim3A_0 : vector<16xf32> to vector<1x16xf32>
    tpu.vector_store %arg10[%swap3A_85, %swap3A_86], %swap3A_89 {strides = array<i32>} : memref<8x128xf32, #tpu.memory_space<vmem>>, vector<1x16xf32>,
    %swap3A_90 = arith.constant 1 : i32
    %swap3A_91 = arith.index_cast %swap3A_90 : i32 to index
    %swap3A_92 = arith.constant 112 : index
    %swap3A_93 = tpu.vector_load %arg10[%swap3A_91, %swap3A_92] {strides = array<i32>} : memref<8x128xf32, #tpu.memory_space<vmem>>, vector<1x16xf32>,
    %swap3A_94 = vector.shape_cast %swap3A_93 : vector<1x16xf32> to vector<16xf32>
    %swap3A_95 = vector.shape_cast %broadcast_in_dim3A_0 : vector<16xf32> to vector<1x16xf32>
    tpu.vector_store %arg10[%swap3A_91, %swap3A_92], %swap3A_95 {strides = array<i32>} : memref<8x128xf32, #tpu.memory_space<vmem>>, vector<1x16xf32>,
    %swap3A_96 = arith.constant 2 : i32
    %swap3A_97 = arith.index_cast %swap3A_96 : i32 to index
    %swap3A_98 = arith.constant 0 : index
    %swap3A_99 = tpu.vector_load %arg10[%swap3A_97, %swap3A_98] {strides = array<i32>} : memref<8x128xf32, #tpu.memory_space<vmem>>, vector<1x16xf32>,
    %swap3A_100 = vector.shape_cast %swap3A_99 : vector<1x16xf32> to vector<16xf32>
    %swap3A_101 = vector.shape_cast %broadcast_in_dim3A_0 : vector<16xf32> to vector<1x16xf32>
    tpu.vector_store %arg10[%swap3A_97, %swap3A_98], %swap3A_101 {strides = array<i32>} : memref<8x128xf32, #tpu.memory_space<vmem>>, vector<1x16xf32>,
    %swap3A_102 = arith.constant 2 : i32
    %swap3A_103 = arith.index_cast %swap3A_102 : i32 to index
    %swap3A_104 = arith.constant 16 : index
    %swap3A_105 = tpu.vector_load %arg10[%swap3A_103, %swap3A_104] {strides = array<i32>} : memref<8x128xf32, #tpu.memory_space<vmem>>, vector<1x16xf32>,
    %swap3A_106 = vector.shape_cast %swap3A_105 : vector<1x16xf32> to vector<16xf32>
    %swap3A_107 = vector.shape_cast %broadcast_in_dim3A_0 : vector<16xf32> to vector<1x16xf32>
    tpu.vector_store %arg10[%swap3A_103, %swap3A_104], %swap3A_107 {strides = array<i32>} : memref<8x128xf32, #tpu.memory_space<vmem>>, vector<1x16xf32>,
    %swap3A_108 = arith.constant 2 : i32
    %swap3A_109 = arith.index_cast %swap3A_108 : i32 to index
    %swap3A_110 = arith.constant 32 : index
    %swap3A_111 = tpu.vector_load %arg10[%swap3A_109, %swap3A_110] {strides = array<i32>} : memref<8x128xf32, #tpu.memory_space<vmem>>, vector<1x16xf32>,
    %swap3A_112 = vector.shape_cast %swap3A_111 : vector<1x16xf32> to vector<16xf32>
    %swap3A_113 = vector.shape_cast %broadcast_in_dim3A_0 : vector<16xf32> to vector<1x16xf32>
    tpu.vector_store %arg10[%swap3A_109, %swap3A_110], %swap3A_113 {strides = array<i32>} : memref<8x128xf32, #tpu.memory_space<vmem>>, vector<1x16xf32>,
    %swap3A_114 = arith.constant 2 : i32
    %swap3A_115 = arith.index_cast %swap3A_114 : i32 to index
    %swap3A_116 = arith.constant 48 : index
    %swap3A_117 = tpu.vector_load %arg10[%swap3A_115, %swap3A_116] {strides = array<i32>} : memref<8x128xf32, #tpu.memory_space<vmem>>, vector<1x16xf32>,
    %swap3A_118 = vector.shape_cast %swap3A_117 : vector<1x16xf32> to vector<16xf32>
    %swap3A_119 = vector.shape_cast %broadcast_in_dim3A_0 : vector<16xf32> to vector<1x16xf32>
    tpu.vector_store %arg10[%swap3A_115, %swap3A_116], %swap3A_119 {strides = array<i32>} : memref<8x128xf32, #tpu.memory_space<vmem>>, vector<1x16xf32>,
    %swap3A_120 = arith.constant 2 : i32
    %swap3A_121 = arith.index_cast %swap3A_120 : i32 to index
    %swap3A_122 = arith.constant 64 : index
    %swap3A_123 = tpu.vector_load %arg10[%swap3A_121, %swap3A_122] {strides = array<i32>} : memref<8x128xf32, #tpu.memory_space<vmem>>, vector<1x16xf32>,
    %swap3A_124 = vector.shape_cast %swap3A_123 : vector<1x16xf32> to vector<16xf32>
    %swap3A_125 = vector.shape_cast %broadcast_in_dim3A_0 : vector<16xf32> to vector<1x16xf32>
    tpu.vector_store %arg10[%swap3A_121, %swap3A_122], %swap3A_125 {strides = array<i32>} : memref<8x128xf32, #tpu.memory_space<vmem>>, vector<1x16xf32>,
    %swap3A_126 = arith.constant 2 : i32
    %swap3A_127 = arith.index_cast %swap3A_126 : i32 to index
    %swap3A_128 = arith.constant 80 : index
    %swap3A_129 = tpu.vector_load %arg10[%swap3A_127, %swap3A_128] {strides = array<i32>} : memref<8x128xf32, #tpu.memory_space<vmem>>, vector<1x16xf32>,
    %swap3A_130 = vector.shape_cast %swap3A_129 : vector<1x16xf32> to vector<16xf32>
    %swap3A_131 = vector.shape_cast %broadcast_in_dim3A_0 : vector<16xf32> to vector<1x16xf32>
    tpu.vector_store %arg10[%swap3A_127, %swap3A_128], %swap3A_131 {strides = array<i32>} : memref<8x128xf32, #tpu.memory_space<vmem>>, vector<1x16xf32>,
    %swap3A_132 = arith.constant 2 : i32
    %swap3A_133 = arith.index_cast %swap3A_132 : i32 to index
    %swap3A_134 = arith.constant 96 : index
    %swap3A_135 = tpu.vector_load %arg10[%swap3A_133, %swap3A_134] {strides = array<i32>} : memref<8x128xf32, #tpu.memory_space<vmem>>, vector<1x16xf32>,
    %swap3A_136 = vector.shape_cast %swap3A_135 : vector<1x16xf32> to vector<16xf32>
    %swap3A_137 = vector.shape_cast %broadcast_in_dim3A_0 : vector<16xf32> to vector<1x16xf32>
    tpu.vector_store %arg10[%swap3A_133, %swap3A_134], %swap3A_137 {strides = array<i32>} : memref<8x128xf32, #tpu.memory_space<vmem>>, vector<1x16xf32>,
    %swap3A_138 = arith.constant 2 : i32
    %swap3A_139 = arith.index_cast %swap3A_138 : i32 to index
    %swap3A_140 = arith.constant 112 : index
    %swap3A_141 = tpu.vector_load %arg10[%swap3A_139, %swap3A_140] {strides = array<i32>} : memref<8x128xf32, #tpu.memory_space<vmem>>, vector<1x16xf32>,
    %swap3A_142 = vector.shape_cast %swap3A_141 : vector<1x16xf32> to vector<16xf32>
    %swap3A_143 = vector.shape_cast %broadcast_in_dim3A_0 : vector<16xf32> to vector<1x16xf32>
    tpu.vector_store %arg10[%swap3A_139, %swap3A_140], %swap3A_143 {strides = array<i32>} : memref<8x128xf32, #tpu.memory_space<vmem>>, vector<1x16xf32>,
    %swap3A_144 = arith.constant 3 : i32
    %swap3A_145 = arith.index_cast %swap3A_144 : i32 to index
    %swap3A_146 = arith.constant 0 : index
    %swap3A_147 = tpu.vector_load %arg10[%swap3A_145, %swap3A_146] {strides = array<i32>} : memref<8x128xf32, #tpu.memory_space<vmem>>, vector<1x16xf32>,
    %swap3A_148 = vector.shape_cast %swap3A_147 : vector<1x16xf32> to vector<16xf32>
    %swap3A_149 = vector.shape_cast %broadcast_in_dim3A_0 : vector<16xf32> to vector<1x16xf32>
    tpu.vector_store %arg10[%swap3A_145, %swap3A_146], %swap3A_149 {strides = array<i32>} : memref<8x128xf32, #tpu.memory_space<vmem>>, vector<1x16xf32>,
    %swap3A_150 = arith.constant 3 : i32
    %swap3A_151 = arith.index_cast %swap3A_150 : i32 to index
    %swap3A_152 = arith.constant 16 : index
    %swap3A_153 = tpu.vector_load %arg10[%swap3A_151, %swap3A_152] {strides = array<i32>} : memref<8x128xf32, #tpu.memory_space<vmem>>, vector<1x16xf32>,
    %swap3A_154 = vector.shape_cast %swap3A_153 : vector<1x16xf32> to vector<16xf32>
    %swap3A_155 = vector.shape_cast %broadcast_in_dim3A_0 : vector<16xf32> to vector<1x16xf32>
    tpu.vector_store %arg10[%swap3A_151, %swap3A_152], %swap3A_155 {strides = array<i32>} : memref<8x128xf32, #tpu.memory_space<vmem>>, vector<1x16xf32>,
    %swap3A_156 = arith.constant 3 : i32
    %swap3A_157 = arith.index_cast %swap3A_156 : i32 to index
    %swap3A_158 = arith.constant 32 : index
    %swap3A_159 = tpu.vector_load %arg10[%swap3A_157, %swap3A_158] {strides = array<i32>} : memref<8x128xf32, #tpu.memory_space<vmem>>, vector<1x16xf32>,
    %swap3A_160 = vector.shape_cast %swap3A_159 : vector<1x16xf32> to vector<16xf32>
    %swap3A_161 = vector.shape_cast %broadcast_in_dim3A_0 : vector<16xf32> to vector<1x16xf32>
    tpu.vector_store %arg10[%swap3A_157, %swap3A_158], %swap3A_161 {strides = array<i32>} : memref<8x128xf32, #tpu.memory_space<vmem>>, vector<1x16xf32>,
    %swap3A_162 = arith.constant 3 : i32
    %swap3A_163 = arith.index_cast %swap3A_162 : i32 to index
    %swap3A_164 = arith.constant 48 : index
    %swap3A_165 = tpu.vector_load %arg10[%swap3A_163, %swap3A_164] {strides = array<i32>} : memref<8x128xf32, #tpu.memory_space<vmem>>, vector<1x16xf32>,
    %swap3A_166 = vector.shape_cast %swap3A_165 : vector<1x16xf32> to vector<16xf32>
    %swap3A_167 = vector.shape_cast %broadcast_in_dim3A_0 : vector<16xf32> to vector<1x16xf32>
    tpu.vector_store %arg10[%swap3A_163, %swap3A_164], %swap3A_167 {strides = array<i32>} : memref<8x128xf32, #tpu.memory_space<vmem>>, vector<1x16xf32>,
    %swap3A_168 = arith.constant 3 : i32
    %swap3A_169 = arith.index_cast %swap3A_168 : i32 to index
    %swap3A_170 = arith.constant 64 : index
    %swap3A_171 = tpu.vector_load %arg10[%swap3A_169, %swap3A_170] {strides = array<i32>} : memref<8x128xf32, #tpu.memory_space<vmem>>, vector<1x16xf32>,
    %swap3A_172 = vector.shape_cast %swap3A_171 : vector<1x16xf32> to vector<16xf32>
    %swap3A_173 = vector.shape_cast %broadcast_in_dim3A_0 : vector<16xf32> to vector<1x16xf32>
    tpu.vector_store %arg10[%swap3A_169, %swap3A_170], %swap3A_173 {strides = array<i32>} : memref<8x128xf32, #tpu.memory_space<vmem>>, vector<1x16xf32>,
    %swap3A_174 = arith.constant 3 : i32
    %swap3A_175 = arith.index_cast %swap3A_174 : i32 to index
    %swap3A_176 = arith.constant 80 : index
    %swap3A_177 = tpu.vector_load %arg10[%swap3A_175, %swap3A_176] {strides = array<i32>} : memref<8x128xf32, #tpu.memory_space<vmem>>, vector<1x16xf32>,
    %swap3A_178 = vector.shape_cast %swap3A_177 : vector<1x16xf32> to vector<16xf32>
    %swap3A_179 = vector.shape_cast %broadcast_in_dim3A_0 : vector<16xf32> to vector<1x16xf32>
    tpu.vector_store %arg10[%swap3A_175, %swap3A_176], %swap3A_179 {strides = array<i32>} : memref<8x128xf32, #tpu.memory_space<vmem>>, vector<1x16xf32>,
    %swap3A_180 = arith.constant 3 : i32
    %swap3A_181 = arith.index_cast %swap3A_180 : i32 to index
    %swap3A_182 = arith.constant 96 : index
    %swap3A_183 = tpu.vector_load %arg10[%swap3A_181, %swap3A_182] {strides = array<i32>} : memref<8x128xf32, #tpu.memory_space<vmem>>, vector<1x16xf32>,
    %swap3A_184 = vector.shape_cast %swap3A_183 : vector<1x16xf32> to vector<16xf32>
    %swap3A_185 = vector.shape_cast %broadcast_in_dim3A_0 : vector<16xf32> to vector<1x16xf32>
    tpu.vector_store %arg10[%swap3A_181, %swap3A_182], %swap3A_185 {strides = array<i32>} : memref<8x128xf32, #tpu.memory_space<vmem>>, vector<1x16xf32>,
    %swap3A_186 = arith.constant 3 : i32
    %swap3A_187 = arith.index_cast %swap3A_186 : i32 to index
    %swap3A_188 = arith.constant 112 : index
    %swap3A_189 = tpu.vector_load %arg10[%swap3A_187, %swap3A_188] {strides = array<i32>} : memref<8x128xf32, #tpu.memory_space<vmem>>, vector<1x16xf32>,
    %swap3A_190 = vector.shape_cast %swap3A_189 : vector<1x16xf32> to vector<16xf32>
    %swap3A_191 = vector.shape_cast %broadcast_in_dim3A_0 : vector<16xf32> to vector<1x16xf32>
    tpu.vector_store %arg10[%swap3A_187, %swap3A_188], %swap3A_191 {strides = array<i32>} : memref<8x128xf32, #tpu.memory_space<vmem>>, vector<1x16xf32>,
    %swap3A_192 = arith.constant 4 : i32
    %swap3A_193 = arith.index_cast %swap3A_192 : i32 to index
    %swap3A_194 = arith.constant 0 : index
    %swap3A_195 = tpu.vector_load %arg10[%swap3A_193, %swap3A_194] {strides = array<i32>} : memref<8x128xf32, #tpu.memory_space<vmem>>, vector<1x16xf32>,
    %swap3A_196 = vector.shape_cast %swap3A_195 : vector<1x16xf32> to vector<16xf32>
    %swap3A_197 = vector.shape_cast %broadcast_in_dim3A_0 : vector<16xf32> to vector<1x16xf32>
    tpu.vector_store %arg10[%swap3A_193, %swap3A_194], %swap3A_197 {strides = array<i32>} : memref<8x128xf32, #tpu.memory_space<vmem>>, vector<1x16xf32>,
    %swap3A_198 = arith.constant 4 : i32
    %swap3A_199 = arith.index_cast %swap3A_198 : i32 to index
    %swap3A_200 = arith.constant 16 : index
    %swap3A_201 = tpu.vector_load %arg10[%swap3A_199, %swap3A_200] {strides = array<i32>} : memref<8x128xf32, #tpu.memory_space<vmem>>, vector<1x16xf32>,
    %swap3A_202 = vector.shape_cast %swap3A_201 : vector<1x16xf32> to vector<16xf32>
    %swap3A_203 = vector.shape_cast %broadcast_in_dim3A_0 : vector<16xf32> to vector<1x16xf32>
    tpu.vector_store %arg10[%swap3A_199, %swap3A_200], %swap3A_203 {strides = array<i32>} : memref<8x128xf32, #tpu.memory_space<vmem>>, vector<1x16xf32>,
    %swap3A_204 = arith.constant 4 : i32
    %swap3A_205 = arith.index_cast %swap3A_204 : i32 to index
    %swap3A_206 = arith.constant 32 : index
    %swap3A_207 = tpu.vector_load %arg10[%swap3A_205, %swap3A_206] {strides = array<i32>} : memref<8x128xf32, #tpu.memory_space<vmem>>, vector<1x16xf32>,
    %swap3A_208 = vector.shape_cast %swap3A_207 : vector<1x16xf32> to vector<16xf32>
    %swap3A_209 = vector.shape_cast %broadcast_in_dim3A_0 : vector<16xf32> to vector<1x16xf32>
    tpu.vector_store %arg10[%swap3A_205, %swap3A_206], %swap3A_209 {strides = array<i32>} : memref<8x128xf32, #tpu.memory_space<vmem>>, vector<1x16xf32>,
    %swap3A_210 = arith.constant 4 : i32
    %swap3A_211 = arith.index_cast %swap3A_210 : i32 to index
    %swap3A_212 = arith.constant 48 : index
    %swap3A_213 = tpu.vector_load %arg10[%swap3A_211, %swap3A_212] {strides = array<i32>} : memref<8x128xf32, #tpu.memory_space<vmem>>, vector<1x16xf32>,
    %swap3A_214 = vector.shape_cast %swap3A_213 : vector<1x16xf32> to vector<16xf32>
    %swap3A_215 = vector.shape_cast %broadcast_in_dim3A_0 : vector<16xf32> to vector<1x16xf32>
    tpu.vector_store %arg10[%swap3A_211, %swap3A_212], %swap3A_215 {strides = array<i32>} : memref<8x128xf32, #tpu.memory_space<vmem>>, vector<1x16xf32>,
    %swap3A_216 = arith.constant 4 : i32
    %swap3A_217 = arith.index_cast %swap3A_216 : i32 to index
    %swap3A_218 = arith.constant 64 : index
    %swap3A_219 = tpu.vector_load %arg10[%swap3A_217, %swap3A_218] {strides = array<i32>} : memref<8x128xf32, #tpu.memory_space<vmem>>, vector<1x16xf32>,
    %swap3A_220 = vector.shape_cast %swap3A_219 : vector<1x16xf32> to vector<16xf32>
    %swap3A_221 = vector.shape_cast %broadcast_in_dim3A_0 : vector<16xf32> to vector<1x16xf32>
    tpu.vector_store %arg10[%swap3A_217, %swap3A_218], %swap3A_221 {strides = array<i32>} : memref<8x128xf32, #tpu.memory_space<vmem>>, vector<1x16xf32>,
    %swap3A_222 = arith.constant 4 : i32
    %swap3A_223 = arith.index_cast %swap3A_222 : i32 to index
    %swap3A_224 = arith.constant 80 : index
    %swap3A_225 = tpu.vector_load %arg10[%swap3A_223, %swap3A_224] {strides = array<i32>} : memref<8x128xf32, #tpu.memory_space<vmem>>, vector<1x16xf32>,
    %swap3A_226 = vector.shape_cast %swap3A_225 : vector<1x16xf32> to vector<16xf32>
    %swap3A_227 = vector.shape_cast %broadcast_in_dim3A_0 : vector<16xf32> to vector<1x16xf32>
    tpu.vector_store %arg10[%swap3A_223, %swap3A_224], %swap3A_227 {strides = array<i32>} : memref<8x128xf32, #tpu.memory_space<vmem>>, vector<1x16xf32>,
    %swap3A_228 = arith.constant 4 : i32
    %swap3A_229 = arith.index_cast %swap3A_228 : i32 to index
    %swap3A_230 = arith.constant 96 : index
    %swap3A_231 = tpu.vector_load %arg10[%swap3A_229, %swap3A_230] {strides = array<i32>} : memref<8x128xf32, #tpu.memory_space<vmem>>, vector<1x16xf32>,
    %swap3A_232 = vector.shape_cast %swap3A_231 : vector<1x16xf32> to vector<16xf32>
    %swap3A_233 = vector.shape_cast %broadcast_in_dim3A_0 : vector<16xf32> to vector<1x16xf32>
    tpu.vector_store %arg10[%swap3A_229, %swap3A_230], %swap3A_233 {strides = array<i32>} : memref<8x128xf32, #tpu.memory_space<vmem>>, vector<1x16xf32>,
    %swap3A_234 = arith.constant 4 : i32
    %swap3A_235 = arith.index_cast %swap3A_234 : i32 to index
    %swap3A_236 = arith.constant 112 : index
    %swap3A_237 = tpu.vector_load %arg10[%swap3A_235, %swap3A_236] {strides = array<i32>} : memref<8x128xf32, #tpu.memory_space<vmem>>, vector<1x16xf32>,
    %swap3A_238 = vector.shape_cast %swap3A_237 : vector<1x16xf32> to vector<16xf32>
    %swap3A_239 = vector.shape_cast %broadcast_in_dim3A_0 : vector<16xf32> to vector<1x16xf32>
    tpu.vector_store %arg10[%swap3A_235, %swap3A_236], %swap3A_239 {strides = array<i32>} : memref<8x128xf32, #tpu.memory_space<vmem>>, vector<1x16xf32>,
    %swap3A_240 = arith.constant 5 : i32
    %swap3A_241 = arith.index_cast %swap3A_240 : i32 to index
    %swap3A_242 = arith.constant 0 : index
    %swap3A_243 = tpu.vector_load %arg10[%swap3A_241, %swap3A_242] {strides = array<i32>} : memref<8x128xf32, #tpu.memory_space<vmem>>, vector<1x16xf32>,
    %swap3A_244 = vector.shape_cast %swap3A_243 : vector<1x16xf32> to vector<16xf32>
    %swap3A_245 = vector.shape_cast %broadcast_in_dim3A_0 : vector<16xf32> to vector<1x16xf32>
    tpu.vector_store %arg10[%swap3A_241, %swap3A_242], %swap3A_245 {strides = array<i32>} : memref<8x128xf32, #tpu.memory_space<vmem>>, vector<1x16xf32>,
    %swap3A_246 = arith.constant 5 : i32
    %swap3A_247 = arith.index_cast %swap3A_246 : i32 to index
    %swap3A_248 = arith.constant 16 : index
    %swap3A_249 = tpu.vector_load %arg10[%swap3A_247, %swap3A_248] {strides = array<i32>} : memref<8x128xf32, #tpu.memory_space<vmem>>, vector<1x16xf32>,
    %swap3A_250 = vector.shape_cast %swap3A_249 : vector<1x16xf32> to vector<16xf32>
    %swap3A_251 = vector.shape_cast %broadcast_in_dim3A_0 : vector<16xf32> to vector<1x16xf32>
    tpu.vector_store %arg10[%swap3A_247, %swap3A_248], %swap3A_251 {strides = array<i32>} : memref<8x128xf32, #tpu.memory_space<vmem>>, vector<1x16xf32>,
    %swap3A_252 = arith.constant 5 : i32
    %swap3A_253 = arith.index_cast %swap3A_252 : i32 to index
    %swap3A_254 = arith.constant 32 : index
    %swap3A_255 = tpu.vector_load %arg10[%swap3A_253, %swap3A_254] {strides = array<i32>} : memref<8x128xf32, #tpu.memory_space<vmem>>, vector<1x16xf32>,
    %swap3A_256 = vector.shape_cast %swap3A_255 : vector<1x16xf32> to vector<16xf32>
    %swap3A_257 = vector.shape_cast %broadcast_in_dim3A_0 : vector<16xf32> to vector<1x16xf32>
    tpu.vector_store %arg10[%swap3A_253, %swap3A_254], %swap3A_257 {strides = array<i32>} : memref<8x128xf32, #tpu.memory_space<vmem>>, vector<1x16xf32>,
    %swap3A_258 = arith.constant 5 : i32
    %swap3A_259 = arith.index_cast %swap3A_258 : i32 to index
    %swap3A_260 = arith.constant 48 : index
    %swap3A_261 = tpu.vector_load %arg10[%swap3A_259, %swap3A_260] {strides = array<i32>} : memref<8x128xf32, #tpu.memory_space<vmem>>, vector<1x16xf32>,
    %swap3A_262 = vector.shape_cast %swap3A_261 : vector<1x16xf32> to vector<16xf32>
    %swap3A_263 = vector.shape_cast %broadcast_in_dim3A_0 : vector<16xf32> to vector<1x16xf32>
    tpu.vector_store %arg10[%swap3A_259, %swap3A_260], %swap3A_263 {strides = array<i32>} : memref<8x128xf32, #tpu.memory_space<vmem>>, vector<1x16xf32>,
    %swap3A_264 = arith.constant 5 : i32
    %swap3A_265 = arith.index_cast %swap3A_264 : i32 to index
    %swap3A_266 = arith.constant 64 : index
    %swap3A_267 = tpu.vector_load %arg10[%swap3A_265, %swap3A_266] {strides = array<i32>} : memref<8x128xf32, #tpu.memory_space<vmem>>, vector<1x16xf32>,
    %swap3A_268 = vector.shape_cast %swap3A_267 : vector<1x16xf32> to vector<16xf32>
    %swap3A_269 = vector.shape_cast %broadcast_in_dim3A_0 : vector<16xf32> to vector<1x16xf32>
    tpu.vector_store %arg10[%swap3A_265, %swap3A_266], %swap3A_269 {strides = array<i32>} : memref<8x128xf32, #tpu.memory_space<vmem>>, vector<1x16xf32>,
    %swap3A_270 = arith.constant 5 : i32
    %swap3A_271 = arith.index_cast %swap3A_270 : i32 to index
    %swap3A_272 = arith.constant 80 : index
    %swap3A_273 = tpu.vector_load %arg10[%swap3A_271, %swap3A_272] {strides = array<i32>} : memref<8x128xf32, #tpu.memory_space<vmem>>, vector<1x16xf32>,
    %swap3A_274 = vector.shape_cast %swap3A_273 : vector<1x16xf32> to vector<16xf32>
    %swap3A_275 = vector.shape_cast %broadcast_in_dim3A_0 : vector<16xf32> to vector<1x16xf32>
    tpu.vector_store %arg10[%swap3A_271, %swap3A_272], %swap3A_275 {strides = array<i32>} : memref<8x128xf32, #tpu.memory_space<vmem>>, vector<1x16xf32>,
    %swap3A_276 = arith.constant 5 : i32
    %swap3A_277 = arith.index_cast %swap3A_276 : i32 to index
    %swap3A_278 = arith.constant 96 : index
    %swap3A_279 = tpu.vector_load %arg10[%swap3A_277, %swap3A_278] {strides = array<i32>} : memref<8x128xf32, #tpu.memory_space<vmem>>, vector<1x16xf32>,
    %swap3A_280 = vector.shape_cast %swap3A_279 : vector<1x16xf32> to vector<16xf32>
    %swap3A_281 = vector.shape_cast %broadcast_in_dim3A_0 : vector<16xf32> to vector<1x16xf32>
    tpu.vector_store %arg10[%swap3A_277, %swap3A_278], %swap3A_281 {strides = array<i32>} : memref<8x128xf32, #tpu.memory_space<vmem>>, vector<1x16xf32>,
    %swap3A_282 = arith.constant 5 : i32
    %swap3A_283 = arith.index_cast %swap3A_282 : i32 to index
    %swap3A_284 = arith.constant 112 : index
    %swap3A_285 = tpu.vector_load %arg10[%swap3A_283, %swap3A_284] {strides = array<i32>} : memref<8x128xf32, #tpu.memory_space<vmem>>, vector<1x16xf32>,
    %swap3A_286 = vector.shape_cast %swap3A_285 : vector<1x16xf32> to vector<16xf32>
    %swap3A_287 = vector.shape_cast %broadcast_in_dim3A_0 : vector<16xf32> to vector<1x16xf32>
    tpu.vector_store %arg10[%swap3A_283, %swap3A_284], %swap3A_287 {strides = array<i32>} : memref<8x128xf32, #tpu.memory_space<vmem>>, vector<1x16xf32>,
    %swap3A_288 = arith.constant 6 : i32
    %swap3A_289 = arith.index_cast %swap3A_288 : i32 to index
    %swap3A_290 = arith.constant 0 : index
    %swap3A_291 = tpu.vector_load %arg10[%swap3A_289, %swap3A_290] {strides = array<i32>} : memref<8x128xf32, #tpu.memory_space<vmem>>, vector<1x16xf32>,
    %swap3A_292 = vector.shape_cast %swap3A_291 : vector<1x16xf32> to vector<16xf32>
    %swap3A_293 = vector.shape_cast %broadcast_in_dim3A_0 : vector<16xf32> to vector<1x16xf32>
    tpu.vector_store %arg10[%swap3A_289, %swap3A_290], %swap3A_293 {strides = array<i32>} : memref<8x128xf32, #tpu.memory_space<vmem>>, vector<1x16xf32>,
    %swap3A_294 = arith.constant 6 : i32
    %swap3A_295 = arith.index_cast %swap3A_294 : i32 to index
    %swap3A_296 = arith.constant 16 : index
    %swap3A_297 = tpu.vector_load %arg10[%swap3A_295, %swap3A_296] {strides = array<i32>} : memref<8x128xf32, #tpu.memory_space<vmem>>, vector<1x16xf32>,
    %swap3A_298 = vector.shape_cast %swap3A_297 : vector<1x16xf32> to vector<16xf32>
    %swap3A_299 = vector.shape_cast %broadcast_in_dim3A_0 : vector<16xf32> to vector<1x16xf32>
    tpu.vector_store %arg10[%swap3A_295, %swap3A_296], %swap3A_299 {strides = array<i32>} : memref<8x128xf32, #tpu.memory_space<vmem>>, vector<1x16xf32>,
    %swap3A_300 = arith.constant 6 : i32
    %swap3A_301 = arith.index_cast %swap3A_300 : i32 to index
    %swap3A_302 = arith.constant 32 : index
    %swap3A_303 = tpu.vector_load %arg10[%swap3A_301, %swap3A_302] {strides = array<i32>} : memref<8x128xf32, #tpu.memory_space<vmem>>, vector<1x16xf32>,
    %swap3A_304 = vector.shape_cast %swap3A_303 : vector<1x16xf32> to vector<16xf32>
    %swap3A_305 = vector.shape_cast %broadcast_in_dim3A_0 : vector<16xf32> to vector<1x16xf32>
    tpu.vector_store %arg10[%swap3A_301, %swap3A_302], %swap3A_305 {strides = array<i32>} : memref<8x128xf32, #tpu.memory_space<vmem>>, vector<1x16xf32>,
    %swap3A_306 = arith.constant 6 : i32
    %swap3A_307 = arith.index_cast %swap3A_306 : i32 to index
    %swap3A_308 = arith.constant 48 : index
    %swap3A_309 = tpu.vector_load %arg10[%swap3A_307, %swap3A_308] {strides = array<i32>} : memref<8x128xf32, #tpu.memory_space<vmem>>, vector<1x16xf32>,
    %swap3A_310 = vector.shape_cast %swap3A_309 : vector<1x16xf32> to vector<16xf32>
    %swap3A_311 = vector.shape_cast %broadcast_in_dim3A_0 : vector<16xf32> to vector<1x16xf32>
    tpu.vector_store %arg10[%swap3A_307, %swap3A_308], %swap3A_311 {strides = array<i32>} : memref<8x128xf32, #tpu.memory_space<vmem>>, vector<1x16xf32>,
    %swap3A_312 = arith.constant 6 : i32
    %swap3A_313 = arith.index_cast %swap3A_312 : i32 to index
    %swap3A_314 = arith.constant 64 : index
    %swap3A_315 = tpu.vector_load %arg10[%swap3A_313, %swap3A_314] {strides = array<i32>} : memref<8x128xf32, #tpu.memory_space<vmem>>, vector<1x16xf32>,
    %swap3A_316 = vector.shape_cast %swap3A_315 : vector<1x16xf32> to vector<16xf32>
    %swap3A_317 = vector.shape_cast %broadcast_in_dim3A_0 : vector<16xf32> to vector<1x16xf32>
    tpu.vector_store %arg10[%swap3A_313, %swap3A_314], %swap3A_317 {strides = array<i32>} : memref<8x128xf32, #tpu.memory_space<vmem>>, vector<1x16xf32>,
    %swap3A_318 = arith.constant 6 : i32
    %swap3A_319 = arith.index_cast %swap3A_318 : i32 to index
    %swap3A_320 = arith.constant 80 : index
    %swap3A_321 = tpu.vector_load %arg10[%swap3A_319, %swap3A_320] {strides = array<i32>} : memref<8x128xf32, #tpu.memory_space<vmem>>, vector<1x16xf32>,
    %swap3A_322 = vector.shape_cast %swap3A_321 : vector<1x16xf32> to vector<16xf32>
    %swap3A_323 = vector.shape_cast %broadcast_in_dim3A_0 : vector<16xf32> to vector<1x16xf32>
    tpu.vector_store %arg10[%swap3A_319, %swap3A_320], %swap3A_323 {strides = array<i32>} : memref<8x128xf32, #tpu.memory_space<vmem>>, vector<1x16xf32>,
    %swap3A_324 = arith.constant 6 : i32
    %swap3A_325 = arith.index_cast %swap3A_324 : i32 to index
    %swap3A_326 = arith.constant 96 : index
    %swap3A_327 = tpu.vector_load %arg10[%swap3A_325, %swap3A_326] {strides = array<i32>} : memref<8x128xf32, #tpu.memory_space<vmem>>, vector<1x16xf32>,
    %swap3A_328 = vector.shape_cast %swap3A_327 : vector<1x16xf32> to vector<16xf32>
    %swap3A_329 = vector.shape_cast %broadcast_in_dim3A_0 : vector<16xf32> to vector<1x16xf32>
    tpu.vector_store %arg10[%swap3A_325, %swap3A_326], %swap3A_329 {strides = array<i32>} : memref<8x128xf32, #tpu.memory_space<vmem>>, vector<1x16xf32>,
    %swap3A_330 = arith.constant 6 : i32
    %swap3A_331 = arith.index_cast %swap3A_330 : i32 to index
    %swap3A_332 = arith.constant 112 : index
    %swap3A_333 = tpu.vector_load %arg10[%swap3A_331, %swap3A_332] {strides = array<i32>} : memref<8x128xf32, #tpu.memory_space<vmem>>, vector<1x16xf32>,
    %swap3A_334 = vector.shape_cast %swap3A_333 : vector<1x16xf32> to vector<16xf32>
    %swap3A_335 = vector.shape_cast %broadcast_in_dim3A_0 : vector<16xf32> to vector<1x16xf32>
    tpu.vector_store %arg10[%swap3A_331, %swap3A_332], %swap3A_335 {strides = array<i32>} : memref<8x128xf32, #tpu.memory_space<vmem>>, vector<1x16xf32>,
    %swap3A_336 = arith.constant 7 : i32
    %swap3A_337 = arith.index_cast %swap3A_336 : i32 to index
    %swap3A_338 = arith.constant 0 : index
    %swap3A_339 = tpu.vector_load %arg10[%swap3A_337, %swap3A_338] {strides = array<i32>} : memref<8x128xf32, #tpu.memory_space<vmem>>, vector<1x16xf32>,
    %swap3A_340 = vector.shape_cast %swap3A_339 : vector<1x16xf32> to vector<16xf32>
    %swap3A_341 = vector.shape_cast %broadcast_in_dim3A_0 : vector<16xf32> to vector<1x16xf32>
    tpu.vector_store %arg10[%swap3A_337, %swap3A_338], %swap3A_341 {strides = array<i32>} : memref<8x128xf32, #tpu.memory_space<vmem>>, vector<1x16xf32>,
    %swap3A_342 = arith.constant 7 : i32
    %swap3A_343 = arith.index_cast %swap3A_342 : i32 to index
    %swap3A_344 = arith.constant 16 : index
    %swap3A_345 = tpu.vector_load %arg10[%swap3A_343, %swap3A_344] {strides = array<i32>} : memref<8x128xf32, #tpu.memory_space<vmem>>, vector<1x16xf32>,
    %swap3A_346 = vector.shape_cast %swap3A_345 : vector<1x16xf32> to vector<16xf32>
    %swap3A_347 = vector.shape_cast %broadcast_in_dim3A_0 : vector<16xf32> to vector<1x16xf32>
    tpu.vector_store %arg10[%swap3A_343, %swap3A_344], %swap3A_347 {strides = array<i32>} : memref<8x128xf32, #tpu.memory_space<vmem>>, vector<1x16xf32>,
    %swap3A_348 = arith.constant 7 : i32
    %swap3A_349 = arith.index_cast %swap3A_348 : i32 to index
    %swap3A_350 = arith.constant 32 : index
    %swap3A_351 = tpu.vector_load %arg10[%swap3A_349, %swap3A_350] {strides = array<i32>} : memref<8x128xf32, #tpu.memory_space<vmem>>, vector<1x16xf32>,
    %swap3A_352 = vector.shape_cast %swap3A_351 : vector<1x16xf32> to vector<16xf32>
    %swap3A_353 = vector.shape_cast %broadcast_in_dim3A_0 : vector<16xf32> to vector<1x16xf32>
    tpu.vector_store %arg10[%swap3A_349, %swap3A_350], %swap3A_353 {strides = array<i32>} : memref<8x128xf32, #tpu.memory_space<vmem>>, vector<1x16xf32>,
    %swap3A_354 = arith.constant 7 : i32
    %swap3A_355 = arith.index_cast %swap3A_354 : i32 to index
    %swap3A_356 = arith.constant 48 : index
    %swap3A_357 = tpu.vector_load %arg10[%swap3A_355, %swap3A_356] {strides = array<i32>} : memref<8x128xf32, #tpu.memory_space<vmem>>, vector<1x16xf32>,
    %swap3A_358 = vector.shape_cast %swap3A_357 : vector<1x16xf32> to vector<16xf32>
    %swap3A_359 = vector.shape_cast %broadcast_in_dim3A_0 : vector<16xf32> to vector<1x16xf32>
    tpu.vector_store %arg10[%swap3A_355, %swap3A_356], %swap3A_359 {strides = array<i32>} : memref<8x128xf32, #tpu.memory_space<vmem>>, vector<1x16xf32>,
    %swap3A_360 = arith.constant 7 : i32
    %swap3A_361 = arith.index_cast %swap3A_360 : i32 to index
    %swap3A_362 = arith.constant 64 : index
    %swap3A_363 = tpu.vector_load %arg10[%swap3A_361, %swap3A_362] {strides = array<i32>} : memref<8x128xf32, #tpu.memory_space<vmem>>, vector<1x16xf32>,
    %swap3A_364 = vector.shape_cast %swap3A_363 : vector<1x16xf32> to vector<16xf32>
    %swap3A_365 = vector.shape_cast %broadcast_in_dim3A_0 : vector<16xf32> to vector<1x16xf32>
    tpu.vector_store %arg10[%swap3A_361, %swap3A_362], %swap3A_365 {strides = array<i32>} : memref<8x128xf32, #tpu.memory_space<vmem>>, vector<1x16xf32>,
    %swap3A_366 = arith.constant 7 : i32
    %swap3A_367 = arith.index_cast %swap3A_366 : i32 to index
    %swap3A_368 = arith.constant 80 : index
    %swap3A_369 = tpu.vector_load %arg10[%swap3A_367, %swap3A_368] {strides = array<i32>} : memref<8x128xf32, #tpu.memory_space<vmem>>, vector<1x16xf32>,
    %swap3A_370 = vector.shape_cast %swap3A_369 : vector<1x16xf32> to vector<16xf32>
    %swap3A_371 = vector.shape_cast %broadcast_in_dim3A_0 : vector<16xf32> to vector<1x16xf32>
    tpu.vector_store %arg10[%swap3A_367, %swap3A_368], %swap3A_371 {strides = array<i32>} : memref<8x128xf32, #tpu.memory_space<vmem>>, vector<1x16xf32>,
    %swap3A_372 = arith.constant 7 : i32
    %swap3A_373 = arith.index_cast %swap3A_372 : i32 to index
    %swap3A_374 = arith.constant 96 : index
    %swap3A_375 = tpu.vector_load %arg10[%swap3A_373, %swap3A_374] {strides = array<i32>} : memref<8x128xf32, #tpu.memory_space<vmem>>, vector<1x16xf32>,
    %swap3A_376 = vector.shape_cast %swap3A_375 : vector<1x16xf32> to vector<16xf32>
    %swap3A_377 = vector.shape_cast %broadcast_in_dim3A_0 : vector<16xf32> to vector<1x16xf32>
    tpu.vector_store %arg10[%swap3A_373, %swap3A_374], %swap3A_377 {strides = array<i32>} : memref<8x128xf32, #tpu.memory_space<vmem>>, vector<1x16xf32>,
    %swap3A_378 = arith.constant 7 : i32
    %swap3A_379 = arith.index_cast %swap3A_378 : i32 to index
    %swap3A_380 = arith.constant 112 : index
    %swap3A_381 = tpu.vector_load %arg10[%swap3A_379, %swap3A_380] {strides = array<i32>} : memref<8x128xf32, #tpu.memory_space<vmem>>, vector<1x16xf32>,
    %swap3A_382 = vector.shape_cast %swap3A_381 : vector<1x16xf32> to vector<16xf32>
    %swap3A_383 = vector.shape_cast %broadcast_in_dim3A_0 : vector<16xf32> to vector<1x16xf32>
    tpu.vector_store %arg10[%swap3A_379, %swap3A_380], %swap3A_383 {strides = array<i32>} : memref<8x128xf32, #tpu.memory_space<vmem>>, vector<1x16xf32>,
    %scan3A = arith.constant 0 : i32
    %scan3A_384 = arith.constant 0 : i32
    %scan3A_385 = arith.constant 78 : i32
    %scan3A_386 = arith.addi %scan3A_384, %scan3A_385 : i32
    %scan3A_387 = arith.constant 1 : i32
    %scan3A_388 = scf.for %scan3A_415 = %scan3A_384 to %scan3A_386 step %scan3A_387 iter_args(%scan3A_416 = %scan3A) -> (i32)  : i32 {
      %mul3A_417 = arith.constant 624 : i32
      %mul3A_418 = arith.muli %arg1, %mul3A_417 : i32
      %mul3A_419 = arith.constant 8 : i32
      %mul3A_420 = arith.muli %scan3A_415, %mul3A_419 : i32
      %add3A_421 = arith.addi %mul3A_418, %mul3A_420 : i32
      "tpu.region"() ({
        %run_scoped3A_423 = tpu.sem_alloc : memref<!tpu.dma_semaphore, #tpu.memory_space<semaphore_mem>>
        %dma_start3A = arith.constant 0 : i32
        %dma_start3A_424 = tpu.memref_slice %arg11[%add3A_421, %dma_start3A] : memref<10000x128xf32, #tpu.memory_space<vmem_shared>> -> memref<8x128xf32, #tpu.memory_space<vmem_shared>>
        %dma_start3A_425 = arith.constant 0 : i32
        %dma_start3A_426 = tpu.memref_slice %arg11[%add3A_421, %dma_start3A_425] : memref<10000x128xf32, #tpu.memory_space<vmem_shared>> -> memref<8x128xf32, #tpu.memory_space<vmem_shared>>
        tpu.enqueue_dma source(%arg10 : memref<8x128xf32, #tpu.memory_space<vmem>>) target(%dma_start3A_426 : memref<8x128xf32, #tpu.memory_space<vmem_shared>>) target_semaphore(%run_scoped3A_423 : memref<!tpu.dma_semaphore, #tpu.memory_space<semaphore_mem>>)
        %dma_wait3A = arith.constant 0 : i32
        %dma_wait3A_427 = tpu.memref_slice %arg11[%add3A_421, %dma_wait3A] : memref<10000x128xf32, #tpu.memory_space<vmem_shared>> -> memref<8x128xf32, #tpu.memory_space<vmem_shared>>
        %dma_wait3A_428 = arith.constant 0 : i32
        %dma_wait3A_429 = tpu.memref_slice %arg11[%add3A_421, %dma_wait3A_428] : memref<10000x128xf32, #tpu.memory_space<vmem_shared>> -> memref<8x128xf32, #tpu.memory_space<vmem_shared>>
        tpu.wait_dma2 semaphore(%run_scoped3A_423 : memref<!tpu.dma_semaphore, #tpu.memory_space<semaphore_mem>>) src(%arg10 : memref<8x128xf32, #tpu.memory_space<vmem>>) dst(%dma_wait3A_429 : memref<8x128xf32, #tpu.memory_space<vmem_shared>>)
        tpu.yield
      }) : () -> ()
      %scan3A_422 = arith.constant 0 : i32
      scf.yield %scan3A_422 : i32
    }
    %scan3A_389 = arith.constant 78 : i32
    %eq3A = arith.constant 15 : i32
    %eq3A_390 = arith.cmpi eq, %arg1, %eq3A : i32
    %convert_element_type3A = arith.extui %eq3A_390 : i1 to i32
    %cond3A = arith.constant 0 : i32
    %cond3A_391 = arith.cmpi ne, %convert_element_type3A, %cond3A : i32
    scf.if %cond3A_391 {
      "tpu.region"() ({
        %run_scoped3A_415 = tpu.sem_alloc : memref<!tpu.dma_semaphore, #tpu.memory_space<semaphore_mem>>
        %dma_start3A = arith.constant 9984 : i32
        %dma_start3A_416 = arith.constant 0 : i32
        %dma_start3A_417 = tpu.memref_slice %arg11[%dma_start3A, %dma_start3A_416] : memref<10000x128xf32, #tpu.memory_space<vmem_shared>> -> memref<8x128xf32, #tpu.memory_space<vmem_shared>>
        %dma_start3A_418 = arith.constant 9984 : i32
        %dma_start3A_419 = arith.constant 0 : i32
        %dma_start3A_420 = tpu.memref_slice %arg11[%dma_start3A_418, %dma_start3A_419] : memref<10000x128xf32, #tpu.memory_space<vmem_shared>> -> memref<8x128xf32, #tpu.memory_space<vmem_shared>>
        tpu.enqueue_dma source(%arg10 : memref<8x128xf32, #tpu.memory_space<vmem>>) target(%dma_start3A_420 : memref<8x128xf32, #tpu.memory_space<vmem_shared>>) target_semaphore(%run_scoped3A_415 : memref<!tpu.dma_semaphore, #tpu.memory_space<semaphore_mem>>)
        %dma_wait3A = arith.constant 9984 : i32
        %dma_wait3A_421 = arith.constant 0 : i32
        %dma_wait3A_422 = tpu.memref_slice %arg11[%dma_wait3A, %dma_wait3A_421] : memref<10000x128xf32, #tpu.memory_space<vmem_shared>> -> memref<8x128xf32, #tpu.memory_space<vmem_shared>>
        %dma_wait3A_423 = arith.constant 9984 : i32
        %dma_wait3A_424 = arith.constant 0 : i32
        %dma_wait3A_425 = tpu.memref_slice %arg11[%dma_wait3A_423, %dma_wait3A_424] : memref<10000x128xf32, #tpu.memory_space<vmem_shared>> -> memref<8x128xf32, #tpu.memory_space<vmem_shared>>
        tpu.wait_dma2 semaphore(%run_scoped3A_415 : memref<!tpu.dma_semaphore, #tpu.memory_space<semaphore_mem>>) src(%arg10 : memref<8x128xf32, #tpu.memory_space<vmem>>) dst(%dma_wait3A_425 : memref<8x128xf32, #tpu.memory_space<vmem_shared>>)
        tpu.yield
      }) : () -> ()
      "tpu.region"() ({
        %run_scoped3A_415 = tpu.sem_alloc : memref<!tpu.dma_semaphore, #tpu.memory_space<semaphore_mem>>
        %dma_start3A = arith.constant 9992 : i32
        %dma_start3A_416 = arith.constant 0 : i32
        %dma_start3A_417 = tpu.memref_slice %arg11[%dma_start3A, %dma_start3A_416] : memref<10000x128xf32, #tpu.memory_space<vmem_shared>> -> memref<8x128xf32, #tpu.memory_space<vmem_shared>>
        %dma_start3A_418 = arith.constant 9992 : i32
        %dma_start3A_419 = arith.constant 0 : i32
        %dma_start3A_420 = tpu.memref_slice %arg11[%dma_start3A_418, %dma_start3A_419] : memref<10000x128xf32, #tpu.memory_space<vmem_shared>> -> memref<8x128xf32, #tpu.memory_space<vmem_shared>>
        tpu.enqueue_dma source(%arg10 : memref<8x128xf32, #tpu.memory_space<vmem>>) target(%dma_start3A_420 : memref<8x128xf32, #tpu.memory_space<vmem_shared>>) target_semaphore(%run_scoped3A_415 : memref<!tpu.dma_semaphore, #tpu.memory_space<semaphore_mem>>)
        %dma_wait3A = arith.constant 9992 : i32
        %dma_wait3A_421 = arith.constant 0 : i32
        %dma_wait3A_422 = tpu.memref_slice %arg11[%dma_wait3A, %dma_wait3A_421] : memref<10000x128xf32, #tpu.memory_space<vmem_shared>> -> memref<8x128xf32, #tpu.memory_space<vmem_shared>>
        %dma_wait3A_423 = arith.constant 9992 : i32
        %dma_wait3A_424 = arith.constant 0 : i32
        %dma_wait3A_425 = tpu.memref_slice %arg11[%dma_wait3A_423, %dma_wait3A_424] : memref<10000x128xf32, #tpu.memory_space<vmem_shared>> -> memref<8x128xf32, #tpu.memory_space<vmem_shared>>
        tpu.wait_dma2 semaphore(%run_scoped3A_415 : memref<!tpu.dma_semaphore, #tpu.memory_space<semaphore_mem>>) src(%arg10 : memref<8x128xf32, #tpu.memory_space<vmem>>) dst(%dma_wait3A_425 : memref<8x128xf32, #tpu.memory_space<vmem_shared>>)
        tpu.yield
      }) : () -> ()
    } else {
    }
    %mul3A = arith.constant 160 : i32
    %mul3A_392 = arith.muli %arg1, %mul3A : i32
    %run_scoped3A = arith.constant 0 : i32
    "tpu.region"() ({
      %run_scoped3A_415 = tpu.sem_alloc : memref<!tpu.dma_semaphore, #tpu.memory_space<semaphore_mem>>
      %dma_start3A = arith.constant 0 : i32
      %dma_start3A_416 = arith.constant 0 : i32
      %dma_start3A_417 = tpu.memref_slice %arg6[%run_scoped3A, %dma_start3A, %dma_start3A_416] : memref<2x32x125xi32, #tpu.memory_space<vmem>> -> memref<1x32x125xi32, #tpu.memory_space<vmem>>
      %dma_start3A_418 = tpu.memref_squeeze %dma_start3A_417 : memref<1x32x125xi32, #tpu.memory_space<vmem>> -> memref<32x125xi32, #tpu.memory_space<vmem>>
      %dma_start3A_419 = arith.constant 0 : i32
      %dma_start3A_420 = tpu.memref_slice %arg2[%mul3A_392, %dma_start3A_419] : memref<2560x125xi32, #tpu.memory_space<hbm>> -> memref<32x125xi32, #tpu.memory_space<hbm>>
      %dma_start3A_421 = arith.constant 0 : i32
      %dma_start3A_422 = arith.constant 0 : i32
      %dma_start3A_423 = tpu.memref_slice %arg6[%run_scoped3A, %dma_start3A_421, %dma_start3A_422] : memref<2x32x125xi32, #tpu.memory_space<vmem>> -> memref<1x32x125xi32, #tpu.memory_space<vmem>>
      %dma_start3A_424 = tpu.memref_squeeze %dma_start3A_423 : memref<1x32x125xi32, #tpu.memory_space<vmem>> -> memref<32x125xi32, #tpu.memory_space<vmem>>
      %dma_start3A_425 = arith.constant 0 : i32
      %dma_start3A_426 = tpu.memref_slice %arg2[%mul3A_392, %dma_start3A_425] : memref<2560x125xi32, #tpu.memory_space<hbm>> -> memref<32x125xi32, #tpu.memory_space<hbm>>
      tpu.enqueue_dma source(%dma_start3A_426 : memref<32x125xi32, #tpu.memory_space<hbm>>) target(%dma_start3A_424 : memref<32x125xi32, #tpu.memory_space<vmem>>) target_semaphore(%run_scoped3A_415 : memref<!tpu.dma_semaphore, #tpu.memory_space<semaphore_mem>>)
      %dma_wait3A = arith.constant 0 : i32
      %dma_wait3A_427 = arith.constant 0 : i32
      %dma_wait3A_428 = tpu.memref_slice %arg6[%run_scoped3A, %dma_wait3A, %dma_wait3A_427] : memref<2x32x125xi32, #tpu.memory_space<vmem>> -> memref<1x32x125xi32, #tpu.memory_space<vmem>>
      %dma_wait3A_429 = tpu.memref_squeeze %dma_wait3A_428 : memref<1x32x125xi32, #tpu.memory_space<vmem>> -> memref<32x125xi32, #tpu.memory_space<vmem>>
      %dma_wait3A_430 = arith.constant 0 : i32
      %dma_wait3A_431 = tpu.memref_slice %arg2[%mul3A_392, %dma_wait3A_430] : memref<2560x125xi32, #tpu.memory_space<hbm>> -> memref<32x125xi32, #tpu.memory_space<hbm>>
      %dma_wait3A_432 = arith.constant 0 : i32
      %dma_wait3A_433 = arith.constant 0 : i32
      %dma_wait3A_434 = tpu.memref_slice %arg6[%run_scoped3A, %dma_wait3A_432, %dma_wait3A_433] : memref<2x32x125xi32, #tpu.memory_space<vmem>> -> memref<1x32x125xi32, #tpu.memory_space<vmem>>
      %dma_wait3A_435 = tpu.memref_squeeze %dma_wait3A_434 : memref<1x32x125xi32, #tpu.memory_space<vmem>> -> memref<32x125xi32, #tpu.memory_space<vmem>>
      %dma_wait3A_436 = arith.constant 0 : i32
      %dma_wait3A_437 = tpu.memref_slice %arg2[%mul3A_392, %dma_wait3A_436] : memref<2560x125xi32, #tpu.memory_space<hbm>> -> memref<32x125xi32, #tpu.memory_space<hbm>>
      tpu.wait_dma2 semaphore(%run_scoped3A_415 : memref<!tpu.dma_semaphore, #tpu.memory_space<semaphore_mem>>) src(%dma_wait3A_437 : memref<32x125xi32, #tpu.memory_space<hbm>>) dst(%dma_wait3A_435 : memref<32x125xi32, #tpu.memory_space<vmem>>)
      tpu.yield
    }) : () -> ()
    %run_scoped3A_393 = arith.constant 0 : i32
    "tpu.region"() ({
      %run_scoped3A_415 = tpu.sem_alloc : memref<!tpu.dma_semaphore, #tpu.memory_space<semaphore_mem>>
      %dma_start3A = arith.constant 0 : i32
      %dma_start3A_416 = arith.constant 0 : i32
      %dma_start3A_417 = tpu.memref_slice %arg7[%run_scoped3A_393, %dma_start3A, %dma_start3A_416] : memref<2x32x125xi32, #tpu.memory_space<vmem>> -> memref<1x32x125xi32, #tpu.memory_space<vmem>>
      %dma_start3A_418 = tpu.memref_squeeze %dma_start3A_417 : memref<1x32x125xi32, #tpu.memory_space<vmem>> -> memref<32x125xi32, #tpu.memory_space<vmem>>
      %dma_start3A_419 = arith.constant 0 : i32
      %dma_start3A_420 = tpu.memref_slice %arg3[%mul3A_392, %dma_start3A_419] : memref<2560x125xi32, #tpu.memory_space<hbm>> -> memref<32x125xi32, #tpu.memory_space<hbm>>
      %dma_start3A_421 = arith.constant 0 : i32
      %dma_start3A_422 = arith.constant 0 : i32
      %dma_start3A_423 = tpu.memref_slice %arg7[%run_scoped3A_393, %dma_start3A_421, %dma_start3A_422] : memref<2x32x125xi32, #tpu.memory_space<vmem>> -> memref<1x32x125xi32, #tpu.memory_space<vmem>>
      %dma_start3A_424 = tpu.memref_squeeze %dma_start3A_423 : memref<1x32x125xi32, #tpu.memory_space<vmem>> -> memref<32x125xi32, #tpu.memory_space<vmem>>
      %dma_start3A_425 = arith.constant 0 : i32
      %dma_start3A_426 = tpu.memref_slice %arg3[%mul3A_392, %dma_start3A_425] : memref<2560x125xi32, #tpu.memory_space<hbm>> -> memref<32x125xi32, #tpu.memory_space<hbm>>
      tpu.enqueue_dma source(%dma_start3A_426 : memref<32x125xi32, #tpu.memory_space<hbm>>) target(%dma_start3A_424 : memref<32x125xi32, #tpu.memory_space<vmem>>) target_semaphore(%run_scoped3A_415 : memref<!tpu.dma_semaphore, #tpu.memory_space<semaphore_mem>>)
      %dma_wait3A = arith.constant 0 : i32
      %dma_wait3A_427 = arith.constant 0 : i32
      %dma_wait3A_428 = tpu.memref_slice %arg7[%run_scoped3A_393, %dma_wait3A, %dma_wait3A_427] : memref<2x32x125xi32, #tpu.memory_space<vmem>> -> memref<1x32x125xi32, #tpu.memory_space<vmem>>
      %dma_wait3A_429 = tpu.memref_squeeze %dma_wait3A_428 : memref<1x32x125xi32, #tpu.memory_space<vmem>> -> memref<32x125xi32, #tpu.memory_space<vmem>>
      %dma_wait3A_430 = arith.constant 0 : i32
      %dma_wait3A_431 = tpu.memref_slice %arg3[%mul3A_392, %dma_wait3A_430] : memref<2560x125xi32, #tpu.memory_space<hbm>> -> memref<32x125xi32, #tpu.memory_space<hbm>>
      %dma_wait3A_432 = arith.constant 0 : i32
      %dma_wait3A_433 = arith.constant 0 : i32
      %dma_wait3A_434 = tpu.memref_slice %arg7[%run_scoped3A_393, %dma_wait3A_432, %dma_wait3A_433] : memref<2x32x125xi32, #tpu.memory_space<vmem>> -> memref<1x32x125xi32, #tpu.memory_space<vmem>>
      %dma_wait3A_435 = tpu.memref_squeeze %dma_wait3A_434 : memref<1x32x125xi32, #tpu.memory_space<vmem>> -> memref<32x125xi32, #tpu.memory_space<vmem>>
      %dma_wait3A_436 = arith.constant 0 : i32
      %dma_wait3A_437 = tpu.memref_slice %arg3[%mul3A_392, %dma_wait3A_436] : memref<2560x125xi32, #tpu.memory_space<hbm>> -> memref<32x125xi32, #tpu.memory_space<hbm>>
      tpu.wait_dma2 semaphore(%run_scoped3A_415 : memref<!tpu.dma_semaphore, #tpu.memory_space<semaphore_mem>>) src(%dma_wait3A_437 : memref<32x125xi32, #tpu.memory_space<hbm>>) dst(%dma_wait3A_435 : memref<32x125xi32, #tpu.memory_space<vmem>>)
      tpu.yield
    }) : () -> ()
    %barrier3A = arith.constant 0 : index
    tpu.barrier barrier_id(%barrier3A)
    %mul3A_394 = arith.constant 10000 : i32
    %mul3A_395 = arith.muli %arg0, %mul3A_394 : i32
    %multiple_of3A = tpu.assume_multiple %mul3A_395, 8 : i32
    %scan3A_396 = arith.constant 0 : i32
    %scan3A_397 = arith.constant 0 : i32
    %scan3A_398 = arith.constant 5 : i32
    %scan3A_399 = arith.addi %scan3A_397, %scan3A_398 : i32
    %scan3A_400 = arith.constant 1 : i32
    %scan3A_401 = scf.for %scan3A_415 = %scan3A_397 to %scan3A_399 step %scan3A_400 iter_args(%scan3A_416 = %scan3A_396) -> (i32)  : i32 {
      %rem3A = arith.constant 2 : i32
      %rem3A_417 = arith.remsi %scan3A_415, %rem3A : i32
      %gt3A = arith.constant 0 : i32
      %gt3A_418 = arith.cmpi sgt, %scan3A_415, %gt3A : i32
      %convert_element_type3A_419 = arith.extui %gt3A_418 : i1 to i32
      %cond3A_420 = arith.constant 0 : i32
      %cond3A_421 = arith.cmpi ne, %convert_element_type3A_419, %cond3A_420 : i32
      scf.if %cond3A_421 {
        %dma_wait3A = arith.constant 0 : i32
        %dma_wait3A_442 = arith.constant 0 : i32
        %dma_wait3A_443 = tpu.memref_slice %arg6[%rem3A_417, %dma_wait3A, %dma_wait3A_442] : memref<2x32x125xi32, #tpu.memory_space<vmem>> -> memref<1x32x125xi32, #tpu.memory_space<vmem>>
        %dma_wait3A_444 = tpu.memref_squeeze %dma_wait3A_443 : memref<1x32x125xi32, #tpu.memory_space<vmem>> -> memref<32x125xi32, #tpu.memory_space<vmem>>
        %dma_wait3A_445 = arith.constant 0 : i32
        %dma_wait3A_446 = tpu.memref_slice %arg2[%mul3A_392, %dma_wait3A_445] : memref<2560x125xi32, #tpu.memory_space<hbm>> -> memref<32x125xi32, #tpu.memory_space<hbm>>
        %dma_wait3A_447 = arith.constant 0 : i32
        %dma_wait3A_448 = arith.constant 0 : i32
        %dma_wait3A_449 = tpu.memref_slice %arg6[%rem3A_417, %dma_wait3A_447, %dma_wait3A_448] : memref<2x32x125xi32, #tpu.memory_space<vmem>> -> memref<1x32x125xi32, #tpu.memory_space<vmem>>
        %dma_wait3A_450 = tpu.memref_squeeze %dma_wait3A_449 : memref<1x32x125xi32, #tpu.memory_space<vmem>> -> memref<32x125xi32, #tpu.memory_space<vmem>>
        %dma_wait3A_451 = arith.constant 0 : i32
        %dma_wait3A_452 = tpu.memref_slice %arg2[%mul3A_392, %dma_wait3A_451] : memref<2560x125xi32, #tpu.memory_space<hbm>> -> memref<32x125xi32, #tpu.memory_space<hbm>>
        tpu.wait_dma2 semaphore(%arg14 : memref<!tpu.dma_semaphore, #tpu.memory_space<semaphore_mem>>) src(%dma_wait3A_452 : memref<32x125xi32, #tpu.memory_space<hbm>>) dst(%dma_wait3A_450 : memref<32x125xi32, #tpu.memory_space<vmem>>)
        %dma_wait3A_453 = arith.constant 0 : i32
        %dma_wait3A_454 = arith.constant 0 : i32
        %dma_wait3A_455 = tpu.memref_slice %arg7[%rem3A_417, %dma_wait3A_453, %dma_wait3A_454] : memref<2x32x125xi32, #tpu.memory_space<vmem>> -> memref<1x32x125xi32, #tpu.memory_space<vmem>>
        %dma_wait3A_456 = tpu.memref_squeeze %dma_wait3A_455 : memref<1x32x125xi32, #tpu.memory_space<vmem>> -> memref<32x125xi32, #tpu.memory_space<vmem>>
        %dma_wait3A_457 = arith.constant 0 : i32
        %dma_wait3A_458 = tpu.memref_slice %arg3[%mul3A_392, %dma_wait3A_457] : memref<2560x125xi32, #tpu.memory_space<hbm>> -> memref<32x125xi32, #tpu.memory_space<hbm>>
        %dma_wait3A_459 = arith.constant 0 : i32
        %dma_wait3A_460 = arith.constant 0 : i32
        %dma_wait3A_461 = tpu.memref_slice %arg7[%rem3A_417, %dma_wait3A_459, %dma_wait3A_460] : memref<2x32x125xi32, #tpu.memory_space<vmem>> -> memref<1x32x125xi32, #tpu.memory_space<vmem>>
        %dma_wait3A_462 = tpu.memref_squeeze %dma_wait3A_461 : memref<1x32x125xi32, #tpu.memory_space<vmem>> -> memref<32x125xi32, #tpu.memory_space<vmem>>
        %dma_wait3A_463 = arith.constant 0 : i32
        %dma_wait3A_464 = tpu.memref_slice %arg3[%mul3A_392, %dma_wait3A_463] : memref<2560x125xi32, #tpu.memory_space<hbm>> -> memref<32x125xi32, #tpu.memory_space<hbm>>
        tpu.wait_dma2 semaphore(%arg14 : memref<!tpu.dma_semaphore, #tpu.memory_space<semaphore_mem>>) src(%dma_wait3A_464 : memref<32x125xi32, #tpu.memory_space<hbm>>) dst(%dma_wait3A_462 : memref<32x125xi32, #tpu.memory_space<vmem>>)
      } else {
      }
      %lt3A = arith.constant 4 : i32
      %lt3A_422 = arith.cmpi slt, %scan3A_415, %lt3A : i32
      %convert_element_type3A_423 = arith.extui %lt3A_422 : i1 to i32
      %cond3A_424 = arith.constant 0 : i32
      %cond3A_425 = arith.cmpi ne, %convert_element_type3A_423, %cond3A_424 : i32
      scf.if %cond3A_425 {
        %add3A_442 = arith.constant 1 : i32
        %add3A_443 = arith.addi %scan3A_415, %add3A_442 : i32
        %rem3A_444 = arith.constant 2 : i32
        %rem3A_445 = arith.remsi %add3A_443, %rem3A_444 : i32
        %add3A_446 = arith.constant 1 : i32
        %add3A_447 = arith.addi %scan3A_415, %add3A_446 : i32
        %mul3A_448 = arith.constant 32 : i32
        %mul3A_449 = arith.muli %add3A_447, %mul3A_448 : i32
        %add3A_450 = arith.addi %mul3A_392, %mul3A_449 : i32
        %dma_start3A_451 = arith.constant 0 : i32
        %dma_start3A_452 = arith.constant 0 : i32
        %dma_start3A_453 = tpu.memref_slice %arg6[%rem3A_445, %dma_start3A_451, %dma_start3A_452] : memref<2x32x125xi32, #tpu.memory_space<vmem>> -> memref<1x32x125xi32, #tpu.memory_space<vmem>>
        %dma_start3A_454 = tpu.memref_squeeze %dma_start3A_453 : memref<1x32x125xi32, #tpu.memory_space<vmem>> -> memref<32x125xi32, #tpu.memory_space<vmem>>
        %dma_start3A_455 = arith.constant 0 : i32
        %dma_start3A_456 = tpu.memref_slice %arg2[%add3A_450, %dma_start3A_455] : memref<2560x125xi32, #tpu.memory_space<hbm>> -> memref<32x125xi32, #tpu.memory_space<hbm>>
        %dma_start3A_457 = arith.constant 0 : i32
        %dma_start3A_458 = arith.constant 0 : i32
        %dma_start3A_459 = tpu.memref_slice %arg6[%rem3A_445, %dma_start3A_457, %dma_start3A_458] : memref<2x32x125xi32, #tpu.memory_space<vmem>> -> memref<1x32x125xi32, #tpu.memory_space<vmem>>
        %dma_start3A_460 = tpu.memref_squeeze %dma_start3A_459 : memref<1x32x125xi32, #tpu.memory_space<vmem>> -> memref<32x125xi32, #tpu.memory_space<vmem>>
        %dma_start3A_461 = arith.constant 0 : i32
        %dma_start3A_462 = tpu.memref_slice %arg2[%add3A_450, %dma_start3A_461] : memref<2560x125xi32, #tpu.memory_space<hbm>> -> memref<32x125xi32, #tpu.memory_space<hbm>>
        tpu.enqueue_dma source(%dma_start3A_462 : memref<32x125xi32, #tpu.memory_space<hbm>>) target(%dma_start3A_460 : memref<32x125xi32, #tpu.memory_space<vmem>>) target_semaphore(%arg14 : memref<!tpu.dma_semaphore, #tpu.memory_space<semaphore_mem>>)
        %dma_start3A_463 = arith.constant 0 : i32
        %dma_start3A_464 = arith.constant 0 : i32
        %dma_start3A_465 = tpu.memref_slice %arg7[%rem3A_445, %dma_start3A_463, %dma_start3A_464] : memref<2x32x125xi32, #tpu.memory_space<vmem>> -> memref<1x32x125xi32, #tpu.memory_space<vmem>>
        %dma_start3A_466 = tpu.memref_squeeze %dma_start3A_465 : memref<1x32x125xi32, #tpu.memory_space<vmem>> -> memref<32x125xi32, #tpu.memory_space<vmem>>
        %dma_start3A_467 = arith.constant 0 : i32
        %dma_start3A_468 = tpu.memref_slice %arg3[%add3A_450, %dma_start3A_467] : memref<2560x125xi32, #tpu.memory_space<hbm>> -> memref<32x125xi32, #tpu.memory_space<hbm>>
        %dma_start3A_469 = arith.constant 0 : i32
        %dma_start3A_470 = arith.constant 0 : i32
        %dma_start3A_471 = tpu.memref_slice %arg7[%rem3A_445, %dma_start3A_469, %dma_start3A_470] : memref<2x32x125xi32, #tpu.memory_space<vmem>> -> memref<1x32x125xi32, #tpu.memory_space<vmem>>
        %dma_start3A_472 = tpu.memref_squeeze %dma_start3A_471 : memref<1x32x125xi32, #tpu.memory_space<vmem>> -> memref<32x125xi32, #tpu.memory_space<vmem>>
        %dma_start3A_473 = arith.constant 0 : i32
        %dma_start3A_474 = tpu.memref_slice %arg3[%add3A_450, %dma_start3A_473] : memref<2560x125xi32, #tpu.memory_space<hbm>> -> memref<32x125xi32, #tpu.memory_space<hbm>>
        tpu.enqueue_dma source(%dma_start3A_474 : memref<32x125xi32, #tpu.memory_space<hbm>>) target(%dma_start3A_472 : memref<32x125xi32, #tpu.memory_space<vmem>>) target_semaphore(%arg14 : memref<!tpu.dma_semaphore, #tpu.memory_space<semaphore_mem>>)
      } else {
      }
      %dma_start3A = arith.constant 0 : i32
      %dma_start3A_426 = arith.constant 0 : i32
      %dma_start3A_427 = tpu.memref_slice %arg6[%rem3A_417, %dma_start3A, %dma_start3A_426] : memref<2x32x125xi32, #tpu.memory_space<vmem>> -> memref<1x1x125xi32, #tpu.memory_space<vmem>>
      %dma_start3A_428 = tpu.memref_squeeze %dma_start3A_427 : memref<1x1x125xi32, #tpu.memory_space<vmem>> -> memref<125xi32, #tpu.memory_space<vmem>>
      %dma_start3A_429 = arith.constant 0 : i32
      %dma_start3A_430 = tpu.memref_slice %arg4[%multiple_of3A, %dma_start3A_429] : memref<20000x128xf32, #tpu.memory_space<hbm>> -> memref<10000x128xf32, #tpu.memory_space<hbm>>
      %dma_start3A_431 = arith.constant 0 : i32
      %dma_start3A_432 = arith.constant 0 : i32
      %dma_start3A_433 = tpu.memref_slice %dma_start3A_430[%dma_start3A_431, %dma_start3A_432] : memref<10000x128xf32, #tpu.memory_space<hbm>> -> memref<10000x128xf32, #tpu.memory_space<hbm>>
      tpu.enqueue_indirect_dma source(%dma_start3A_433 : memref<10000x128xf32, #tpu.memory_space<hbm>>) target(%arg8 : memref<125x128xf32, #tpu.memory_space<vmem>>) offsets(%dma_start3A_428 : memref<125xi32, #tpu.memory_space<vmem>>) semaphore(%arg12 : memref<!tpu.dma_semaphore, #tpu.memory_space<semaphore_mem>>)
      %scan3A_434 = arith.constant 0 : i32
      %scan3A_435 = arith.constant 0 : i32
      %scan3A_436 = arith.constant 16 : i32
      %scan3A_437 = arith.addi %scan3A_435, %scan3A_436 : i32
      %scan3A_438 = arith.constant 1 : i32
      %scan3A_439 = scf.for %scan3A_442 = %scan3A_435 to %scan3A_437 step %scan3A_438 iter_args(%scan3A_443 = %scan3A_434) -> (i32)  : i32 {
        %mul3A_444 = arith.constant 2 : i32
        %mul3A_445 = arith.muli %scan3A_442, %mul3A_444 : i32
        %add3A_446 = arith.constant 1 : i32
        %add3A_447 = arith.addi %mul3A_445, %add3A_446 : i32
        %dma_start3A_448 = arith.constant 0 : i32
        %dma_start3A_449 = tpu.memref_slice %arg6[%rem3A_417, %add3A_447, %dma_start3A_448] : memref<2x32x125xi32, #tpu.memory_space<vmem>> -> memref<1x1x125xi32, #tpu.memory_space<vmem>>
        %dma_start3A_450 = tpu.memref_squeeze %dma_start3A_449 : memref<1x1x125xi32, #tpu.memory_space<vmem>> -> memref<125xi32, #tpu.memory_space<vmem>>
        %dma_start3A_451 = arith.constant 0 : i32
        %dma_start3A_452 = tpu.memref_slice %arg4[%multiple_of3A, %dma_start3A_451] : memref<20000x128xf32, #tpu.memory_space<hbm>> -> memref<10000x128xf32, #tpu.memory_space<hbm>>
        %dma_start3A_453 = arith.constant 0 : i32
        %dma_start3A_454 = arith.constant 0 : i32
        %dma_start3A_455 = tpu.memref_slice %dma_start3A_452[%dma_start3A_453, %dma_start3A_454] : memref<10000x128xf32, #tpu.memory_space<hbm>> -> memref<10000x128xf32, #tpu.memory_space<hbm>>
        tpu.enqueue_indirect_dma source(%dma_start3A_455 : memref<10000x128xf32, #tpu.memory_space<hbm>>) target(%arg9 : memref<125x128xf32, #tpu.memory_space<vmem>>) offsets(%dma_start3A_450 : memref<125xi32, #tpu.memory_space<vmem>>) semaphore(%arg13 : memref<!tpu.dma_semaphore, #tpu.memory_space<semaphore_mem>>)
        %dma_wait3A = arith.constant 0 : i32
        %dma_wait3A_456 = tpu.memref_slice %arg6[%rem3A_417, %mul3A_445, %dma_wait3A] : memref<2x32x125xi32, #tpu.memory_space<vmem>> -> memref<1x1x125xi32, #tpu.memory_space<vmem>>
        %dma_wait3A_457 = tpu.memref_squeeze %dma_wait3A_456 : memref<1x1x125xi32, #tpu.memory_space<vmem>> -> memref<125xi32, #tpu.memory_space<vmem>>
        %dma_wait3A_458 = arith.constant 0 : i32
        %dma_wait3A_459 = tpu.memref_slice %arg4[%multiple_of3A, %dma_wait3A_458] : memref<20000x128xf32, #tpu.memory_space<hbm>> -> memref<10000x128xf32, #tpu.memory_space<hbm>>
        %dma_wait3A_460 = arith.constant 0 : i32
        %dma_wait3A_461 = arith.constant 0 : i32
        %dma_wait3A_462 = tpu.memref_slice %dma_wait3A_459[%dma_wait3A_460, %dma_wait3A_461] : memref<10000x128xf32, #tpu.memory_space<hbm>> -> memref<10000x128xf32, #tpu.memory_space<hbm>>
        tpu.wait_indirect_dma semaphore(%arg12 : memref<!tpu.dma_semaphore, #tpu.memory_space<semaphore_mem>>) src(%dma_wait3A_462 : memref<10000x128xf32, #tpu.memory_space<hbm>>) dst(%arg8 : memref<125x128xf32, #tpu.memory_space<vmem>>)
        "tpu.region"() ({
          %run_scoped3A_481 = tpu.sem_alloc : memref<!tpu.dma_semaphore, #tpu.memory_space<semaphore_mem>>
          %dma_start3A_482 = arith.constant 0 : i32
          %dma_start3A_483 = tpu.memref_slice %arg7[%rem3A_417, %mul3A_445, %dma_start3A_482] : memref<2x32x125xi32, #tpu.memory_space<vmem>> -> memref<1x1x125xi32, #tpu.memory_space<vmem>>
          %dma_start3A_484 = tpu.memref_squeeze %dma_start3A_483 : memref<1x1x125xi32, #tpu.memory_space<vmem>> -> memref<125xi32, #tpu.memory_space<vmem>>
          %dma_start3A_485 = arith.constant 0 : i32
          %dma_start3A_486 = arith.constant 0 : i32
          %dma_start3A_487 = tpu.memref_slice %arg11[%dma_start3A_485, %dma_start3A_486] : memref<10000x128xf32, #tpu.memory_space<vmem_shared>> -> memref<10000x128xf32, #tpu.memory_space<vmem_shared>>
          tpu.enqueue_indirect_dma source(%arg8 : memref<125x128xf32, #tpu.memory_space<vmem>>) target(%dma_start3A_487 : memref<10000x128xf32, #tpu.memory_space<vmem_shared>>) offsets(%dma_start3A_484 : memref<125xi32, #tpu.memory_space<vmem>>) semaphore(%run_scoped3A_481 : memref<!tpu.dma_semaphore, #tpu.memory_space<semaphore_mem>>) {add = true}
          %dma_wait3A_488 = arith.constant 0 : i32
          %dma_wait3A_489 = tpu.memref_slice %arg7[%rem3A_417, %mul3A_445, %dma_wait3A_488] : memref<2x32x125xi32, #tpu.memory_space<vmem>> -> memref<1x1x125xi32, #tpu.memory_space<vmem>>
          %dma_wait3A_490 = tpu.memref_squeeze %dma_wait3A_489 : memref<1x1x125xi32, #tpu.memory_space<vmem>> -> memref<125xi32, #tpu.memory_space<vmem>>
          %dma_wait3A_491 = arith.constant 0 : i32
          %dma_wait3A_492 = arith.constant 0 : i32
          %dma_wait3A_493 = tpu.memref_slice %arg11[%dma_wait3A_491, %dma_wait3A_492] : memref<10000x128xf32, #tpu.memory_space<vmem_shared>> -> memref<10000x128xf32, #tpu.memory_space<vmem_shared>>
          tpu.wait_indirect_dma semaphore(%run_scoped3A_481 : memref<!tpu.dma_semaphore, #tpu.memory_space<semaphore_mem>>) src(%arg8 : memref<125x128xf32, #tpu.memory_space<vmem>>) dst(%dma_wait3A_493 : memref<10000x128xf32, #tpu.memory_space<vmem_shared>>)
          tpu.yield
        }) : () -> ()
        %lt3A_463 = arith.constant 15 : i32
        %lt3A_464 = arith.cmpi slt, %scan3A_442, %lt3A_463 : i32
        %convert_element_type3A_465 = arith.extui %lt3A_464 : i1 to i32
        %cond3A_466 = arith.constant 0 : i32
        %cond3A_467 = arith.cmpi ne, %convert_element_type3A_465, %cond3A_466 : i32
        scf.if %cond3A_467 {
          %add3A_481 = arith.constant 2 : i32
          %add3A_482 = arith.addi %mul3A_445, %add3A_481 : i32
          %dma_start3A_483 = arith.constant 0 : i32
          %dma_start3A_484 = tpu.memref_slice %arg6[%rem3A_417, %add3A_482, %dma_start3A_483] : memref<2x32x125xi32, #tpu.memory_space<vmem>> -> memref<1x1x125xi32, #tpu.memory_space<vmem>>
          %dma_start3A_485 = tpu.memref_squeeze %dma_start3A_484 : memref<1x1x125xi32, #tpu.memory_space<vmem>> -> memref<125xi32, #tpu.memory_space<vmem>>
          %dma_start3A_486 = arith.constant 0 : i32
          %dma_start3A_487 = tpu.memref_slice %arg4[%multiple_of3A, %dma_start3A_486] : memref<20000x128xf32, #tpu.memory_space<hbm>> -> memref<10000x128xf32, #tpu.memory_space<hbm>>
          %dma_start3A_488 = arith.constant 0 : i32
          %dma_start3A_489 = arith.constant 0 : i32
          %dma_start3A_490 = tpu.memref_slice %dma_start3A_487[%dma_start3A_488, %dma_start3A_489] : memref<10000x128xf32, #tpu.memory_space<hbm>> -> memref<10000x128xf32, #tpu.memory_space<hbm>>
          tpu.enqueue_indirect_dma source(%dma_start3A_490 : memref<10000x128xf32, #tpu.memory_space<hbm>>) target(%arg8 : memref<125x128xf32, #tpu.memory_space<vmem>>) offsets(%dma_start3A_485 : memref<125xi32, #tpu.memory_space<vmem>>) semaphore(%arg12 : memref<!tpu.dma_semaphore, #tpu.memory_space<semaphore_mem>>)
        } else {
        }
        %add3A_468 = arith.constant 1 : i32
        %add3A_469 = arith.addi %mul3A_445, %add3A_468 : i32
        %dma_wait3A_470 = arith.constant 0 : i32
        %dma_wait3A_471 = tpu.memref_slice %arg6[%rem3A_417, %add3A_469, %dma_wait3A_470] : memref<2x32x125xi32, #tpu.memory_space<vmem>> -> memref<1x1x125xi32, #tpu.memory_space<vmem>>
        %dma_wait3A_472 = tpu.memref_squeeze %dma_wait3A_471 : memref<1x1x125xi32, #tpu.memory_space<vmem>> -> memref<125xi32, #tpu.memory_space<vmem>>
        %dma_wait3A_473 = arith.constant 0 : i32
        %dma_wait3A_474 = tpu.memref_slice %arg4[%multiple_of3A, %dma_wait3A_473] : memref<20000x128xf32, #tpu.memory_space<hbm>> -> memref<10000x128xf32, #tpu.memory_space<hbm>>
        %dma_wait3A_475 = arith.constant 0 : i32
        %dma_wait3A_476 = arith.constant 0 : i32
        %dma_wait3A_477 = tpu.memref_slice %dma_wait3A_474[%dma_wait3A_475, %dma_wait3A_476] : memref<10000x128xf32, #tpu.memory_space<hbm>> -> memref<10000x128xf32, #tpu.memory_space<hbm>>
        tpu.wait_indirect_dma semaphore(%arg13 : memref<!tpu.dma_semaphore, #tpu.memory_space<semaphore_mem>>) src(%dma_wait3A_477 : memref<10000x128xf32, #tpu.memory_space<hbm>>) dst(%arg9 : memref<125x128xf32, #tpu.memory_space<vmem>>)
        %add3A_478 = arith.constant 1 : i32
        %add3A_479 = arith.addi %mul3A_445, %add3A_478 : i32
        "tpu.region"() ({
          %run_scoped3A_481 = tpu.sem_alloc : memref<!tpu.dma_semaphore, #tpu.memory_space<semaphore_mem>>
          %dma_start3A_482 = arith.constant 0 : i32
          %dma_start3A_483 = tpu.memref_slice %arg7[%rem3A_417, %add3A_479, %dma_start3A_482] : memref<2x32x125xi32, #tpu.memory_space<vmem>> -> memref<1x1x125xi32, #tpu.memory_space<vmem>>
          %dma_start3A_484 = tpu.memref_squeeze %dma_start3A_483 : memref<1x1x125xi32, #tpu.memory_space<vmem>> -> memref<125xi32, #tpu.memory_space<vmem>>
          %dma_start3A_485 = arith.constant 0 : i32
          %dma_start3A_486 = arith.constant 0 : i32
          %dma_start3A_487 = tpu.memref_slice %arg11[%dma_start3A_485, %dma_start3A_486] : memref<10000x128xf32, #tpu.memory_space<vmem_shared>> -> memref<10000x128xf32, #tpu.memory_space<vmem_shared>>
          tpu.enqueue_indirect_dma source(%arg9 : memref<125x128xf32, #tpu.memory_space<vmem>>) target(%dma_start3A_487 : memref<10000x128xf32, #tpu.memory_space<vmem_shared>>) offsets(%dma_start3A_484 : memref<125xi32, #tpu.memory_space<vmem>>) semaphore(%run_scoped3A_481 : memref<!tpu.dma_semaphore, #tpu.memory_space<semaphore_mem>>) {add = true}
          %dma_wait3A_488 = arith.constant 0 : i32
          %dma_wait3A_489 = tpu.memref_slice %arg7[%rem3A_417, %add3A_479, %dma_wait3A_488] : memref<2x32x125xi32, #tpu.memory_space<vmem>> -> memref<1x1x125xi32, #tpu.memory_space<vmem>>
          %dma_wait3A_490 = tpu.memref_squeeze %dma_wait3A_489 : memref<1x1x125xi32, #tpu.memory_space<vmem>> -> memref<125xi32, #tpu.memory_space<vmem>>
          %dma_wait3A_491 = arith.constant 0 : i32
          %dma_wait3A_492 = arith.constant 0 : i32
          %dma_wait3A_493 = tpu.memref_slice %arg11[%dma_wait3A_491, %dma_wait3A_492] : memref<10000x128xf32, #tpu.memory_space<vmem_shared>> -> memref<10000x128xf32, #tpu.memory_space<vmem_shared>>
          tpu.wait_indirect_dma semaphore(%run_scoped3A_481 : memref<!tpu.dma_semaphore, #tpu.memory_space<semaphore_mem>>) src(%arg9 : memref<125x128xf32, #tpu.memory_space<vmem>>) dst(%dma_wait3A_493 : memref<10000x128xf32, #tpu.memory_space<vmem_shared>>)
          tpu.yield
        }) : () -> ()
        %scan3A_480 = arith.constant 0 : i32
        scf.yield %scan3A_480 : i32
      }
      %scan3A_440 = arith.constant 16 : i32
      %scan3A_441 = arith.constant 0 : i32
      scf.yield %scan3A_441 : i32
    }
    %scan3A_402 = arith.constant 5 : i32
    %barrier3A_403 = arith.constant 0 : index
    tpu.barrier barrier_id(%barrier3A_403)
    %mul3A_404 = arith.constant 624 : i32
    %mul3A_405 = arith.muli %arg1, %mul3A_404 : i32
    %mul3A_406 = arith.constant 10000 : i32
    %mul3A_407 = arith.muli %arg0, %mul3A_406 : i32
    %mul3A_408 = arith.constant 624 : i32
    %mul3A_409 = arith.muli %arg1, %mul3A_408 : i32
    %add3A = arith.addi %mul3A_407, %mul3A_409 : i32
    "tpu.region"() ({
      %run_scoped3A_415 = tpu.sem_alloc : memref<!tpu.dma_semaphore, #tpu.memory_space<semaphore_mem>>
      %dma_start3A = arith.constant 0 : i32
      %dma_start3A_416 = tpu.memref_slice %arg5[%add3A, %dma_start3A] : memref<20000x128xf32, #tpu.memory_space<hbm>> -> memref<624x128xf32, #tpu.memory_space<hbm>>
      %dma_start3A_417 = arith.constant 0 : i32
      %dma_start3A_418 = tpu.memref_slice %arg11[%mul3A_405, %dma_start3A_417] : memref<10000x128xf32, #tpu.memory_space<vmem_shared>> -> memref<624x128xf32, #tpu.memory_space<vmem_shared>>
      tpu.enqueue_dma source(%dma_start3A_418 : memref<624x128xf32, #tpu.memory_space<vmem_shared>>) target(%dma_start3A_416 : memref<624x128xf32, #tpu.memory_space<hbm>>) target_semaphore(%run_scoped3A_415 : memref<!tpu.dma_semaphore, #tpu.memory_space<semaphore_mem>>)
      %dma_wait3A = arith.constant 0 : i32
      %dma_wait3A_419 = tpu.memref_slice %arg5[%add3A, %dma_wait3A] : memref<20000x128xf32, #tpu.memory_space<hbm>> -> memref<624x128xf32, #tpu.memory_space<hbm>>
      %dma_wait3A_420 = arith.constant 0 : i32
      %dma_wait3A_421 = tpu.memref_slice %arg11[%mul3A_405, %dma_wait3A_420] : memref<10000x128xf32, #tpu.memory_space<vmem_shared>> -> memref<624x128xf32, #tpu.memory_space<vmem_shared>>
      tpu.wait_dma2 semaphore(%run_scoped3A_415 : memref<!tpu.dma_semaphore, #tpu.memory_space<semaphore_mem>>) src(%dma_wait3A_421 : memref<624x128xf32, #tpu.memory_space<vmem_shared>>) dst(%dma_wait3A_419 : memref<624x128xf32, #tpu.memory_space<hbm>>)
      tpu.yield
    }) : () -> ()
    %eq3A_410 = arith.constant 15 : i32
    %eq3A_411 = arith.cmpi eq, %arg1, %eq3A_410 : i32
    %convert_element_type3A_412 = arith.extui %eq3A_411 : i1 to i32
    %cond3A_413 = arith.constant 0 : i32
    %cond3A_414 = arith.cmpi ne, %convert_element_type3A_412, %cond3A_413 : i32
    scf.if %cond3A_414 {
      %mul3A_415 = arith.constant 10000 : i32
      %mul3A_416 = arith.muli %arg0, %mul3A_415 : i32
      %add3A_417 = arith.constant 9984 : i32
      %add3A_418 = arith.addi %mul3A_416, %add3A_417 : i32
      "tpu.region"() ({
        %run_scoped3A_419 = tpu.sem_alloc : memref<!tpu.dma_semaphore, #tpu.memory_space<semaphore_mem>>
        %dma_start3A = arith.constant 0 : i32
        %dma_start3A_420 = tpu.memref_slice %arg5[%add3A_418, %dma_start3A] : memref<20000x128xf32, #tpu.memory_space<hbm>> -> memref<16x128xf32, #tpu.memory_space<hbm>>
        %dma_start3A_421 = arith.constant 9984 : i32
        %dma_start3A_422 = arith.constant 0 : i32
        %dma_start3A_423 = tpu.memref_slice %arg11[%dma_start3A_421, %dma_start3A_422] : memref<10000x128xf32, #tpu.memory_space<vmem_shared>> -> memref<16x128xf32, #tpu.memory_space<vmem_shared>>
        tpu.enqueue_dma source(%dma_start3A_423 : memref<16x128xf32, #tpu.memory_space<vmem_shared>>) target(%dma_start3A_420 : memref<16x128xf32, #tpu.memory_space<hbm>>) target_semaphore(%run_scoped3A_419 : memref<!tpu.dma_semaphore, #tpu.memory_space<semaphore_mem>>)
        %dma_wait3A = arith.constant 0 : i32
        %dma_wait3A_424 = tpu.memref_slice %arg5[%add3A_418, %dma_wait3A] : memref<20000x128xf32, #tpu.memory_space<hbm>> -> memref<16x128xf32, #tpu.memory_space<hbm>>
        %dma_wait3A_425 = arith.constant 9984 : i32
        %dma_wait3A_426 = arith.constant 0 : i32
        %dma_wait3A_427 = tpu.memref_slice %arg11[%dma_wait3A_425, %dma_wait3A_426] : memref<10000x128xf32, #tpu.memory_space<vmem_shared>> -> memref<16x128xf32, #tpu.memory_space<vmem_shared>>
        tpu.wait_dma2 semaphore(%run_scoped3A_419 : memref<!tpu.dma_semaphore, #tpu.memory_space<semaphore_mem>>) src(%dma_wait3A_427 : memref<16x128xf32, #tpu.memory_space<vmem_shared>>) dst(%dma_wait3A_424 : memref<16x128xf32, #tpu.memory_space<hbm>>)
        tpu.yield
      }) : () -> ()
    } else {
    }
    return
  }
}

module attributes {stable_mosaic.version = 14 : i64} {
  func.func @body(%arg0: i32, %arg1: memref<2000x48xf32, #tpu.memory_space<vmem>>, %arg2: memref<2000x128xf32, #tpu.memory_space<vmem>>, %arg3: memref<1x32x2000xf32, #tpu.memory_space<vmem>>, %arg4: memref<48x256xf32, #tpu.memory_space<vmem>>, %arg5: memref<1x256xf32, #tpu.memory_space<vmem>>, %arg6: memref<256x256xf32, #tpu.memory_space<vmem>>, %arg7: memref<1x256xf32, #tpu.memory_space<vmem>>, %arg8: memref<128x256xf32, #tpu.memory_space<vmem>>, %arg9: memref<256x256xf32, #tpu.memory_space<vmem>>, %arg10: memref<1x256xf32, #tpu.memory_space<vmem>>, %arg11: memref<256x1xf32, #tpu.memory_space<vmem>>, %arg12: memref<2000x256xf32, #tpu.memory_space<vmem>>, %arg13: memref<2000x1xf32, #tpu.memory_space<vmem>>, %arg14: memref<2x2000x128xf32, #tpu.memory_space<vmem>>, %arg15: memref<2000x1xf32, #tpu.memory_space<vmem>>) attributes {dimension_semantics = [#tpu.dimension_semantics<arbitrary>], iteration_bounds = array<i64: 5>, scalar_prefetch = 0 : i64, scratch_operands = 0 : i64, tpu.core_type = #tpu.core_type<tc>, window_params = [{transform_indices = @transform_0, window_bounds = array<i64: 2000, 48>}, {transform_indices = @transform_1, window_bounds = array<i64: 2000, 128>}, {transform_indices = @transform_2, window_bounds = array<i64: 1, 32, 2000>}, {pipeline_mode = #tpu.pipeline_mode<synchronous>, transform_indices = @transform_3, window_bounds = array<i64: 48, 256>}, {pipeline_mode = #tpu.pipeline_mode<synchronous>, transform_indices = @transform_4, window_bounds = array<i64: 1, 256>}, {pipeline_mode = #tpu.pipeline_mode<synchronous>, transform_indices = @transform_5, window_bounds = array<i64: 256, 256>}, {pipeline_mode = #tpu.pipeline_mode<synchronous>, transform_indices = @transform_6, window_bounds = array<i64: 1, 256>}, {pipeline_mode = #tpu.pipeline_mode<synchronous>, transform_indices = @transform_7, window_bounds = array<i64: 128, 256>}, {pipeline_mode = #tpu.pipeline_mode<synchronous>, transform_indices = @transform_8, window_bounds = array<i64: 256, 256>}, {pipeline_mode = #tpu.pipeline_mode<synchronous>, transform_indices = @transform_9, window_bounds = array<i64: 1, 256>}, {pipeline_mode = #tpu.pipeline_mode<synchronous>, transform_indices = @transform_10, window_bounds = array<i64: 256, 1>}, {transform_indices = @transform_11, window_bounds = array<i64: 2000, 256>}, {transform_indices = @transform_12, window_bounds = array<i64: 2000, 1>}, {transform_indices = @transform_13, window_bounds = array<i64: 2, 2000, 128>}, {transform_indices = @transform_14, window_bounds = array<i64: 2000, 1>}]} {
    %get3A = arith.constant 0 : index
    %get3A_0 = arith.constant 0 : index
    %get3A_1 = arith.constant 0 : index
    %get3A_2 = vector.load %arg3[%get3A, %get3A_0, %get3A_1] : memref<1x32x2000xf32, #tpu.memory_space<vmem>>, vector<1x32x2000xf32>
    %get3A_3 = vector.shape_cast %get3A_2 : vector<1x32x2000xf32> to vector<32x2000xf32>
    %reduce_sum3A = arith.constant dense<0.000000e+00> : vector<2000xf32>
    %reduce_sum3A_4 = vector.multi_reduction <add>, %get3A_3, %reduce_sum3A [0] : vector<32x2000xf32> to vector<2000xf32>
    %broadcast_in_dim3A = vector.shape_cast %reduce_sum3A_4 : vector<2000xf32> to vector<2000x1xf32>
    %add3A = arith.constant 1.000000e+00 : f32
    %add3A_5 = vector.broadcast %add3A : f32 to vector<2000x1xf32>
    %add3A_6 = arith.addf %add3A_5, %broadcast_in_dim3A : vector<2000x1xf32>
    %rsqrt3A = math.rsqrt %add3A_6 : vector<2000x1xf32>
    %get3A_7 = arith.constant 0 : index
    %get3A_8 = arith.constant 0 : index
    %get3A_9 = vector.load %arg1[%get3A_7, %get3A_8] : memref<2000x48xf32, #tpu.memory_space<vmem>>, vector<2000x48xf32>
    %get3A_10 = arith.constant 0 : index
    %get3A_11 = arith.constant 0 : index
    %get3A_12 = vector.load %arg4[%get3A_10, %get3A_11] : memref<48x256xf32, #tpu.memory_space<vmem>>, vector<48x256xf32>
    %dot_general3A = arith.constant dense<0.000000e+00> : vector<2000x256xf32>
    %dot_general3A_13 = tpu.matmul %get3A_9, %get3A_12, %dot_general3A {dimension_numbers = #tpu.dot_dimension_numbers<[1], [0], [0], [1], [0, 0, 1, 1], [], []>, transpose_lhs_hint = false} : vector<2000x48xf32>, vector<48x256xf32>, vector<2000x256xf32> -> vector<2000x256xf32>
    %get3A_14 = arith.constant 0 : index
    %get3A_15 = arith.constant 0 : index
    %get3A_16 = vector.load %arg5[%get3A_14, %get3A_15] : memref<1x256xf32, #tpu.memory_space<vmem>>, vector<1x256xf32>
    %add3A_17 = vector.broadcast %get3A_16 : vector<1x256xf32> to vector<2000x256xf32>
    %add3A_18 = arith.addf %dot_general3A_13, %add3A_17 : vector<2000x256xf32>
    %max3A = arith.constant 0.000000e+00 : f32
    %max3A_19 = vector.broadcast %max3A : f32 to vector<2000x256xf32>
    %max3A_20 = arith.maximumf %add3A_18, %max3A_19 : vector<2000x256xf32>
    %get3A_21 = arith.constant 0 : index
    %get3A_22 = arith.constant 0 : index
    %get3A_23 = vector.load %arg6[%get3A_21, %get3A_22] : memref<256x256xf32, #tpu.memory_space<vmem>>, vector<256x256xf32>
    %dot_general3A_24 = arith.constant dense<0.000000e+00> : vector<2000x256xf32>
    %dot_general3A_25 = tpu.matmul %max3A_20, %get3A_23, %dot_general3A_24 {dimension_numbers = #tpu.dot_dimension_numbers<[1], [0], [0], [1], [0, 0, 1, 1], [], []>, transpose_lhs_hint = false} : vector<2000x256xf32>, vector<256x256xf32>, vector<2000x256xf32> -> vector<2000x256xf32>
    %get3A_26 = arith.constant 0 : index
    %get3A_27 = arith.constant 0 : index
    %get3A_28 = vector.load %arg7[%get3A_26, %get3A_27] : memref<1x256xf32, #tpu.memory_space<vmem>>, vector<1x256xf32>
    %add3A_29 = vector.broadcast %get3A_28 : vector<1x256xf32> to vector<2000x256xf32>
    %add3A_30 = arith.addf %dot_general3A_25, %add3A_29 : vector<2000x256xf32>
    %swap3A = arith.constant 0 : index
    %swap3A_31 = arith.constant 0 : index
    %swap3A_32 = vector.load %arg12[%swap3A, %swap3A_31] : memref<2000x256xf32, #tpu.memory_space<vmem>>, vector<2000x256xf32>
    tpu.vector_store %arg12[%swap3A, %swap3A_31], %add3A_30 {strides = array<i32>} : memref<2000x256xf32, #tpu.memory_space<vmem>>, vector<2000x256xf32>,
    %get3A_33 = arith.constant 0 : index
    %get3A_34 = arith.constant 0 : index
    %get3A_35 = vector.load %arg9[%get3A_33, %get3A_34] : memref<256x256xf32, #tpu.memory_space<vmem>>, vector<256x256xf32>
    %dot_general3A_36 = arith.constant dense<0.000000e+00> : vector<2000x256xf32>
    %dot_general3A_37 = tpu.matmul %add3A_30, %get3A_35, %dot_general3A_36 {dimension_numbers = #tpu.dot_dimension_numbers<[1], [0], [0], [1], [0, 0, 1, 1], [], []>, transpose_lhs_hint = false} : vector<2000x256xf32>, vector<256x256xf32>, vector<2000x256xf32> -> vector<2000x256xf32>
    %get3A_38 = arith.constant 0 : index
    %get3A_39 = arith.constant 0 : index
    %get3A_40 = vector.load %arg10[%get3A_38, %get3A_39] : memref<1x256xf32, #tpu.memory_space<vmem>>, vector<1x256xf32>
    %add3A_41 = vector.broadcast %get3A_40 : vector<1x256xf32> to vector<2000x256xf32>
    %add3A_42 = arith.addf %dot_general3A_37, %add3A_41 : vector<2000x256xf32>
    %tanh3A = math.tanh %add3A_42 : vector<2000x256xf32>
    %get3A_43 = arith.constant 0 : index
    %get3A_44 = arith.constant 0 : index
    %get3A_45 = vector.load %arg11[%get3A_43, %get3A_44] : memref<256x1xf32, #tpu.memory_space<vmem>>, vector<256x1xf32>
    %dot_general3A_46 = arith.constant dense<0.000000e+00> : vector<2000x1xf32>
    %dot_general3A_47 = tpu.matmul %tanh3A, %get3A_45, %dot_general3A_46 {dimension_numbers = #tpu.dot_dimension_numbers<[1], [0], [0], [1], [0, 0, 1, 1], [], []>, transpose_lhs_hint = false} : vector<2000x256xf32>, vector<256x1xf32>, vector<2000x1xf32> -> vector<2000x1xf32>
    %swap3A_48 = arith.constant 0 : index
    %swap3A_49 = arith.constant 0 : index
    %swap3A_50 = vector.load %arg13[%swap3A_48, %swap3A_49] : memref<2000x1xf32, #tpu.memory_space<vmem>>, vector<2000x1xf32>
    tpu.vector_store %arg13[%swap3A_48, %swap3A_49], %dot_general3A_47 {strides = array<i32>} : memref<2000x1xf32, #tpu.memory_space<vmem>>, vector<2000x1xf32>,
    %get3A_51 = arith.constant 0 : index
    %get3A_52 = arith.constant 0 : index
    %get3A_53 = vector.load %arg2[%get3A_51, %get3A_52] : memref<2000x128xf32, #tpu.memory_space<vmem>>, vector<2000x128xf32>
    %get3A_54 = arith.constant 0 : index
    %get3A_55 = arith.constant 0 : index
    %get3A_56 = vector.load %arg8[%get3A_54, %get3A_55] : memref<128x256xf32, #tpu.memory_space<vmem>>, vector<128x256xf32>
    %dot_general3A_57 = arith.constant dense<0.000000e+00> : vector<2000x256xf32>
    %dot_general3A_58 = tpu.matmul %get3A_53, %get3A_56, %dot_general3A_57 {dimension_numbers = #tpu.dot_dimension_numbers<[1], [0], [0], [1], [0, 0, 1, 1], [], []>, transpose_lhs_hint = false} : vector<2000x128xf32>, vector<128x256xf32>, vector<2000x256xf32> -> vector<2000x256xf32>
    %mul3A = vector.broadcast %rsqrt3A : vector<2000x1xf32> to vector<2000x256xf32>
    %mul3A_59 = arith.mulf %mul3A, %dot_general3A_58 : vector<2000x256xf32>
    %slice3A = vector.extract_strided_slice %mul3A_59 {offsets = [0, 0], sizes = [2000, 128], strides = [1, 1]} : vector<2000x256xf32> to vector<2000x128xf32>
    %swap3A_60 = arith.constant 0 : index
    %swap3A_61 = arith.constant 0 : index
    %swap3A_62 = arith.constant 0 : index
    %swap3A_63 = vector.load %arg14[%swap3A_60, %swap3A_61, %swap3A_62] : memref<2x2000x128xf32, #tpu.memory_space<vmem>>, vector<1x2000x128xf32>
    %swap3A_64 = vector.shape_cast %swap3A_63 : vector<1x2000x128xf32> to vector<2000x128xf32>
    %swap3A_65 = vector.shape_cast %slice3A : vector<2000x128xf32> to vector<1x2000x128xf32>
    tpu.vector_store %arg14[%swap3A_60, %swap3A_61, %swap3A_62], %swap3A_65 {strides = array<i32>} : memref<2x2000x128xf32, #tpu.memory_space<vmem>>, vector<1x2000x128xf32>,
    %slice3A_66 = vector.extract_strided_slice %mul3A_59 {offsets = [0, 128], sizes = [2000, 128], strides = [1, 1]} : vector<2000x256xf32> to vector<2000x128xf32>
    %swap3A_67 = arith.constant 1 : index
    %swap3A_68 = arith.constant 0 : index
    %swap3A_69 = arith.constant 0 : index
    %swap3A_70 = vector.load %arg14[%swap3A_67, %swap3A_68, %swap3A_69] : memref<2x2000x128xf32, #tpu.memory_space<vmem>>, vector<1x2000x128xf32>
    %swap3A_71 = vector.shape_cast %swap3A_70 : vector<1x2000x128xf32> to vector<2000x128xf32>
    %swap3A_72 = vector.shape_cast %slice3A_66 : vector<2000x128xf32> to vector<1x2000x128xf32>
    tpu.vector_store %arg14[%swap3A_67, %swap3A_68, %swap3A_69], %swap3A_72 {strides = array<i32>} : memref<2x2000x128xf32, #tpu.memory_space<vmem>>, vector<1x2000x128xf32>,
    %swap3A_73 = arith.constant 0 : index
    %swap3A_74 = arith.constant 0 : index
    %swap3A_75 = vector.load %arg15[%swap3A_73, %swap3A_74] : memref<2000x1xf32, #tpu.memory_space<vmem>>, vector<2000x1xf32>
    tpu.vector_store %arg15[%swap3A_73, %swap3A_74], %rsqrt3A {strides = array<i32>} : memref<2000x1xf32, #tpu.memory_space<vmem>>, vector<2000x1xf32>,
    return
  }
  func.func @transform_0(%arg0: i32) -> (i32, i32) {
    %c0_i32 = arith.constant 0 : i32
    %c0_i32_0 = arith.constant 0 : i32
    return %arg0, %c0_i32 : i32, i32
  }
  func.func @transform_1(%arg0: i32) -> (i32, i32) {
    %c0_i32 = arith.constant 0 : i32
    %c0_i32_0 = arith.constant 0 : i32
    return %arg0, %c0_i32 : i32, i32
  }
  func.func @transform_2(%arg0: i32) -> (i32, i32, i32) {
    %c0_i32 = arith.constant 0 : i32
    %c0_i32_0 = arith.constant 0 : i32
    %c0_i32_1 = arith.constant 0 : i32
    return %arg0, %c0_i32, %c0_i32_0 : i32, i32, i32
  }
  func.func @transform_3(%arg0: i32) -> (i32, i32) {
    %c0_i32 = arith.constant 0 : i32
    %c0_i32_0 = arith.constant 0 : i32
    %c0_i32_1 = arith.constant 0 : i32
    return %c0_i32, %c0_i32_0 : i32, i32
  }
  func.func @transform_4(%arg0: i32) -> (i32, i32) {
    %c0_i32 = arith.constant 0 : i32
    %c0_i32_0 = arith.constant 0 : i32
    %c0_i32_1 = arith.constant 0 : i32
    return %c0_i32, %c0_i32_0 : i32, i32
  }
  func.func @transform_5(%arg0: i32) -> (i32, i32) {
    %c0_i32 = arith.constant 0 : i32
    %c0_i32_0 = arith.constant 0 : i32
    %c0_i32_1 = arith.constant 0 : i32
    return %c0_i32, %c0_i32_0 : i32, i32
  }
  func.func @transform_6(%arg0: i32) -> (i32, i32) {
    %c0_i32 = arith.constant 0 : i32
    %c0_i32_0 = arith.constant 0 : i32
    %c0_i32_1 = arith.constant 0 : i32
    return %c0_i32, %c0_i32_0 : i32, i32
  }
  func.func @transform_7(%arg0: i32) -> (i32, i32) {
    %c0_i32 = arith.constant 0 : i32
    %c0_i32_0 = arith.constant 0 : i32
    %c0_i32_1 = arith.constant 0 : i32
    return %c0_i32, %c0_i32_0 : i32, i32
  }
  func.func @transform_8(%arg0: i32) -> (i32, i32) {
    %c0_i32 = arith.constant 0 : i32
    %c0_i32_0 = arith.constant 0 : i32
    %c0_i32_1 = arith.constant 0 : i32
    return %c0_i32, %c0_i32_0 : i32, i32
  }
  func.func @transform_9(%arg0: i32) -> (i32, i32) {
    %c0_i32 = arith.constant 0 : i32
    %c0_i32_0 = arith.constant 0 : i32
    %c0_i32_1 = arith.constant 0 : i32
    return %c0_i32, %c0_i32_0 : i32, i32
  }
  func.func @transform_10(%arg0: i32) -> (i32, i32) {
    %c0_i32 = arith.constant 0 : i32
    %c0_i32_0 = arith.constant 0 : i32
    %c0_i32_1 = arith.constant 0 : i32
    return %c0_i32, %c0_i32_0 : i32, i32
  }
  func.func @transform_11(%arg0: i32) -> (i32, i32) {
    %c0_i32 = arith.constant 0 : i32
    %c0_i32_0 = arith.constant 0 : i32
    return %arg0, %c0_i32 : i32, i32
  }
  func.func @transform_12(%arg0: i32) -> (i32, i32) {
    %c0_i32 = arith.constant 0 : i32
    %c0_i32_0 = arith.constant 0 : i32
    return %arg0, %c0_i32 : i32, i32
  }
  func.func @transform_13(%arg0: i32) -> (i32, i32, i32) {
    %c0_i32 = arith.constant 0 : i32
    %c0_i32_0 = arith.constant 0 : i32
    %c0_i32_1 = arith.constant 0 : i32
    return %c0_i32, %arg0, %c0_i32_0 : i32, i32, i32
  }
  func.func @transform_14(%arg0: i32) -> (i32, i32) {
    %c0_i32 = arith.constant 0 : i32
    %c0_i32_0 = arith.constant 0 : i32
    return %arg0, %c0_i32 : i32, i32
  }
}

module attributes {stable_mosaic.version = 14 : i64} {
  func.func @body(%arg0: i32, %arg1: memref<2x2000x128xf32, #tpu.memory_space<vmem>>, %arg2: memref<2x2000x128xf32, #tpu.memory_space<vmem>>, %arg3: memref<2000x1xf32, #tpu.memory_space<vmem>>, %arg4: memref<1x256xf32, #tpu.memory_space<vmem>>, %arg5: memref<256x256xf32, #tpu.memory_space<vmem>>, %arg6: memref<2x2000x128xf32, #tpu.memory_space<vmem>>) attributes {dimension_semantics = [#tpu.dimension_semantics<arbitrary>], iteration_bounds = array<i64: 5>, scalar_prefetch = 0 : i64, scratch_operands = 0 : i64, tpu.core_type = #tpu.core_type<tc>, window_params = [{transform_indices = @transform_0, window_bounds = array<i64: 2, 2000, 128>}, {transform_indices = @transform_1, window_bounds = array<i64: 2, 2000, 128>}, {transform_indices = @transform_2, window_bounds = array<i64: 2000, 1>}, {pipeline_mode = #tpu.pipeline_mode<synchronous>, transform_indices = @transform_3, window_bounds = array<i64: 1, 256>}, {pipeline_mode = #tpu.pipeline_mode<synchronous>, transform_indices = @transform_4, window_bounds = array<i64: 256, 256>}, {transform_indices = @transform_5, window_bounds = array<i64: 2, 2000, 128>}]} {
    %get3A = arith.constant 0 : index
    %get3A_0 = arith.constant 0 : index
    %get3A_1 = vector.load %arg3[%get3A, %get3A_0] : memref<2000x1xf32, #tpu.memory_space<vmem>>, vector<2000x1xf32>
    %get3A_2 = arith.constant 0 : index
    %get3A_3 = arith.constant 0 : index
    %get3A_4 = arith.constant 0 : index
    %get3A_5 = vector.load %arg1[%get3A_2, %get3A_3, %get3A_4] : memref<2x2000x128xf32, #tpu.memory_space<vmem>>, vector<1x2000x128xf32>
    %get3A_6 = vector.shape_cast %get3A_5 : vector<1x2000x128xf32> to vector<2000x128xf32>
    %get3A_7 = arith.constant 1 : index
    %get3A_8 = arith.constant 0 : index
    %get3A_9 = arith.constant 0 : index
    %get3A_10 = vector.load %arg1[%get3A_7, %get3A_8, %get3A_9] : memref<2x2000x128xf32, #tpu.memory_space<vmem>>, vector<1x2000x128xf32>
    %get3A_11 = vector.shape_cast %get3A_10 : vector<1x2000x128xf32> to vector<2000x128xf32>
    %concatenate3A = tpu.concatenate %get3A_6, %get3A_11 in 1 : vector<2000x128xf32>, vector<2000x128xf32> -> vector<2000x256xf32>
    %get3A_12 = arith.constant 0 : index
    %get3A_13 = arith.constant 0 : index
    %get3A_14 = arith.constant 0 : index
    %get3A_15 = vector.load %arg2[%get3A_12, %get3A_13, %get3A_14] : memref<2x2000x128xf32, #tpu.memory_space<vmem>>, vector<1x2000x128xf32>
    %get3A_16 = vector.shape_cast %get3A_15 : vector<1x2000x128xf32> to vector<2000x128xf32>
    %get3A_17 = arith.constant 1 : index
    %get3A_18 = arith.constant 0 : index
    %get3A_19 = arith.constant 0 : index
    %get3A_20 = vector.load %arg2[%get3A_17, %get3A_18, %get3A_19] : memref<2x2000x128xf32, #tpu.memory_space<vmem>>, vector<1x2000x128xf32>
    %get3A_21 = vector.shape_cast %get3A_20 : vector<1x2000x128xf32> to vector<2000x128xf32>
    %concatenate3A_22 = tpu.concatenate %get3A_16, %get3A_21 in 1 : vector<2000x128xf32>, vector<2000x128xf32> -> vector<2000x256xf32>
    %add3A = arith.addf %concatenate3A, %concatenate3A_22 : vector<2000x256xf32>
    %mul3A = vector.broadcast %get3A_1 : vector<2000x1xf32> to vector<2000x256xf32>
    %mul3A_23 = arith.mulf %mul3A, %add3A : vector<2000x256xf32>
    %get3A_24 = arith.constant 0 : index
    %get3A_25 = arith.constant 0 : index
    %get3A_26 = vector.load %arg4[%get3A_24, %get3A_25] : memref<1x256xf32, #tpu.memory_space<vmem>>, vector<1x256xf32>
    %add3A_27 = vector.broadcast %get3A_26 : vector<1x256xf32> to vector<2000x256xf32>
    %add3A_28 = arith.addf %mul3A_23, %add3A_27 : vector<2000x256xf32>
    %max3A = arith.constant 0.000000e+00 : f32
    %max3A_29 = vector.broadcast %max3A : f32 to vector<2000x256xf32>
    %max3A_30 = arith.maximumf %add3A_28, %max3A_29 : vector<2000x256xf32>
    %get3A_31 = arith.constant 0 : index
    %get3A_32 = arith.constant 0 : index
    %get3A_33 = vector.load %arg5[%get3A_31, %get3A_32] : memref<256x256xf32, #tpu.memory_space<vmem>>, vector<256x256xf32>
    %dot_general3A = arith.constant dense<0.000000e+00> : vector<2000x256xf32>
    %dot_general3A_34 = tpu.matmul %max3A_30, %get3A_33, %dot_general3A {dimension_numbers = #tpu.dot_dimension_numbers<[1], [0], [0], [1], [0, 0, 1, 1], [], []>, transpose_lhs_hint = false} : vector<2000x256xf32>, vector<256x256xf32>, vector<2000x256xf32> -> vector<2000x256xf32>
    %mul3A_35 = vector.broadcast %get3A_1 : vector<2000x1xf32> to vector<2000x256xf32>
    %mul3A_36 = arith.mulf %mul3A_35, %dot_general3A_34 : vector<2000x256xf32>
    %slice3A = vector.extract_strided_slice %mul3A_36 {offsets = [0, 0], sizes = [2000, 128], strides = [1, 1]} : vector<2000x256xf32> to vector<2000x128xf32>
    %swap3A = arith.constant 0 : index
    %swap3A_37 = arith.constant 0 : index
    %swap3A_38 = arith.constant 0 : index
    %swap3A_39 = vector.load %arg6[%swap3A, %swap3A_37, %swap3A_38] : memref<2x2000x128xf32, #tpu.memory_space<vmem>>, vector<1x2000x128xf32>
    %swap3A_40 = vector.shape_cast %swap3A_39 : vector<1x2000x128xf32> to vector<2000x128xf32>
    %swap3A_41 = vector.shape_cast %slice3A : vector<2000x128xf32> to vector<1x2000x128xf32>
    tpu.vector_store %arg6[%swap3A, %swap3A_37, %swap3A_38], %swap3A_41 {strides = array<i32>} : memref<2x2000x128xf32, #tpu.memory_space<vmem>>, vector<1x2000x128xf32>,
    %slice3A_42 = vector.extract_strided_slice %mul3A_36 {offsets = [0, 128], sizes = [2000, 128], strides = [1, 1]} : vector<2000x256xf32> to vector<2000x128xf32>
    %swap3A_43 = arith.constant 1 : index
    %swap3A_44 = arith.constant 0 : index
    %swap3A_45 = arith.constant 0 : index
    %swap3A_46 = vector.load %arg6[%swap3A_43, %swap3A_44, %swap3A_45] : memref<2x2000x128xf32, #tpu.memory_space<vmem>>, vector<1x2000x128xf32>
    %swap3A_47 = vector.shape_cast %swap3A_46 : vector<1x2000x128xf32> to vector<2000x128xf32>
    %swap3A_48 = vector.shape_cast %slice3A_42 : vector<2000x128xf32> to vector<1x2000x128xf32>
    tpu.vector_store %arg6[%swap3A_43, %swap3A_44, %swap3A_45], %swap3A_48 {strides = array<i32>} : memref<2x2000x128xf32, #tpu.memory_space<vmem>>, vector<1x2000x128xf32>,
    return
  }
  func.func @transform_0(%arg0: i32) -> (i32, i32, i32) {
    %c0_i32 = arith.constant 0 : i32
    %c0_i32_0 = arith.constant 0 : i32
    %c0_i32_1 = arith.constant 0 : i32
    return %c0_i32, %arg0, %c0_i32_0 : i32, i32, i32
  }
  func.func @transform_1(%arg0: i32) -> (i32, i32, i32) {
    %c0_i32 = arith.constant 0 : i32
    %c0_i32_0 = arith.constant 0 : i32
    %c0_i32_1 = arith.constant 0 : i32
    return %c0_i32, %arg0, %c0_i32_0 : i32, i32, i32
  }
  func.func @transform_2(%arg0: i32) -> (i32, i32) {
    %c0_i32 = arith.constant 0 : i32
    %c0_i32_0 = arith.constant 0 : i32
    return %arg0, %c0_i32 : i32, i32
  }
  func.func @transform_3(%arg0: i32) -> (i32, i32) {
    %c0_i32 = arith.constant 0 : i32
    %c0_i32_0 = arith.constant 0 : i32
    %c0_i32_1 = arith.constant 0 : i32
    return %c0_i32, %c0_i32_0 : i32, i32
  }
  func.func @transform_4(%arg0: i32) -> (i32, i32) {
    %c0_i32 = arith.constant 0 : i32
    %c0_i32_0 = arith.constant 0 : i32
    %c0_i32_1 = arith.constant 0 : i32
    return %c0_i32, %c0_i32_0 : i32, i32
  }
  func.func @transform_5(%arg0: i32) -> (i32, i32, i32) {
    %c0_i32 = arith.constant 0 : i32
    %c0_i32_0 = arith.constant 0 : i32
    %c0_i32_1 = arith.constant 0 : i32
    return %c0_i32, %arg0, %c0_i32_0 : i32, i32, i32
  }
}

module attributes {stable_mosaic.version = 14 : i64} {
  func.func @body(%arg0: i32, %arg1: memref<2x2000x128xf32, #tpu.memory_space<vmem>>, %arg2: memref<2x2000x128xf32, #tpu.memory_space<vmem>>, %arg3: memref<2000x1xf32, #tpu.memory_space<vmem>>, %arg4: memref<2000x256xf32, #tpu.memory_space<vmem>>, %arg5: memref<2000x1xf32, #tpu.memory_space<vmem>>, %arg6: memref<1x256xf32, #tpu.memory_space<vmem>>, %arg7: memref<256x256xf32, #tpu.memory_space<vmem>>, %arg8: memref<1x256xf32, #tpu.memory_space<vmem>>, %arg9: memref<256x256xf32, #tpu.memory_space<vmem>>, %arg10: memref<1x256xf32, #tpu.memory_space<vmem>>, %arg11: memref<256x1xf32, #tpu.memory_space<vmem>>, %arg12: memref<256x128xf32, #tpu.memory_space<vmem>>, %arg13: memref<1x128xf32, #tpu.memory_space<vmem>>, %arg14: memref<128x10xf32, #tpu.memory_space<vmem>>, %arg15: memref<1x10xf32, #tpu.memory_space<vmem>>, %arg16: memref<2000x10xf32, #tpu.memory_space<vmem>>) attributes {dimension_semantics = [#tpu.dimension_semantics<arbitrary>], iteration_bounds = array<i64: 5>, scalar_prefetch = 0 : i64, scratch_operands = 0 : i64, tpu.core_type = #tpu.core_type<tc>, window_params = [{transform_indices = @transform_0, window_bounds = array<i64: 2, 2000, 128>}, {transform_indices = @transform_1, window_bounds = array<i64: 2, 2000, 128>}, {transform_indices = @transform_2, window_bounds = array<i64: 2000, 1>}, {transform_indices = @transform_3, window_bounds = array<i64: 2000, 256>}, {transform_indices = @transform_4, window_bounds = array<i64: 2000, 1>}, {pipeline_mode = #tpu.pipeline_mode<synchronous>, transform_indices = @transform_5, window_bounds = array<i64: 1, 256>}, {pipeline_mode = #tpu.pipeline_mode<synchronous>, transform_indices = @transform_6, window_bounds = array<i64: 256, 256>}, {pipeline_mode = #tpu.pipeline_mode<synchronous>, transform_indices = @transform_7, window_bounds = array<i64: 1, 256>}, {pipeline_mode = #tpu.pipeline_mode<synchronous>, transform_indices = @transform_8, window_bounds = array<i64: 256, 256>}, {pipeline_mode = #tpu.pipeline_mode<synchronous>, transform_indices = @transform_9, window_bounds = array<i64: 1, 256>}, {pipeline_mode = #tpu.pipeline_mode<synchronous>, transform_indices = @transform_10, window_bounds = array<i64: 256, 1>}, {pipeline_mode = #tpu.pipeline_mode<synchronous>, transform_indices = @transform_11, window_bounds = array<i64: 256, 128>}, {pipeline_mode = #tpu.pipeline_mode<synchronous>, transform_indices = @transform_12, window_bounds = array<i64: 1, 128>}, {pipeline_mode = #tpu.pipeline_mode<synchronous>, transform_indices = @transform_13, window_bounds = array<i64: 128, 10>}, {pipeline_mode = #tpu.pipeline_mode<synchronous>, transform_indices = @transform_14, window_bounds = array<i64: 1, 10>}, {transform_indices = @transform_15, window_bounds = array<i64: 2000, 10>}]} {
    %get3A = arith.constant 0 : index
    %get3A_0 = arith.constant 0 : index
    %get3A_1 = vector.load %arg3[%get3A, %get3A_0] : memref<2000x1xf32, #tpu.memory_space<vmem>>, vector<2000x1xf32>
    %get3A_2 = arith.constant 0 : index
    %get3A_3 = arith.constant 0 : index
    %get3A_4 = arith.constant 0 : index
    %get3A_5 = vector.load %arg1[%get3A_2, %get3A_3, %get3A_4] : memref<2x2000x128xf32, #tpu.memory_space<vmem>>, vector<1x2000x128xf32>
    %get3A_6 = vector.shape_cast %get3A_5 : vector<1x2000x128xf32> to vector<2000x128xf32>
    %get3A_7 = arith.constant 1 : index
    %get3A_8 = arith.constant 0 : index
    %get3A_9 = arith.constant 0 : index
    %get3A_10 = vector.load %arg1[%get3A_7, %get3A_8, %get3A_9] : memref<2x2000x128xf32, #tpu.memory_space<vmem>>, vector<1x2000x128xf32>
    %get3A_11 = vector.shape_cast %get3A_10 : vector<1x2000x128xf32> to vector<2000x128xf32>
    %concatenate3A = tpu.concatenate %get3A_6, %get3A_11 in 1 : vector<2000x128xf32>, vector<2000x128xf32> -> vector<2000x256xf32>
    %get3A_12 = arith.constant 0 : index
    %get3A_13 = arith.constant 0 : index
    %get3A_14 = arith.constant 0 : index
    %get3A_15 = vector.load %arg2[%get3A_12, %get3A_13, %get3A_14] : memref<2x2000x128xf32, #tpu.memory_space<vmem>>, vector<1x2000x128xf32>
    %get3A_16 = vector.shape_cast %get3A_15 : vector<1x2000x128xf32> to vector<2000x128xf32>
    %get3A_17 = arith.constant 1 : index
    %get3A_18 = arith.constant 0 : index
    %get3A_19 = arith.constant 0 : index
    %get3A_20 = vector.load %arg2[%get3A_17, %get3A_18, %get3A_19] : memref<2x2000x128xf32, #tpu.memory_space<vmem>>, vector<1x2000x128xf32>
    %get3A_21 = vector.shape_cast %get3A_20 : vector<1x2000x128xf32> to vector<2000x128xf32>
    %concatenate3A_22 = tpu.concatenate %get3A_16, %get3A_21 in 1 : vector<2000x128xf32>, vector<2000x128xf32> -> vector<2000x256xf32>
    %add3A = arith.addf %concatenate3A, %concatenate3A_22 : vector<2000x256xf32>
    %mul3A = vector.broadcast %get3A_1 : vector<2000x1xf32> to vector<2000x256xf32>
    %mul3A_23 = arith.mulf %mul3A, %add3A : vector<2000x256xf32>
    %get3A_24 = arith.constant 0 : index
    %get3A_25 = arith.constant 0 : index
    %get3A_26 = vector.load %arg6[%get3A_24, %get3A_25] : memref<1x256xf32, #tpu.memory_space<vmem>>, vector<1x256xf32>
    %add3A_27 = vector.broadcast %get3A_26 : vector<1x256xf32> to vector<2000x256xf32>
    %add3A_28 = arith.addf %mul3A_23, %add3A_27 : vector<2000x256xf32>
    %get3A_29 = arith.constant 0 : index
    %get3A_30 = arith.constant 0 : index
    %get3A_31 = vector.load %arg7[%get3A_29, %get3A_30] : memref<256x256xf32, #tpu.memory_space<vmem>>, vector<256x256xf32>
    %dot_general3A = arith.constant dense<0.000000e+00> : vector<2000x256xf32>
    %dot_general3A_32 = tpu.matmul %add3A_28, %get3A_31, %dot_general3A {dimension_numbers = #tpu.dot_dimension_numbers<[1], [0], [0], [1], [0, 0, 1, 1], [], []>, transpose_lhs_hint = false} : vector<2000x256xf32>, vector<256x256xf32>, vector<2000x256xf32> -> vector<2000x256xf32>
    %get3A_33 = arith.constant 0 : index
    %get3A_34 = arith.constant 0 : index
    %get3A_35 = vector.load %arg8[%get3A_33, %get3A_34] : memref<1x256xf32, #tpu.memory_space<vmem>>, vector<1x256xf32>
    %add3A_36 = vector.broadcast %get3A_35 : vector<1x256xf32> to vector<2000x256xf32>
    %add3A_37 = arith.addf %dot_general3A_32, %add3A_36 : vector<2000x256xf32>
    %max3A = arith.constant 0.000000e+00 : f32
    %max3A_38 = vector.broadcast %max3A : f32 to vector<2000x256xf32>
    %max3A_39 = arith.maximumf %add3A_37, %max3A_38 : vector<2000x256xf32>
    %get3A_40 = arith.constant 0 : index
    %get3A_41 = arith.constant 0 : index
    %get3A_42 = vector.load %arg4[%get3A_40, %get3A_41] : memref<2000x256xf32, #tpu.memory_space<vmem>>, vector<2000x256xf32>
    %get3A_43 = arith.constant 0 : index
    %get3A_44 = arith.constant 0 : index
    %get3A_45 = vector.load %arg5[%get3A_43, %get3A_44] : memref<2000x1xf32, #tpu.memory_space<vmem>>, vector<2000x1xf32>
    %get3A_46 = arith.constant 0 : index
    %get3A_47 = arith.constant 0 : index
    %get3A_48 = vector.load %arg9[%get3A_46, %get3A_47] : memref<256x256xf32, #tpu.memory_space<vmem>>, vector<256x256xf32>
    %dot_general3A_49 = arith.constant dense<0.000000e+00> : vector<2000x256xf32>
    %dot_general3A_50 = tpu.matmul %max3A_39, %get3A_48, %dot_general3A_49 {dimension_numbers = #tpu.dot_dimension_numbers<[1], [0], [0], [1], [0, 0, 1, 1], [], []>, transpose_lhs_hint = false} : vector<2000x256xf32>, vector<256x256xf32>, vector<2000x256xf32> -> vector<2000x256xf32>
    %get3A_51 = arith.constant 0 : index
    %get3A_52 = arith.constant 0 : index
    %get3A_53 = vector.load %arg10[%get3A_51, %get3A_52] : memref<1x256xf32, #tpu.memory_space<vmem>>, vector<1x256xf32>
    %add3A_54 = vector.broadcast %get3A_53 : vector<1x256xf32> to vector<2000x256xf32>
    %add3A_55 = arith.addf %dot_general3A_50, %add3A_54 : vector<2000x256xf32>
    %tanh3A = math.tanh %add3A_55 : vector<2000x256xf32>
    %get3A_56 = arith.constant 0 : index
    %get3A_57 = arith.constant 0 : index
    %get3A_58 = vector.load %arg11[%get3A_56, %get3A_57] : memref<256x1xf32, #tpu.memory_space<vmem>>, vector<256x1xf32>
    %dot_general3A_59 = arith.constant dense<0.000000e+00> : vector<2000x1xf32>
    %dot_general3A_60 = tpu.matmul %tanh3A, %get3A_58, %dot_general3A_59 {dimension_numbers = #tpu.dot_dimension_numbers<[1], [0], [0], [1], [0, 0, 1, 1], [], []>, transpose_lhs_hint = false} : vector<2000x256xf32>, vector<256x1xf32>, vector<2000x1xf32> -> vector<2000x1xf32>
    %max3A_61 = arith.maximumf %get3A_45, %dot_general3A_60 : vector<2000x1xf32>
    %sub3A = arith.subf %get3A_45, %max3A_61 : vector<2000x1xf32>
    %exp3A = math.exp %sub3A : vector<2000x1xf32>
    %sub3A_62 = arith.subf %dot_general3A_60, %max3A_61 : vector<2000x1xf32>
    %exp3A_63 = math.exp %sub3A_62 : vector<2000x1xf32>
    %mul3A_64 = vector.broadcast %exp3A : vector<2000x1xf32> to vector<2000x256xf32>
    %mul3A_65 = arith.mulf %mul3A_64, %get3A_42 : vector<2000x256xf32>
    %mul3A_66 = vector.broadcast %exp3A_63 : vector<2000x1xf32> to vector<2000x256xf32>
    %mul3A_67 = arith.mulf %mul3A_66, %max3A_39 : vector<2000x256xf32>
    %add3A_68 = arith.addf %mul3A_65, %mul3A_67 : vector<2000x256xf32>
    %add3A_69 = arith.addf %exp3A, %exp3A_63 : vector<2000x1xf32>
    %div3A = vector.broadcast %add3A_69 : vector<2000x1xf32> to vector<2000x256xf32>
    %div3A_70 = arith.divf %add3A_68, %div3A : vector<2000x256xf32>
    %get3A_71 = arith.constant 0 : index
    %get3A_72 = arith.constant 0 : index
    %get3A_73 = vector.load %arg12[%get3A_71, %get3A_72] : memref<256x128xf32, #tpu.memory_space<vmem>>, vector<256x128xf32>
    %dot_general3A_74 = arith.constant dense<0.000000e+00> : vector<2000x128xf32>
    %dot_general3A_75 = tpu.matmul %div3A_70, %get3A_73, %dot_general3A_74 {dimension_numbers = #tpu.dot_dimension_numbers<[1], [0], [0], [1], [0, 0, 1, 1], [], []>, transpose_lhs_hint = false} : vector<2000x256xf32>, vector<256x128xf32>, vector<2000x128xf32> -> vector<2000x128xf32>
    %get3A_76 = arith.constant 0 : index
    %get3A_77 = arith.constant 0 : index
    %get3A_78 = vector.load %arg13[%get3A_76, %get3A_77] : memref<1x128xf32, #tpu.memory_space<vmem>>, vector<1x128xf32>
    %add3A_79 = vector.broadcast %get3A_78 : vector<1x128xf32> to vector<2000x128xf32>
    %add3A_80 = arith.addf %dot_general3A_75, %add3A_79 : vector<2000x128xf32>
    %max3A_81 = arith.constant 0.000000e+00 : f32
    %max3A_82 = vector.broadcast %max3A_81 : f32 to vector<2000x128xf32>
    %max3A_83 = arith.maximumf %add3A_80, %max3A_82 : vector<2000x128xf32>
    %get3A_84 = arith.constant 0 : index
    %get3A_85 = arith.constant 0 : index
    %get3A_86 = vector.load %arg14[%get3A_84, %get3A_85] : memref<128x10xf32, #tpu.memory_space<vmem>>, vector<128x10xf32>
    %dot_general3A_87 = arith.constant dense<0.000000e+00> : vector<2000x10xf32>
    %dot_general3A_88 = tpu.matmul %max3A_83, %get3A_86, %dot_general3A_87 {dimension_numbers = #tpu.dot_dimension_numbers<[1], [0], [0], [1], [0, 0, 1, 1], [], []>, transpose_lhs_hint = false} : vector<2000x128xf32>, vector<128x10xf32>, vector<2000x10xf32> -> vector<2000x10xf32>
    %get3A_89 = arith.constant 0 : index
    %get3A_90 = arith.constant 0 : index
    %get3A_91 = vector.load %arg15[%get3A_89, %get3A_90] : memref<1x10xf32, #tpu.memory_space<vmem>>, vector<1x10xf32>
    %add3A_92 = vector.broadcast %get3A_91 : vector<1x10xf32> to vector<2000x10xf32>
    %add3A_93 = arith.addf %dot_general3A_88, %add3A_92 : vector<2000x10xf32>
    %swap3A = arith.constant 0 : index
    %swap3A_94 = arith.constant 0 : index
    %swap3A_95 = vector.load %arg16[%swap3A, %swap3A_94] : memref<2000x10xf32, #tpu.memory_space<vmem>>, vector<2000x10xf32>
    tpu.vector_store %arg16[%swap3A, %swap3A_94], %add3A_93 {strides = array<i32>} : memref<2000x10xf32, #tpu.memory_space<vmem>>, vector<2000x10xf32>,
    return
  }
  func.func @transform_0(%arg0: i32) -> (i32, i32, i32) {
    %c0_i32 = arith.constant 0 : i32
    %c0_i32_0 = arith.constant 0 : i32
    %c0_i32_1 = arith.constant 0 : i32
    return %c0_i32, %arg0, %c0_i32_0 : i32, i32, i32
  }
  func.func @transform_1(%arg0: i32) -> (i32, i32, i32) {
    %c0_i32 = arith.constant 0 : i32
    %c0_i32_0 = arith.constant 0 : i32
    %c0_i32_1 = arith.constant 0 : i32
    return %c0_i32, %arg0, %c0_i32_0 : i32, i32, i32
  }
  func.func @transform_2(%arg0: i32) -> (i32, i32) {
    %c0_i32 = arith.constant 0 : i32
    %c0_i32_0 = arith.constant 0 : i32
    return %arg0, %c0_i32 : i32, i32
  }
  func.func @transform_3(%arg0: i32) -> (i32, i32) {
    %c0_i32 = arith.constant 0 : i32
    %c0_i32_0 = arith.constant 0 : i32
    return %arg0, %c0_i32 : i32, i32
  }
  func.func @transform_4(%arg0: i32) -> (i32, i32) {
    %c0_i32 = arith.constant 0 : i32
    %c0_i32_0 = arith.constant 0 : i32
    return %arg0, %c0_i32 : i32, i32
  }
  func.func @transform_5(%arg0: i32) -> (i32, i32) {
    %c0_i32 = arith.constant 0 : i32
    %c0_i32_0 = arith.constant 0 : i32
    %c0_i32_1 = arith.constant 0 : i32
    return %c0_i32, %c0_i32_0 : i32, i32
  }
  func.func @transform_6(%arg0: i32) -> (i32, i32) {
    %c0_i32 = arith.constant 0 : i32
    %c0_i32_0 = arith.constant 0 : i32
    %c0_i32_1 = arith.constant 0 : i32
    return %c0_i32, %c0_i32_0 : i32, i32
  }
  func.func @transform_7(%arg0: i32) -> (i32, i32) {
    %c0_i32 = arith.constant 0 : i32
    %c0_i32_0 = arith.constant 0 : i32
    %c0_i32_1 = arith.constant 0 : i32
    return %c0_i32, %c0_i32_0 : i32, i32
  }
  func.func @transform_8(%arg0: i32) -> (i32, i32) {
    %c0_i32 = arith.constant 0 : i32
    %c0_i32_0 = arith.constant 0 : i32
    %c0_i32_1 = arith.constant 0 : i32
    return %c0_i32, %c0_i32_0 : i32, i32
  }
  func.func @transform_9(%arg0: i32) -> (i32, i32) {
    %c0_i32 = arith.constant 0 : i32
    %c0_i32_0 = arith.constant 0 : i32
    %c0_i32_1 = arith.constant 0 : i32
    return %c0_i32, %c0_i32_0 : i32, i32
  }
  func.func @transform_10(%arg0: i32) -> (i32, i32) {
    %c0_i32 = arith.constant 0 : i32
    %c0_i32_0 = arith.constant 0 : i32
    %c0_i32_1 = arith.constant 0 : i32
    return %c0_i32, %c0_i32_0 : i32, i32
  }
  func.func @transform_11(%arg0: i32) -> (i32, i32) {
    %c0_i32 = arith.constant 0 : i32
    %c0_i32_0 = arith.constant 0 : i32
    %c0_i32_1 = arith.constant 0 : i32
    return %c0_i32, %c0_i32_0 : i32, i32
  }
  func.func @transform_12(%arg0: i32) -> (i32, i32) {
    %c0_i32 = arith.constant 0 : i32
    %c0_i32_0 = arith.constant 0 : i32
    %c0_i32_1 = arith.constant 0 : i32
    return %c0_i32, %c0_i32_0 : i32, i32
  }
  func.func @transform_13(%arg0: i32) -> (i32, i32) {
    %c0_i32 = arith.constant 0 : i32
    %c0_i32_0 = arith.constant 0 : i32
    %c0_i32_1 = arith.constant 0 : i32
    return %c0_i32, %c0_i32_0 : i32, i32
  }
  func.func @transform_14(%arg0: i32) -> (i32, i32) {
    %c0_i32 = arith.constant 0 : i32
    %c0_i32_0 = arith.constant 0 : i32
    %c0_i32_1 = arith.constant 0 : i32
    return %c0_i32, %c0_i32_0 : i32, i32
  }
  func.func @transform_15(%arg0: i32) -> (i32, i32) {
    %c0_i32 = arith.constant 0 : i32
    %c0_i32_0 = arith.constant 0 : i32
    return %arg0, %c0_i32 : i32, i32
  }
}

</mosaic_0001>

<sc_bundles>
// kernel: kernel.11.cloned.1.call-start
scs
__scs_entry_jumppad:
0x0: {  	(pc) =	sbr.rel $0x88, $3  }
0x1: {  	(tag) =	ssettag $0x0;
	lr =	simm.s32 $0x1  }
0x2: {  	[smem:$0x3F8D] =	sst lr;
	_ =	strace $0xD0000000  }
0x3: {  	_ = 	snop  }
0x4: {  	_ = 	snop  }
0x5: {  	_ = 	snop  }
0x6: {  	_ = 	snop  }
0x7: {  	_ = 	snop  }
__scs_overlays_trampoline_lowered:
0x8: {  	[smem:$0x3F9C] =	sst s0  }
0x9: {  	[smem:$0x3F9D] =	sst s1  }
0xa: {  	[smem:$0x3F9E] =	sst s2  }
0xb: {  	[smem:$0x3F9F] =	sst s3  }
0xc: {  	[smem:$0x3FA0] =	sst s4  }
0xd: {  	[smem:$0x3FA1] =	sst s5  }
0xe: {  	[smem:$0x3FA2] =	sst s6  }
0xf: {  	[smem:$0x3FA3] =	sst s7  }
0x10: {  	[smem:$0x3FA4] =	sst s8  }
0x11: {  	[smem:$0x3FA5] =	sst s9;
	s0 =	simm.s32 @!p0 $0x0  }
0x12: {  	s1 =	sld [smem:$0x3F8B];
	s0 =	simm.s32 @p0 $0x1  }
0x13: {  	[smem:$0x3FA6] =	sst s0;
	s0 =	simm.s32 @!p1 $0x0  }
0x14: {  	s2 =	sld [smem:$0x3F8A];
	s0 =	simm.s32 @p1 $0x1  }
0x15: {  	[smem:$0x3FA7] =	sst s0;
	s0 =	simm.s32 @!p2 $0x0  }
0x16: {  	s3 =	sld [smem:$0x3FDB];
	s0 =	simm.s32 @p2 $0x1  }
0x17: {  	s4 =	simm.s32 $0x1BF5;
	[smem:$0x3FA9] =	sst s0  }
0x18: {  	s0 =	sld [smem:$0x3F8C];
	_ =	swait.ge [sflag:s4], $0x0  }
0x19: {  	s7 =	sld [smem:$0x3F8D]  }
0x1a: {  	s8 =	sadd.s32 $0xFFFFE003, lr  }
0x1b: {  	s9 =	sadd.s32 $0xFFFFFEF7, lr;
	s5 =	simm.s32 $0xFFFFFFFF;
	p2 =	slt.u32 s8, $0xFFFFF086  }
0x1c: {  	p1 =	slt.u32 s9, $0xF7A;
	s5 =	simm.s32 @!p2 $0x0  }
0x1d: {  	s5 =	simm.s32 @p1 $0x1;
	p0 =	seq.s32 s7, s2  }
0x1e: {  	s7 =	smul.u32 @!p0 $0xF7A, s2;
	p2 =	seq.s32 @!p0 s5, $0x0  }
0x1f: {  	s9 =	smul.u32 $0xF7A, s1;
	s8 =	simm.s32 @!p0 $0x1BF5;
	p2 =	por !p2, p0  }
0x20: {  	[sflag:s8] =	ssyncset.s32 @!p0 $0xFFFFF086;
	s6 =	sadd.s32 @!p0 s3, s7;
	s7 =	simm.s32 @!p0 $0x108  }
0x21: {  	s3 =	sadd.s32 s3, s9;
	s6 =	sadd.s32 @!p0 $0x88, s6;
	s7 =	simm.s32 @p2 $0x1082  }
0x22: {  	[simem:s7], [sflag:s8] =	dma.local @!p0 [hbm:s6], $0xF7A  }
0x23: {  	s9 =	sor.u32 $0xD0000000, s2;
	s6 =	simm.s32 $0x108;
	_ =	swait.ge @!p0 [sflag:s8], $0x0  }
0x24: {  	s3 =	sadd.s32 $0x88, s3;
	s6 =	simm.s32 @!p1 $0x1082;
	[sflag:s4] =	ssyncset.s32 $0xFFFFF086  }
0x25: {  	[simem:s6], [sflag:s4] =	dma.local [hbm:s3], $0xF7A  }
0x26: {  	[smem:$0x3F8D] =	sst s1;
	(tag) =	ssettag s2;
	_ =	strace s9  }
0x27: {  	s1 =	sld [smem:$0x3F9D]  }
0x28: {  	s2 =	sld [smem:$0x3F9E]  }
0x29: {  	s4 =	sld [smem:$0x3FA0]  }
0x2a: {  	p0 =	seq.s32 s5, $0x0;
	s5 =	sld [smem:$0x3FA1]  }
0x2b: {  	s6 =	sld [smem:$0x3FA2]  }
0x2c: {  	s7 =	sld [smem:$0x3FA3]  }
0x2d: {  	s3 =	simm.s32 $0x108;
	s8 =	sld [smem:$0x3FA4]  }
0x2e: {  	s3 =	simm.s32 @!p0 $0x1082;
	s9 =	sld [smem:$0x3FA5]  }
0x2f: {  	lr =	sadd.s32 s0, s3;
	s0 =	sld [smem:$0x3F9C]  }
0x30: {  	s3 =	sld [smem:$0x3F9F]  }
0x31: {  	[smem:$0x3FA8] =	sst s10  }
0x32: {  	s10 =	sld [smem:$0x3FA6];
	_ =	sdelay $0x3  }
0x33: {  	p0 =	seq.s32 s10, $0x1;
	s10 =	sld [smem:$0x3FA8];
	_ =	sdelay $0x3  }
0x34: {  	[smem:$0x3FA8] =	sst s10  }
0x35: {  	s10 =	sld [smem:$0x3FA7];
	_ =	sdelay $0x3  }
0x36: {  	p1 =	seq.s32 s10, $0x1;
	s10 =	sld [smem:$0x3FA8];
	_ =	sdelay $0x3  }
0x37: {  	[smem:$0x3FA8] =	sst s10  }
0x38: {  	s10 =	sld [smem:$0x3FA9]  }
0x39: {  	_ = 	snop;
	(pc) =	sbr.ind lr, $3  }
0x3a: {  	_ = 	snop  }
0x3b: {  	_ = 	snop  }
0x3c: {  	p2 =	seq.s32 s10, $0x1;
	s10 =	sld [smem:$0x3FA8]  }
0x3d: {  	_ =	shalt  }
0x3e: {  	_ =	shalt  }
0x3f: {  	_ =	shalt  }
0x40: {  	_ =	shalt  }
0x41: {  	_ =	shalt  }
0x42: {  	_ =	shalt  }
0x43: {  	_ =	shalt  }
0x44: {  	_ =	shalt  }
0x45: {  	_ =	shalt  }
0x46: {  	_ =	shalt  }
0x47: {  	_ =	shalt  }
0x48: {  	_ =	shalt  }
0x49: {  	_ =	shalt  }
0x4a: {  	_ =	shalt  }
0x4b: {  	_ =	shalt  }
0x4c: {  	_ =	shalt  }
0x4d: {  	_ =	shalt  }
0x4e: {  	_ =	shalt  }
0x4f: {  	_ =	shalt  }
0x50: {  	_ =	shalt  }
0x51: {  	_ =	shalt  }
0x52: {  	_ =	shalt  }
0x53: {  	_ =	shalt  }
0x54: {  	_ =	shalt  }
0x55: {  	_ =	shalt  }
0x56: {  	_ =	shalt  }
0x57: {  	_ =	shalt  }
0x58: {  	_ =	shalt  }
0x59: {  	_ =	shalt  }
0x5a: {  	_ =	shalt  }
0x5b: {  	_ =	shalt  }
0x5c: {  	_ =	shalt  }
0x5d: {  	_ =	shalt  }
0x5e: {  	_ =	shalt  }
0x5f: {  	_ =	shalt  }
0x60: {  	_ =	shalt  }
0x61: {  	_ =	shalt  }
0x62: {  	_ =	shalt  }
0x63: {  	_ =	shalt  }
0x64: {  	_ =	shalt  }
0x65: {  	_ =	shalt  }
0x66: {  	_ =	shalt  }
0x67: {  	_ =	shalt  }
0x68: {  	_ =	shalt  }
0x69: {  	_ =	shalt  }
0x6a: {  	_ =	shalt  }
0x6b: {  	_ =	shalt  }
0x6c: {  	_ =	shalt  }
0x6d: {  	_ =	shalt  }
0x6e: {  	_ =	shalt  }
0x6f: {  	_ =	shalt  }
0x70: {  	_ =	shalt  }
0x71: {  	_ =	shalt  }
0x72: {  	_ =	shalt  }
0x73: {  	_ =	shalt  }
0x74: {  	_ =	shalt  }
0x75: {  	_ =	shalt  }
0x76: {  	_ =	shalt  }
0x77: {  	_ =	shalt  }
0x78: {  	_ =	shalt  }
0x79: {  	_ =	shalt  }
0x7a: {  	_ =	shalt  }
0x7b: {  	_ =	shalt  }
0x7c: {  	_ =	shalt  }
0x7d: {  	_ =	shalt  }
0x7e: {  	_ =	shalt  }
0x7f: {  	_ =	shalt  }
0x80: {  	_ =	shalt  }
0x81: {  	_ =	shalt  }
0x82: {  	_ =	shalt  }
0x83: {  	_ =	shalt  }
0x84: {  	_ =	shalt  }
0x85: {  	_ =	shalt  }
0x86: {  	_ =	shalt  }
0x87: {  	_ =	shalt  }
.Lfunc_end0:
.L_simem_size_0:
called_computation.1_lowered:
.L_overlay_start_0:
0x88: {  	s2 =	sld [smem:$0x3FD9]  }
0x89: {  	s3 =	sld [smem:$0x3FFE];
	_ =	sdelay $0x1  }
0x8a: {  	s1 =	srdreg.scid  }
0x8b: {  	s0 =	sand.u32 $0x1, s1  }
0x8c: {  	s16 =	sshll.u32 s0, $0xA;
	s2 =	sadd.s32 s3, s2  }
0x8d: {  	s2 =	sadd.s32 s2, s16  }
0x8e: {  	[smem:$0x3FB4] =	sst s2  }
0x8f: {  	_ = 	snop  }
0x90: {  	(tm) =	ssettm $0x1  }
0x91: {  	s17 =	sld [smem:$0x3FFB];
	_ =	sdelay $0x3  }
0x92: {  	_ =	strace s17  }
0x93: {  	s2 =	sld [smem:$0x3FFC];
	_ =	sdelay $0x3  }
0x94: {  	_ =	strace s2  }
0x95: {  	s2 =	sld [smem:$0x3FFD];
	_ =	sdelay $0x3  }
0x96: {  	_ =	strace s2  }
0x97: {  	_ =	strace $0x8FFFFFFF  }
0x98: {  	s18 =	sld [smem:$0x3FDB];
	_ =	sdelay $0x1  }
0x99: {  	s19 =	simm.s32 $_scs_section_size  }
0x9a: {  	s4 =	simm.s32 $_size__tile_overlayer_lowered;
	s5 =	simm.s32 $_tile_overlayer_lowered  }
0x9b: {  	s22 =	simm.s32 $0x1BFF;
	s21 =	sshll.u32 s5, $0x1;
	s2 =	sadd.s32 s19, s18  }
0x9c: {  	s6 =	simm.s32 $0x0;
	s20 =	sshll.u32 s4, $0x1;
	s4 =	sadd.s32 s21, s2  }
0x9d: {  	[timem:s6], [sflag:s22] =	dma.local [hbm:s4], s20  }
0x9e: {  	_ =	swait.ge [sflag:s22], s20  }
0x9f: {  	s3 =	ssub.s32 $0x0, s20;
	[sflag:s22] =	ssyncset.done $0x0  }
0xa0: {  	[sflag:s22] =	ssyncadd.s32 s3;
	_ =	sdelay $0x1  }
0xa1: {  	s23 =	simm.s32 $0x1B8B  }
0xa2: {  	_ =	swait.ge [sflag:s23], $0x1  }
0xa3: {  	[sflag:s23] =	ssyncset.done $0x0  }
0xa4: {  	s25 =	simm.s32 $0x1B8E;
	s24 =	sld [smem:$0x3FFE];
	[sflag:s23] =	ssyncadd.s32 $0xFFFFFFFF  }
0xa5: {  	s26 =	simm.s32 $execute0_lowered;
	[smem:$0x3FD2] =	sst s25  }
0xa6: {  	s4 =	sshll.u32 s26, $0x1;
	_ =	strace $0x80000049;
	[dreg:$0x1] =	wrdreg $0xFFFFFFFF  }
0xa7: {  	s28 =	simm.s32 $_size_execute0_lowered;
	s2 =	sadd.s32 s2, s4;
	[dreg:$0x0] =	wrdreg $0x0  }
0xa8: {  	s4 =	sshll.u32 s28, $0x1;
	[dreg:$0x2] =	wrdreg s2  }
0xa9: {  	[dreg:$0x3] =	wrdreg s4  }
0xaa: {  	[dreg:$0x4] =	wrdreg $0xC0  }
0xab: {  	_ =	task [dreg:s6], $0x5FFFF  }
0xac: {  	[dreg:$0x1] =	wrdreg $0xFFFFFFFF  }
0xad: {  	[dreg:$0x0] =	wrdreg $0x60  }
0xae: {  	[dreg:$0x2] =	wrdreg s24  }
0xaf: {  	[dreg:$0x3] =	wrdreg $0xC4000  }
0xb0: {  	[dreg:$0x4] =	wrdreg $0x9  }
0xb1: {  	_ =	task.clear_ibuf [dreg:s6], $0x5FFFF;
	_ =	strace $0x90000049  }
0xb2: {  	s29 =	simm.s32 $0x9;
	_ =	strace $0x8000004B  }
0xb3: {  	_ =	swait.ge [sflag:s29], $0x1  }
0xb4: {  	[sflag:s29] =	ssyncadd.s32 $0xFFFFFFFF  }
0xb5: {  	_ =	strace $0x9000004B  }
0xb6: {  	_ =	sfence  }
0xb7: {  	s30 =	sld [smem:$0x0];
	_ =	sdelay $0x2  }
0xb8: {  	s31 =	sshll.u32 s1, $0xD;
	s1 =	sshrl.u32 s1, $0x2  }
0xb9: {  	s3 =	sand.u32 $0x4000, s31;
	s1 =	sadd.s32 s1, s30  }
0xba: {  	s0 =	sor.u32 s3, s0;
	s1 =	sshll.u32 s1, $0x11  }
0xbb: {  	s0 =	sor.u32 s1, s0  }
0xbc: {  	s0 =	sadd.s32 $0x8F2B, s0  }
0xbd: {  	[sflag:s0] =	ssyncadd.remote.s32 $0x1  }
0xbe: {  	_ =	sfence.sel $0xFFFF  }
0xbf: {  	[dreg:$0x0] =	wrdreg $0xFFFFFFFF;
	(pc) =	sbr.abs _section_cstart, $3  }
0xc0: {  	[dreg:$0x1] =	wrdreg $0xFFFFFFFF  }
0xc1: {  	_ =	task.clear_ibuf [dreg:s6], $0x2FFFF;
	_ =	strace $0x9FFFFFFF  }
0xc2: {  	(tm) =	ssettm $0x7FFFFFFF  }
0xc3: {  	_ =	shalt  }
tec
execute0_lowered:
.L_overlay_start_1:
0x0: {  	(tag) =	ssettag $0x1  }
0x1: {  	s6 =	rddreg [dreg:$0x0]  }
0x2: {  	s1 =	rddreg [dreg:$0x1];
	s2 =	simm.s32 $0x0;
	s3 =	srdreg.scid  }
0x3: {  	s0 =	stileid.u32;
	s19 =	simm.s32 $0x7D;
	s20 =	simm.s32 $0x4000  }
0x4: {  	s21 =	simm.s32 $0x8000;
	s22 =	simm.s32 $0x1;
	s9 =	smul.u32 $0x4E000, s0  }
0x5: {  	s23 =	simm.s32 $0x2;
	s24 =	simm.s32 $0x0;
	s10 =	smul.u32 $0xA00, s0  }
0x6: {  	[smem:$0x7FF] =	sst s2;
	s8 =	sand.u32 $0x1, s3;
	s16 =	smul.u32 $0x2700, s0  }
0x7: {  	s4 =	sadd.s32 $0x21200, s6;
	s5 =	sadd.s32 $0x17200, s6;
	s11 =	smul.u32 $0x5000, s0  }
0x8: {  	s14 =	sadd.s32 $0xC7600, s6;
	p0 =	sne.s32 s0, $0xF;
	s12 =	smul.u32 $0x27100, s8  }
0x9: {  	_ =	strace $0x8000004A;
	s7 =	ssub.s32 $0x2, s8;
	s17 =	smul.u32 $0x138800, s8  }
0xa: {  	s8 =	sadd.s32 $0x138400, s1;
	s30 =	sshrl.u32 s7, $0x1;
	s31 =	sshrl.u32 s9, $0x2  }
0xb: {  	s9 =	sadd.s32 s4, s10;
	s10 =	sadd.s32 s5, s10;
	s13 =	sadd.s32 s12, s6  }
0xc: {  	s15 =	ssub.s32 s7, s30;
	s6 =	sadd.s32 s31, s1;
	s7 =	sadd.s32 $0x138000, s1  }
0xd: {  	s16 =	sadd.s32 s16, s12;
	s17 =	sshrl.u32 s17, $0x3;
	s12 =	sadd.s32 $0x2B200, s13  }
0xe: {  	s13 =	sadd.s32 s14, s16;
	s14 =	sadd.s32 s14, s17;
	s15 =	smax.u32 s15, $0x1  }
0xf: {  	v0 =	vimm.f32 $0.0e+00;
	s16 =	simm.s32 $0xC000;
	s17 =	simm.s32 $0x4;
	s14 =	sadd.s32 $0x27000, s14  }
.LBB2_1:
0x10: {  	[tilespmem:$0xC000] =	vst v0  }
0x11: {  	[tilespmem:$0xC010] =	vst v0  }
0x12: {  	[tilespmem:$0xC020] =	vst v0  }
0x13: {  	[tilespmem:$0xC030] =	vst v0  }
0x14: {  	[tilespmem:$0xC040] =	vst v0  }
0x15: {  	[tilespmem:$0xC050] =	vst v0  }
0x16: {  	[tilespmem:$0xC060] =	vst v0  }
0x17: {  	[tilespmem:$0xC070] =	vst v0  }
0x18: {  	[tilespmem:$0xC080] =	vst v0  }
0x19: {  	[tilespmem:$0xC090] =	vst v0  }
0x1a: {  	[tilespmem:$0xC0A0] =	vst v0  }
0x1b: {  	[tilespmem:$0xC0B0] =	vst v0  }
0x1c: {  	[tilespmem:$0xC0C0] =	vst v0  }
0x1d: {  	[tilespmem:$0xC0D0] =	vst v0  }
0x1e: {  	[tilespmem:$0xC0E0] =	vst v0  }
0x1f: {  	[tilespmem:$0xC0F0] =	vst v0  }
0x20: {  	[tilespmem:$0xC100] =	vst v0  }
0x21: {  	[tilespmem:$0xC110] =	vst v0  }
0x22: {  	[tilespmem:$0xC120] =	vst v0  }
0x23: {  	[tilespmem:$0xC130] =	vst v0  }
0x24: {  	[tilespmem:$0xC140] =	vst v0  }
0x25: {  	[tilespmem:$0xC150] =	vst v0  }
0x26: {  	[tilespmem:$0xC160] =	vst v0  }
0x27: {  	[tilespmem:$0xC170] =	vst v0  }
0x28: {  	[tilespmem:$0xC180] =	vst v0  }
0x29: {  	[tilespmem:$0xC190] =	vst v0  }
0x2a: {  	[tilespmem:$0xC1A0] =	vst v0  }
0x2b: {  	[tilespmem:$0xC1B0] =	vst v0  }
0x2c: {  	[tilespmem:$0xC1C0] =	vst v0  }
0x2d: {  	[tilespmem:$0xC1D0] =	vst v0  }
0x2e: {  	[tilespmem:$0xC1E0] =	vst v0  }
0x2f: {  	[tilespmem:$0xC1F0] =	vst v0  }
0x30: {  	[tilespmem:$0xC200] =	vst v0  }
0x31: {  	[tilespmem:$0xC210] =	vst v0  }
0x32: {  	[tilespmem:$0xC220] =	vst v0  }
0x33: {  	[tilespmem:$0xC230] =	vst v0  }
0x34: {  	[tilespmem:$0xC240] =	vst v0  }
0x35: {  	[tilespmem:$0xC250] =	vst v0  }
0x36: {  	[tilespmem:$0xC260] =	vst v0  }
0x37: {  	[tilespmem:$0xC270] =	vst v0  }
0x38: {  	[tilespmem:$0xC280] =	vst v0  }
0x39: {  	[tilespmem:$0xC290] =	vst v0  }
0x3a: {  	[tilespmem:$0xC2A0] =	vst v0  }
0x3b: {  	[tilespmem:$0xC2B0] =	vst v0  }
0x3c: {  	[tilespmem:$0xC2C0] =	vst v0  }
0x3d: {  	[tilespmem:$0xC2D0] =	vst v0  }
0x3e: {  	[tilespmem:$0xC2E0] =	vst v0  }
0x3f: {  	[tilespmem:$0xC2F0] =	vst v0  }
0x40: {  	[tilespmem:$0xC300] =	vst v0  }
0x41: {  	[tilespmem:$0xC310] =	vst v0  }
0x42: {  	[tilespmem:$0xC320] =	vst v0  }
0x43: {  	[tilespmem:$0xC330] =	vst v0  }
0x44: {  	[tilespmem:$0xC340] =	vst v0  }
0x45: {  	[tilespmem:$0xC350] =	vst v0  }
0x46: {  	[tilespmem:$0xC360] =	vst v0  }
0x47: {  	[tilespmem:$0xC370] =	vst v0  }
0x48: {  	[tilespmem:$0xC380] =	vst v0  }
0x49: {  	[tilespmem:$0xC390] =	vst v0  }
0x4a: {  	[tilespmem:$0xC3A0] =	vst v0  }
0x4b: {  	[tilespmem:$0xC3B0] =	vst v0  }
0x4c: {  	[tilespmem:$0xC3C0] =	vst v0  }
0x4d: {  	[tilespmem:$0xC3D0] =	vst v0  }
0x4e: {  	[tilespmem:$0xC3E0] =	vst v0  }
0x4f: {  	[tilespmem:$0xC3F0] =	vst v0;
	s25 =	sadd.s32 $0x0, s6  }
0x50: {  	[spmem:s25] =	stream.linear.scatter [tilespmem:s16], [sflag:$0x4], $0x400, $0x38;
	[tilespmem:$0x1FC80] =	vst v63  }
0x51: {  	s25 =	simm.s32 $0x1000;
	_ =	swait.ge [sflag:s17], $0x400  }
.LBB2_2:
0x52: {  	s26 =	sshra.s32 s25, $0x2;
	[sflag:s17] =	ssyncset.done $0x0;
	p1 =	sne.s32 s25, $0x4D000  }
.Ltmp0:
0x53: {  	s26 =	sadd.s32 s26, s6;
	[sflag:s17] =	ssyncadd.s32 $0xFFFFFC00;
	(pc) =	sbr.rel @p1 .LBB2_2-.Ltmp0, $3  }
0x54: {  	[spmem:s26] =	stream.linear.scatter [tilespmem:s16], [sflag:$0x4], $0x400, $0x38;
	[tilespmem:$0x1FC80] =	vst v63  }
0x55: {  	s25 =	sadd.s32 $0x1000, s25;
	_ =	sdelay $0x1  }
0x56: {  	_ =	swait.ge [sflag:s17], $0x400  }
0x57: {  	[sflag:s17] =	ssyncset.done $0x0  }
0x58: {  	s25 =	simm.s32 @!p0 $0xC000;
	s26 =	simm.s32 @!p0 $0x4;
	[sflag:s17] =	ssyncadd.s32 $0xFFFFFC00  }
0x59: {  	[spmem:s7] =	stream.linear.scatter @!p0 [tilespmem:s25], [sflag:$0x4], $0x400, $0x38;
	[tilespmem:$0x1FC80] =	vst v63  }
0x5a: {  	_ =	swait.ge @!p0 [sflag:s26], $0x400  }
0x5b: {  	[sflag:s26] =	ssyncset.done @!p0 $0x0  }
0x5c: {  	[sflag:s26] =	ssyncadd.s32 @!p0 $0xFFFFFC00  }
0x5d: {  	[spmem:s8] =	stream.linear.scatter @!p0 [tilespmem:s25], [sflag:$0x4], $0x400, $0x38;
	[tilespmem:$0x1FC80] =	vst v63  }
0x5e: {  	_ =	swait.ge @!p0 [sflag:s26], $0x400  }
0x5f: {  	[sflag:s26] =	ssyncset.done @!p0 $0x0  }
0x60: {  	s25 =	simm.s32 $0x0;
	[sflag:s26] =	ssyncadd.s32 @!p0 $0xFFFFFC00  }
0x61: {  	[tilespmem:s25], [sflag:$0x4] =	stream.linear.gather [hbm4b:s9+s25], $0x1000, $0x38;
	[tilespmem:$0x1FC80] =	vst v63  }
0x62: {  	_ =	swait.ge [sflag:s17], $0x1000  }
0x63: {  	[sflag:s17] =	ssyncset.done $0x0  }
0x64: {  	s0 =	simm.s32 $0x2000;
	[sflag:s17] =	ssyncadd.s32 $0xFFFFF000  }
0x65: {  	[tilespmem:s0], [sflag:$0x4] =	stream.linear.gather [hbm4b:s10+s25], $0x1000, $0x38;
	[tilespmem:$0x1FC80] =	vst v63  }
0x66: {  	_ =	swait.ge [sflag:s17], $0x1000  }
0x67: {  	[sflag:s17] =	ssyncset.done $0x0  }
0x68: {  	[sflag:s17] =	ssyncadd.s32 $0xFFFFF000  }
0x69: {  	[bflag:$0x0] =	sbarrier.arrive $0xFFFF  }
.LBB2_4:
0x6a: {  	p1 =	seq.s32 s25, $0x0  }
0x6b: {  	s26 =	simm.s32 @!p1 $0x3  }
0x6c: {  	_ =	swait.ge @!p1 [sflag:s26], $0x1000  }
0x6d: {  	[sflag:s26] =	ssyncset.done @!p1 $0x0  }
0x6e: {  	[sflag:s26] =	ssyncadd.s32 @!p1 $0xFFFFF000  }
0x6f: {  	_ =	swait.ge @!p1 [sflag:s26], $0x1000  }
0x70: {  	p2 =	seq.s32 @!p1 s25, $0x4;
	[sflag:s26] =	ssyncset.done @!p1 $0x0  }
0x71: {  	p2 =	por p1, !p2;
	[sflag:s26] =	ssyncadd.s32 @!p1 $0xFFFFF000;
	s26 =	simm.s32 @!p1 $0x0  }
0x72: {  	s26 =	sshll.u32 @p2 s25, $0xC  }
0x73: {  	s28 =	sadd.s32 @p2 $0x1000, s26  }
0x74: {  	s29 =	sadd.s32 @p2 s11, s28  }
0x75: {  	s29 =	sshrl.u32 @p2 s29, $0x3  }
0x76: {  	s28 =	sand.u32 @p2 $0x1000, s28;
	s30 =	sadd.s32 @p2 s4, s29  }
0x77: {  	[tilespmem:s28], [sflag:$0x3] =	stream.linear.gather @p2 [hbm4b:s30+s2], $0x1000, $0x38;
	[tilespmem:$0x1FC80] =	vst v63  }
0x78: {  	s26 =	sand.u32 @p2 $0x1000, s26;
	s29 =	sadd.s32 @p2 s5, s29;
	s28 =	sor.u32 @p2 $0x2000, s28  }
0x79: {  	[tilespmem:s28], [sflag:$0x3] =	stream.linear.gather @p2 [hbm4b:s29+s2], $0x1000, $0x38;
	[tilespmem:$0x1FC80] =	vst v63  }
0x7a: {  	s29 =	sadd.s32 $0x0, s26  }
0x7b: {  	[tilespmem:s20], [sflag:$0x1] =	stream.indirect.gather [hbm4b:s12+s19], $0x80, s26, s19, $0xb8;
	[tilespmem:$0x1FC80] =	vst v63  }
0x7c: {  	s28 =	sadd.s32 $0x80, s29  }
0x7d: {  	[tilespmem:s21], [sflag:$0x2] =	stream.indirect.gather [hbm4b:s12+s19], $0x80, s28, s19, $0xb8;
	[tilespmem:$0x1FC80] =	vst v63  }
0x7e: {  	_ =	swait.ge [sflag:s22], $0x3E80  }
0x7f: {  	s28 =	sor.u32 $0x2000, s26;
	[sflag:s22] =	ssyncset.done $0x0  }
0x80: {  	s30 =	sadd.s32 $0x0, s28;
	[sflag:s22] =	ssyncadd.s32 $0xFFFFC180  }
0x81: {  	[spmem:s1] =	stream.indirect.scatter.add.f32 [tilespmem:s20], [sflag:$0x4], $0x80, s30, s19, $0xb8;
	[tilespmem:$0x1FC80] =	vst v63  }
0x82: {  	_ =	swait.ge [sflag:s17], $0x3E80  }
0x83: {  	[sflag:s17] =	ssyncset.done $0x0  }
0x84: {  	s29 =	sadd.s32 $0x100, s29;
	[sflag:s17] =	ssyncadd.s32 $0xFFFFC180  }
0x85: {  	[tilespmem:s20], [sflag:$0x1] =	stream.indirect.gather [hbm4b:s12+s19], $0x80, s29, s19, $0xb8;
	[tilespmem:$0x1FC80] =	vst v63  }
0x86: {  	_ =	swait.ge [sflag:s23], $0x3E80  }
0x87: {  	[sflag:s23] =	ssyncset.done $0x0  }
0x88: {  	s29 =	sadd.s32 $0x80, s30;
	[sflag:s23] =	ssyncadd.s32 $0xFFFFC180  }
0x89: {  	[spmem:s1] =	stream.indirect.scatter.add.f32 [tilespmem:s21], [sflag:$0x4], $0x80, s29, s19, $0xb8;
	[tilespmem:$0x1FC80] =	vst v63  }
0x8a: {  	s31 =	simm.s32 $0x800;
	_ =	swait.ge [sflag:s17], $0x3E80  }
0x8b: {  	s30 =	simm.s32 $0x100;
	s29 =	sadd.s32 $0x100, s26;
	[sflag:s17] =	ssyncset.done $0x0  }
.LBB2_5:
0x8c: {  	s0 =	sadd.s32 $0x80, s29  }
0x8d: {  	[sflag:s17] =	ssyncadd.s32 $0xFFFFC180;
	s18 =	smov.u32 s31;
	s3 =	sadd.s32 $0x400, s31  }
0x8e: {  	[tilespmem:s21], [sflag:$0x2] =	stream.indirect.gather [hbm4b:s12+s19], $0x80, s0, s19, $0xb8;
	[tilespmem:$0x1FC80] =	vst v63  }
0x8f: {  	p1 =	sne.s32 s31, $0x3800;
	_ =	swait.ge [sflag:s22], $0x3E80  }
0x90: {  	[sflag:s22] =	ssyncset.done $0x0  }
0x91: {  	s0 =	sadd.s32 s30, s28;
	[sflag:s22] =	ssyncadd.s32 $0xFFFFC180  }
0x92: {  	[spmem:s1] =	stream.indirect.scatter.add.f32 [tilespmem:s20], [sflag:$0x4], $0x80, s0, s19, $0xb8;
	[tilespmem:$0x1FC80] =	vst v63  }
0x93: {  	_ =	swait.ge [sflag:s17], $0x3E80  }
0x94: {  	[sflag:s17] =	ssyncset.done $0x0  }
0x95: {  	s29 =	sadd.s32 $0x100, s29;
	[sflag:s17] =	ssyncadd.s32 $0xFFFFC180  }
0x96: {  	[tilespmem:s20], [sflag:$0x1] =	stream.indirect.gather [hbm4b:s12+s19], $0x80, s29, s19, $0xb8;
	[tilespmem:$0x1FC80] =	vst v63  }
0x97: {  	_ =	swait.ge [sflag:s23], $0x3E80  }
.Ltmp1:
0x98: {  	[sflag:s23] =	ssyncset.done $0x0;
	(pc) =	sbr.rel @p1 .LBB2_5-.Ltmp1, $4  }
0x99: {  	s0 =	sadd.s32 $0x80, s0;
	[sflag:s23] =	ssyncadd.s32 $0xFFFFC180  }
0x9a: {  	[spmem:s1] =	stream.indirect.scatter.add.f32 [tilespmem:s21], [sflag:$0x4], $0x80, s0, s19, $0xb8;
	[tilespmem:$0x1FC80] =	vst v63  }
0x9b: {  	s30 =	sshra.s32 s18, $0x2;
	_ =	swait.ge [sflag:s17], $0x3E80  }
0x9c: {  	s31 =	smov.u32 s3;
	s29 =	sadd.s32 s30, s26;
	[sflag:s17] =	ssyncset.done $0x0  }
0x9d: {  	s0 =	sadd.s32 $0x80, s29;
	[sflag:s17] =	ssyncadd.s32 $0xFFFFC180  }
0x9e: {  	[tilespmem:s21], [sflag:$0x2] =	stream.indirect.gather [hbm4b:s12+s19], $0x80, s0, s19, $0xb8;
	[tilespmem:$0x1FC80] =	vst v63  }
0x9f: {  	_ =	swait.ge [sflag:s22], $0x3E80  }
0xa0: {  	[sflag:s22] =	ssyncset.done $0x0  }
0xa1: {  	s28 =	sadd.s32 s30, s28;
	[sflag:s22] =	ssyncadd.s32 $0xFFFFC180  }
0xa2: {  	[spmem:s1] =	stream.indirect.scatter.add.f32 [tilespmem:s20], [sflag:$0x4], $0x80, s28, s19, $0xb8;
	[tilespmem:$0x1FC80] =	vst v63  }
0xa3: {  	_ =	swait.ge [sflag:s17], $0x3E80  }
0xa4: {  	[sflag:s17] =	ssyncset.done $0x0  }
0xa5: {  	s3 =	sadd.s32 $0x100, s29;
	[sflag:s17] =	ssyncadd.s32 $0xFFFFC180  }
0xa6: {  	[tilespmem:s20], [sflag:$0x1] =	stream.indirect.gather [hbm4b:s12+s19], $0x80, s3, s19, $0xb8;
	[tilespmem:$0x1FC80] =	vst v63  }
0xa7: {  	_ =	swait.ge [sflag:s23], $0x3E80  }
0xa8: {  	[sflag:s23] =	ssyncset.done $0x0  }
0xa9: {  	s0 =	sadd.s32 $0x80, s28;
	[sflag:s23] =	ssyncadd.s32 $0xFFFFC180  }
0xaa: {  	[spmem:s1] =	stream.indirect.scatter.add.f32 [tilespmem:s21], [sflag:$0x4], $0x80, s0, s19, $0xb8;
	[tilespmem:$0x1FC80] =	vst v63  }
0xab: {  	_ =	swait.ge [sflag:s17], $0x3E80  }
0xac: {  	[sflag:s17] =	ssyncset.done $0x0  }
0xad: {  	s29 =	sor.u32 $0xF80, s26;
	[sflag:s17] =	ssyncadd.s32 $0xFFFFC180  }
0xae: {  	[tilespmem:s21], [sflag:$0x2] =	stream.indirect.gather [hbm4b:s12+s19], $0x80, s29, s19, $0xb8;
	[tilespmem:$0x1FC80] =	vst v63  }
0xaf: {  	_ =	swait.ge [sflag:s22], $0x3E80  }
0xb0: {  	[sflag:s22] =	ssyncset.done $0x0  }
0xb1: {  	s30 =	sadd.s32 $0x2F00, s26;
	[sflag:s22] =	ssyncadd.s32 $0xFFFFC180  }
0xb2: {  	[spmem:s1] =	stream.indirect.scatter.add.f32 [tilespmem:s20], [sflag:$0x4], $0x80, s30, s19, $0xb8;
	[tilespmem:$0x1FC80] =	vst v63  }
0xb3: {  	_ =	swait.ge [sflag:s17], $0x3E80  }
0xb4: {  	[sflag:s17] =	ssyncset.done $0x0  }
0xb5: {  	[sflag:s17] =	ssyncadd.s32 $0xFFFFC180  }
0xb6: {  	s25 =	sadd.s32 $0x1, s25;
	_ =	swait.ge [sflag:s23], $0x3E80  }
0xb7: {  	p1 =	sne.s32 s25, $0x5;
	[sflag:s23] =	ssyncset.done $0x0  }
.Ltmp2:
0xb8: {  	s31 =	sor.u32 $0x2F80, s26;
	[sflag:s23] =	ssyncadd.s32 $0xFFFFC180;
	(pc) =	sbr.rel @p1 .LBB2_4-.Ltmp2, $4  }
0xb9: {  	[spmem:s1] =	stream.indirect.scatter.add.f32 [tilespmem:s21], [sflag:$0x4], $0x80, s31, s19, $0xb8;
	[tilespmem:$0x1FC80] =	vst v63  }
0xba: {  	_ =	swait.ge [sflag:s17], $0x3E80  }
0xbb: {  	[sflag:s17] =	ssyncset.done $0x0  }
0xbc: {  	[sflag:s17] =	ssyncadd.s32 $0xFFFFC180  }
0xbd: {  	s0 =	stileid.u32  }
0xbe: {  	s0 =	sshll.u32 s0, $0x6  }
0xbf: {  	[bflag:$0x0] =	sbarrier.arrive $0xFFFF;
	s3 =	sshrl.u32 s6, $0x3;
	s0 =	sor.u32 $0x1C04, s0  }
0xc0: {  	[hbm:s13], [sflag:s0] =	dma.local [spmem:s3], $0x2700  }
0xc1: {  	_ =	swait.ge [sflag:s17], $0x2700  }
0xc2: {  	s24 =	sadd.s32 $0x1, s24;
	[sflag:s17] =	ssyncset.done $0x0  }
0xc3: {  	p1 =	sne.s32 s24, s15;
	s3 =	sshrl.u32 @!p0 s7, $0x3;
	[sflag:s17] =	ssyncadd.s32 $0xFFFFD900  }
0xc4: {  	[hbm:s14], [sflag:s0] =	dma.local @!p0 [spmem:s3], $0x100  }
.Ltmp3:
0xc5: {  	_ = 	snop;
	(pc) =	sbr.rel @p1 .LBB2_1-.Ltmp3, $4  }
0xc6: {  	s0 =	simm.s32 @!p0 $0x4  }
0xc7: {  	_ =	swait.ge @!p0 [sflag:s0], $0x100  }
0xc8: {  	[sflag:s0] =	ssyncset.done @!p0 $0x0  }
0xc9: {  	[sflag:s0] =	ssyncadd.s32 @!p0 $0xFFFFFF00  }
0xca: {  	_ =	sfence.sel $0x180000  }
0xcb: {  	[bflag:$0x0] =	sbarrier.arrive $0xFFFF  }
0xcc: {  	_ =	strace $0x9000004A  }
0xcd: {  	s0 =	stileid.u32;
	[bflag:$0x2] =	sbarrier.arrive $0xFFFF  }
0xce: {  	p0 =	sne.s32 s0, $0x0;
	s0 =	rddreg [dreg:$0x2]  }
0xcf: {  	s0 =	sadd.s32 @!p0 $0x100000, s0  }
0xd0: {  	[sflag:s0] =	ssyncadd.tile.s32 @!p0 $0x1;
	_ =	shalt  }
.Lfunc_end2:
_tile_overlayer_lowered:
.L_overlay_start_2:
0xd1: {  	(tag) =	ssettag $0x2  }
0xd2: {  	s0 =	rddreg [dreg:$0x0];
	s2 =	stileid.u32  }
0xd3: {  	s1 =	rddreg [dreg:$0x1];
	p0 =	sne.s32 s2, $0x0  }
0xd4: {  	s3 =	rddreg [dreg:$0x2];
	[bflag:$0x3] =	sbarrier.arrive $0xFFFF;
	s2 =	simm.s32 @!p0 $0x1C04  }
0xd5: {  	[timem:s3], [sflag:s2] =	dma.local @!p0 [hbm:s0], s1  }
0xd6: {  	s0 =	simm.s32 @!p0 $0x4  }
0xd7: {  	_ =	swait.ge @!p0 [sflag:s0], s1  }
0xd8: {  	s1 =	ssub.s32 @!p0 $0x0, s1;
	[sflag:s0] =	ssyncset.done @!p0 $0x0  }
0xd9: {  	[sflag:s0] =	ssyncadd.s32 @!p0 s1  }
0xda: {  	[bflag:$0x3] =	sbarrier.arrive $0xFFFF  }
0xdb: {  	_ =	shalt  }

// kernel: kernel.14.cloned.1.call-start
scs
__scs_entry_jumppad:
0x0: {  	(pc) =	sbr.rel $0x88, $3  }
0x1: {  	(tag) =	ssettag $0x0;
	lr =	simm.s32 $0x1  }
0x2: {  	[smem:$0x3F8D] =	sst lr;
	_ =	strace $0xD0000000  }
0x3: {  	_ = 	snop  }
0x4: {  	_ = 	snop  }
0x5: {  	_ = 	snop  }
0x6: {  	_ = 	snop  }
0x7: {  	_ = 	snop  }
__scs_overlays_trampoline_lowered:
0x8: {  	[smem:$0x3F9C] =	sst s0  }
0x9: {  	[smem:$0x3F9D] =	sst s1  }
0xa: {  	[smem:$0x3F9E] =	sst s2  }
0xb: {  	[smem:$0x3F9F] =	sst s3  }
0xc: {  	[smem:$0x3FA0] =	sst s4  }
0xd: {  	[smem:$0x3FA1] =	sst s5  }
0xe: {  	[smem:$0x3FA2] =	sst s6  }
0xf: {  	[smem:$0x3FA3] =	sst s7  }
0x10: {  	[smem:$0x3FA4] =	sst s8  }
0x11: {  	[smem:$0x3FA5] =	sst s9;
	s0 =	simm.s32 @!p0 $0x0  }
0x12: {  	s1 =	sld [smem:$0x3F8B];
	s0 =	simm.s32 @p0 $0x1  }
0x13: {  	[smem:$0x3FA6] =	sst s0;
	s0 =	simm.s32 @!p1 $0x0  }
0x14: {  	s2 =	sld [smem:$0x3F8A];
	s0 =	simm.s32 @p1 $0x1  }
0x15: {  	[smem:$0x3FA7] =	sst s0;
	s0 =	simm.s32 @!p2 $0x0  }
0x16: {  	s3 =	sld [smem:$0x3FDB];
	s0 =	simm.s32 @p2 $0x1  }
0x17: {  	s4 =	simm.s32 $0x1BF5;
	[smem:$0x3FA9] =	sst s0  }
0x18: {  	s0 =	sld [smem:$0x3F8C];
	_ =	swait.ge [sflag:s4], $0x0  }
0x19: {  	s7 =	sld [smem:$0x3F8D]  }
0x1a: {  	s8 =	sadd.s32 $0xFFFFE003, lr  }
0x1b: {  	s9 =	sadd.s32 $0xFFFFFEF7, lr;
	s5 =	simm.s32 $0xFFFFFFFF;
	p2 =	slt.u32 s8, $0xFFFFF086  }
0x1c: {  	p1 =	slt.u32 s9, $0xF7A;
	s5 =	simm.s32 @!p2 $0x0  }
0x1d: {  	s5 =	simm.s32 @p1 $0x1;
	p0 =	seq.s32 s7, s2  }
0x1e: {  	s7 =	smul.u32 @!p0 $0xF7A, s2;
	p2 =	seq.s32 @!p0 s5, $0x0  }
0x1f: {  	s9 =	smul.u32 $0xF7A, s1;
	s8 =	simm.s32 @!p0 $0x1BF5;
	p2 =	por !p2, p0  }
0x20: {  	[sflag:s8] =	ssyncset.s32 @!p0 $0xFFFFF086;
	s6 =	sadd.s32 @!p0 s3, s7;
	s7 =	simm.s32 @!p0 $0x108  }
0x21: {  	s3 =	sadd.s32 s3, s9;
	s6 =	sadd.s32 @!p0 $0x88, s6;
	s7 =	simm.s32 @p2 $0x1082  }
0x22: {  	[simem:s7], [sflag:s8] =	dma.local @!p0 [hbm:s6], $0xF7A  }
0x23: {  	s9 =	sor.u32 $0xD0000000, s2;
	s6 =	simm.s32 $0x108;
	_ =	swait.ge @!p0 [sflag:s8], $0x0  }
0x24: {  	s3 =	sadd.s32 $0x88, s3;
	s6 =	simm.s32 @!p1 $0x1082;
	[sflag:s4] =	ssyncset.s32 $0xFFFFF086  }
0x25: {  	[simem:s6], [sflag:s4] =	dma.local [hbm:s3], $0xF7A  }
0x26: {  	[smem:$0x3F8D] =	sst s1;
	(tag) =	ssettag s2;
	_ =	strace s9  }
0x27: {  	s1 =	sld [smem:$0x3F9D]  }
0x28: {  	s2 =	sld [smem:$0x3F9E]  }
0x29: {  	s4 =	sld [smem:$0x3FA0]  }
0x2a: {  	p0 =	seq.s32 s5, $0x0;
	s5 =	sld [smem:$0x3FA1]  }
0x2b: {  	s6 =	sld [smem:$0x3FA2]  }
0x2c: {  	s7 =	sld [smem:$0x3FA3]  }
0x2d: {  	s3 =	simm.s32 $0x108;
	s8 =	sld [smem:$0x3FA4]  }
0x2e: {  	s3 =	simm.s32 @!p0 $0x1082;
	s9 =	sld [smem:$0x3FA5]  }
0x2f: {  	lr =	sadd.s32 s0, s3;
	s0 =	sld [smem:$0x3F9C]  }
0x30: {  	s3 =	sld [smem:$0x3F9F]  }
0x31: {  	[smem:$0x3FA8] =	sst s10  }
0x32: {  	s10 =	sld [smem:$0x3FA6];
	_ =	sdelay $0x3  }
0x33: {  	p0 =	seq.s32 s10, $0x1;
	s10 =	sld [smem:$0x3FA8];
	_ =	sdelay $0x3  }
0x34: {  	[smem:$0x3FA8] =	sst s10  }
0x35: {  	s10 =	sld [smem:$0x3FA7];
	_ =	sdelay $0x3  }
0x36: {  	p1 =	seq.s32 s10, $0x1;
	s10 =	sld [smem:$0x3FA8];
	_ =	sdelay $0x3  }
0x37: {  	[smem:$0x3FA8] =	sst s10  }
0x38: {  	s10 =	sld [smem:$0x3FA9]  }
0x39: {  	_ = 	snop;
	(pc) =	sbr.ind lr, $3  }
0x3a: {  	_ = 	snop  }
0x3b: {  	_ = 	snop  }
0x3c: {  	p2 =	seq.s32 s10, $0x1;
	s10 =	sld [smem:$0x3FA8]  }
0x3d: {  	_ =	shalt  }
0x3e: {  	_ =	shalt  }
0x3f: {  	_ =	shalt  }
0x40: {  	_ =	shalt  }
0x41: {  	_ =	shalt  }
0x42: {  	_ =	shalt  }
0x43: {  	_ =	shalt  }
0x44: {  	_ =	shalt  }
0x45: {  	_ =	shalt  }
0x46: {  	_ =	shalt  }
0x47: {  	_ =	shalt  }
0x48: {  	_ =	shalt  }
0x49: {  	_ =	shalt  }
0x4a: {  	_ =	shalt  }
0x4b: {  	_ =	shalt  }
0x4c: {  	_ =	shalt  }
0x4d: {  	_ =	shalt  }
0x4e: {  	_ =	shalt  }
0x4f: {  	_ =	shalt  }
0x50: {  	_ =	shalt  }
0x51: {  	_ =	shalt  }
0x52: {  	_ =	shalt  }
0x53: {  	_ =	shalt  }
0x54: {  	_ =	shalt  }
0x55: {  	_ =	shalt  }
0x56: {  	_ =	shalt  }
0x57: {  	_ =	shalt  }
0x58: {  	_ =	shalt  }
0x59: {  	_ =	shalt  }
0x5a: {  	_ =	shalt  }
0x5b: {  	_ =	shalt  }
0x5c: {  	_ =	shalt  }
0x5d: {  	_ =	shalt  }
0x5e: {  	_ =	shalt  }
0x5f: {  	_ =	shalt  }
0x60: {  	_ =	shalt  }
0x61: {  	_ =	shalt  }
0x62: {  	_ =	shalt  }
0x63: {  	_ =	shalt  }
0x64: {  	_ =	shalt  }
0x65: {  	_ =	shalt  }
0x66: {  	_ =	shalt  }
0x67: {  	_ =	shalt  }
0x68: {  	_ =	shalt  }
0x69: {  	_ =	shalt  }
0x6a: {  	_ =	shalt  }
0x6b: {  	_ =	shalt  }
0x6c: {  	_ =	shalt  }
0x6d: {  	_ =	shalt  }
0x6e: {  	_ =	shalt  }
0x6f: {  	_ =	shalt  }
0x70: {  	_ =	shalt  }
0x71: {  	_ =	shalt  }
0x72: {  	_ =	shalt  }
0x73: {  	_ =	shalt  }
0x74: {  	_ =	shalt  }
0x75: {  	_ =	shalt  }
0x76: {  	_ =	shalt  }
0x77: {  	_ =	shalt  }
0x78: {  	_ =	shalt  }
0x79: {  	_ =	shalt  }
0x7a: {  	_ =	shalt  }
0x7b: {  	_ =	shalt  }
0x7c: {  	_ =	shalt  }
0x7d: {  	_ =	shalt  }
0x7e: {  	_ =	shalt  }
0x7f: {  	_ =	shalt  }
0x80: {  	_ =	shalt  }
0x81: {  	_ =	shalt  }
0x82: {  	_ =	shalt  }
0x83: {  	_ =	shalt  }
0x84: {  	_ =	shalt  }
0x85: {  	_ =	shalt  }
0x86: {  	_ =	shalt  }
0x87: {  	_ =	shalt  }
.Lfunc_end0:
.L_simem_size_0:
called_computation.2_lowered:
.L_overlay_start_0:
0x88: {  	s2 =	sld [smem:$0x3FD9]  }
0x89: {  	s3 =	sld [smem:$0x3FFE];
	_ =	sdelay $0x1  }
0x8a: {  	s1 =	srdreg.scid  }
0x8b: {  	s0 =	sand.u32 $0x1, s1  }
0x8c: {  	s16 =	sshll.u32 s0, $0xA;
	s2 =	sadd.s32 s3, s2  }
0x8d: {  	s2 =	sadd.s32 s2, s16  }
0x8e: {  	[smem:$0x3FB4] =	sst s2  }
0x8f: {  	_ = 	snop  }
0x90: {  	(tm) =	ssettm $0x1  }
0x91: {  	s17 =	sld [smem:$0x3FFB];
	_ =	sdelay $0x3  }
0x92: {  	_ =	strace s17  }
0x93: {  	s2 =	sld [smem:$0x3FFC];
	_ =	sdelay $0x3  }
0x94: {  	_ =	strace s2  }
0x95: {  	s2 =	sld [smem:$0x3FFD];
	_ =	sdelay $0x3  }
0x96: {  	_ =	strace s2  }
0x97: {  	_ =	strace $0x8FFFFFFF  }
0x98: {  	s18 =	sld [smem:$0x3FDB];
	_ =	sdelay $0x1  }
0x99: {  	s19 =	simm.s32 $_scs_section_size  }
0x9a: {  	s4 =	simm.s32 $_size__tile_overlayer_lowered;
	s5 =	simm.s32 $_tile_overlayer_lowered  }
0x9b: {  	s22 =	simm.s32 $0x1BFF;
	s21 =	sshll.u32 s5, $0x1;
	s2 =	sadd.s32 s19, s18  }
0x9c: {  	s6 =	simm.s32 $0x0;
	s20 =	sshll.u32 s4, $0x1;
	s4 =	sadd.s32 s21, s2  }
0x9d: {  	[timem:s6], [sflag:s22] =	dma.local [hbm:s4], s20  }
0x9e: {  	_ =	swait.ge [sflag:s22], s20  }
0x9f: {  	s3 =	ssub.s32 $0x0, s20;
	[sflag:s22] =	ssyncset.done $0x0  }
0xa0: {  	[sflag:s22] =	ssyncadd.s32 s3;
	_ =	sdelay $0x1  }
0xa1: {  	s23 =	simm.s32 $0x1B8B  }
0xa2: {  	_ =	swait.ge [sflag:s23], $0x1  }
0xa3: {  	[sflag:s23] =	ssyncset.done $0x0  }
0xa4: {  	s25 =	simm.s32 $0x1B8E;
	s24 =	sld [smem:$0x3FFE];
	[sflag:s23] =	ssyncadd.s32 $0xFFFFFFFF  }
0xa5: {  	s26 =	simm.s32 $execute0_lowered;
	[smem:$0x3FD2] =	sst s25  }
0xa6: {  	s4 =	sshll.u32 s26, $0x1;
	_ =	strace $0x8000004C;
	[dreg:$0x1] =	wrdreg $0xFFFFFFFF  }
0xa7: {  	s28 =	simm.s32 $_size_execute0_lowered;
	s2 =	sadd.s32 s2, s4;
	[dreg:$0x0] =	wrdreg $0x0  }
0xa8: {  	s4 =	sshll.u32 s28, $0x1;
	[dreg:$0x2] =	wrdreg s2  }
0xa9: {  	[dreg:$0x3] =	wrdreg s4  }
0xaa: {  	[dreg:$0x4] =	wrdreg $0xC0  }
0xab: {  	_ =	task [dreg:s6], $0x5FFFF  }
0xac: {  	[dreg:$0x1] =	wrdreg $0xFFFFFFFF  }
0xad: {  	[dreg:$0x0] =	wrdreg $0x60  }
0xae: {  	[dreg:$0x2] =	wrdreg s24  }
0xaf: {  	[dreg:$0x3] =	wrdreg $0xC4000  }
0xb0: {  	[dreg:$0x4] =	wrdreg $0x9  }
0xb1: {  	_ =	task.clear_ibuf [dreg:s6], $0x5FFFF;
	_ =	strace $0x9000004C  }
0xb2: {  	s29 =	simm.s32 $0x9;
	_ =	strace $0x8000004E  }
0xb3: {  	_ =	swait.ge [sflag:s29], $0x1  }
0xb4: {  	[sflag:s29] =	ssyncadd.s32 $0xFFFFFFFF  }
0xb5: {  	_ =	strace $0x9000004E  }
0xb6: {  	_ =	sfence  }
0xb7: {  	s30 =	sld [smem:$0x0];
	_ =	sdelay $0x2  }
0xb8: {  	s31 =	sshll.u32 s1, $0xD;
	s1 =	sshrl.u32 s1, $0x2  }
0xb9: {  	s3 =	sand.u32 $0x4000, s31;
	s1 =	sadd.s32 s1, s30  }
0xba: {  	s0 =	sor.u32 s3, s0;
	s1 =	sshll.u32 s1, $0x11  }
0xbb: {  	s0 =	sor.u32 s1, s0  }
0xbc: {  	s0 =	sadd.s32 $0x8F2B, s0  }
0xbd: {  	[sflag:s0] =	ssyncadd.remote.s32 $0x1  }
0xbe: {  	_ =	sfence.sel $0xFFFF  }
0xbf: {  	[dreg:$0x0] =	wrdreg $0xFFFFFFFF;
	(pc) =	sbr.abs _section_cstart, $3  }
0xc0: {  	[dreg:$0x1] =	wrdreg $0xFFFFFFFF  }
0xc1: {  	_ =	task.clear_ibuf [dreg:s6], $0x2FFFF;
	_ =	strace $0x9FFFFFFF  }
0xc2: {  	(tm) =	ssettm $0x7FFFFFFF  }
0xc3: {  	_ =	shalt  }
tec
execute0_lowered:
.L_overlay_start_1:
0x0: {  	(tag) =	ssettag $0x1  }
0x1: {  	s6 =	rddreg [dreg:$0x0]  }
0x2: {  	s1 =	rddreg [dreg:$0x1];
	s2 =	simm.s32 $0x0;
	s3 =	srdreg.scid  }
0x3: {  	s0 =	stileid.u32;
	s19 =	simm.s32 $0x7D;
	s20 =	simm.s32 $0x4000  }
0x4: {  	s21 =	simm.s32 $0x8000;
	s22 =	simm.s32 $0x1;
	s9 =	smul.u32 $0x4E000, s0  }
0x5: {  	s23 =	simm.s32 $0x2;
	s24 =	simm.s32 $0x0;
	s10 =	smul.u32 $0xA00, s0  }
0x6: {  	[smem:$0x7FF] =	sst s2;
	s8 =	sand.u32 $0x1, s3;
	s16 =	smul.u32 $0x2700, s0  }
0x7: {  	s4 =	sadd.s32 $0x21200, s6;
	s5 =	sadd.s32 $0x17200, s6;
	s11 =	smul.u32 $0x5000, s0  }
0x8: {  	s14 =	sadd.s32 $0xC7600, s6;
	p0 =	sne.s32 s0, $0xF;
	s12 =	smul.u32 $0x27100, s8  }
0x9: {  	_ =	strace $0x8000004D;
	s7 =	ssub.s32 $0x2, s8;
	s17 =	smul.u32 $0x138800, s8  }
0xa: {  	s8 =	sadd.s32 $0x138400, s1;
	s30 =	sshrl.u32 s7, $0x1;
	s31 =	sshrl.u32 s9, $0x2  }
0xb: {  	s9 =	sadd.s32 s4, s10;
	s10 =	sadd.s32 s5, s10;
	s13 =	sadd.s32 s12, s6  }
0xc: {  	s15 =	ssub.s32 s7, s30;
	s6 =	sadd.s32 s31, s1;
	s7 =	sadd.s32 $0x138000, s1  }
0xd: {  	s16 =	sadd.s32 s16, s12;
	s17 =	sshrl.u32 s17, $0x3;
	s12 =	sadd.s32 $0x2B200, s13  }
0xe: {  	s13 =	sadd.s32 s14, s16;
	s14 =	sadd.s32 s14, s17;
	s15 =	smax.u32 s15, $0x1  }
0xf: {  	v0 =	vimm.f32 $0.0e+00;
	s16 =	simm.s32 $0xC000;
	s17 =	simm.s32 $0x4;
	s14 =	sadd.s32 $0x27000, s14  }
.LBB2_1:
0x10: {  	[tilespmem:$0xC000] =	vst v0  }
0x11: {  	[tilespmem:$0xC010] =	vst v0  }
0x12: {  	[tilespmem:$0xC020] =	vst v0  }
0x13: {  	[tilespmem:$0xC030] =	vst v0  }
0x14: {  	[tilespmem:$0xC040] =	vst v0  }
0x15: {  	[tilespmem:$0xC050] =	vst v0  }
0x16: {  	[tilespmem:$0xC060] =	vst v0  }
0x17: {  	[tilespmem:$0xC070] =	vst v0  }
0x18: {  	[tilespmem:$0xC080] =	vst v0  }
0x19: {  	[tilespmem:$0xC090] =	vst v0  }
0x1a: {  	[tilespmem:$0xC0A0] =	vst v0  }
0x1b: {  	[tilespmem:$0xC0B0] =	vst v0  }
0x1c: {  	[tilespmem:$0xC0C0] =	vst v0  }
0x1d: {  	[tilespmem:$0xC0D0] =	vst v0  }
0x1e: {  	[tilespmem:$0xC0E0] =	vst v0  }
0x1f: {  	[tilespmem:$0xC0F0] =	vst v0  }
0x20: {  	[tilespmem:$0xC100] =	vst v0  }
0x21: {  	[tilespmem:$0xC110] =	vst v0  }
0x22: {  	[tilespmem:$0xC120] =	vst v0  }
0x23: {  	[tilespmem:$0xC130] =	vst v0  }
0x24: {  	[tilespmem:$0xC140] =	vst v0  }
0x25: {  	[tilespmem:$0xC150] =	vst v0  }
0x26: {  	[tilespmem:$0xC160] =	vst v0  }
0x27: {  	[tilespmem:$0xC170] =	vst v0  }
0x28: {  	[tilespmem:$0xC180] =	vst v0  }
0x29: {  	[tilespmem:$0xC190] =	vst v0  }
0x2a: {  	[tilespmem:$0xC1A0] =	vst v0  }
0x2b: {  	[tilespmem:$0xC1B0] =	vst v0  }
0x2c: {  	[tilespmem:$0xC1C0] =	vst v0  }
0x2d: {  	[tilespmem:$0xC1D0] =	vst v0  }
0x2e: {  	[tilespmem:$0xC1E0] =	vst v0  }
0x2f: {  	[tilespmem:$0xC1F0] =	vst v0  }
0x30: {  	[tilespmem:$0xC200] =	vst v0  }
0x31: {  	[tilespmem:$0xC210] =	vst v0  }
0x32: {  	[tilespmem:$0xC220] =	vst v0  }
0x33: {  	[tilespmem:$0xC230] =	vst v0  }
0x34: {  	[tilespmem:$0xC240] =	vst v0  }
0x35: {  	[tilespmem:$0xC250] =	vst v0  }
0x36: {  	[tilespmem:$0xC260] =	vst v0  }
0x37: {  	[tilespmem:$0xC270] =	vst v0  }
0x38: {  	[tilespmem:$0xC280] =	vst v0  }
0x39: {  	[tilespmem:$0xC290] =	vst v0  }
0x3a: {  	[tilespmem:$0xC2A0] =	vst v0  }
0x3b: {  	[tilespmem:$0xC2B0] =	vst v0  }
0x3c: {  	[tilespmem:$0xC2C0] =	vst v0  }
0x3d: {  	[tilespmem:$0xC2D0] =	vst v0  }
0x3e: {  	[tilespmem:$0xC2E0] =	vst v0  }
0x3f: {  	[tilespmem:$0xC2F0] =	vst v0  }
0x40: {  	[tilespmem:$0xC300] =	vst v0  }
0x41: {  	[tilespmem:$0xC310] =	vst v0  }
0x42: {  	[tilespmem:$0xC320] =	vst v0  }
0x43: {  	[tilespmem:$0xC330] =	vst v0  }
0x44: {  	[tilespmem:$0xC340] =	vst v0  }
0x45: {  	[tilespmem:$0xC350] =	vst v0  }
0x46: {  	[tilespmem:$0xC360] =	vst v0  }
0x47: {  	[tilespmem:$0xC370] =	vst v0  }
0x48: {  	[tilespmem:$0xC380] =	vst v0  }
0x49: {  	[tilespmem:$0xC390] =	vst v0  }
0x4a: {  	[tilespmem:$0xC3A0] =	vst v0  }
0x4b: {  	[tilespmem:$0xC3B0] =	vst v0  }
0x4c: {  	[tilespmem:$0xC3C0] =	vst v0  }
0x4d: {  	[tilespmem:$0xC3D0] =	vst v0  }
0x4e: {  	[tilespmem:$0xC3E0] =	vst v0  }
0x4f: {  	[tilespmem:$0xC3F0] =	vst v0;
	s25 =	sadd.s32 $0x0, s6  }
0x50: {  	[spmem:s25] =	stream.linear.scatter [tilespmem:s16], [sflag:$0x4], $0x400, $0x38;
	[tilespmem:$0x1FC80] =	vst v63  }
0x51: {  	s25 =	simm.s32 $0x1000;
	_ =	swait.ge [sflag:s17], $0x400  }
.LBB2_2:
0x52: {  	s26 =	sshra.s32 s25, $0x2;
	[sflag:s17] =	ssyncset.done $0x0;
	p1 =	sne.s32 s25, $0x4D000  }
.Ltmp0:
0x53: {  	s26 =	sadd.s32 s26, s6;
	[sflag:s17] =	ssyncadd.s32 $0xFFFFFC00;
	(pc) =	sbr.rel @p1 .LBB2_2-.Ltmp0, $3  }
0x54: {  	[spmem:s26] =	stream.linear.scatter [tilespmem:s16], [sflag:$0x4], $0x400, $0x38;
	[tilespmem:$0x1FC80] =	vst v63  }
0x55: {  	s25 =	sadd.s32 $0x1000, s25;
	_ =	sdelay $0x1  }
0x56: {  	_ =	swait.ge [sflag:s17], $0x400  }
0x57: {  	[sflag:s17] =	ssyncset.done $0x0  }
0x58: {  	s25 =	simm.s32 @!p0 $0xC000;
	s26 =	simm.s32 @!p0 $0x4;
	[sflag:s17] =	ssyncadd.s32 $0xFFFFFC00  }
0x59: {  	[spmem:s7] =	stream.linear.scatter @!p0 [tilespmem:s25], [sflag:$0x4], $0x400, $0x38;
	[tilespmem:$0x1FC80] =	vst v63  }
0x5a: {  	_ =	swait.ge @!p0 [sflag:s26], $0x400  }
0x5b: {  	[sflag:s26] =	ssyncset.done @!p0 $0x0  }
0x5c: {  	[sflag:s26] =	ssyncadd.s32 @!p0 $0xFFFFFC00  }
0x5d: {  	[spmem:s8] =	stream.linear.scatter @!p0 [tilespmem:s25], [sflag:$0x4], $0x400, $0x38;
	[tilespmem:$0x1FC80] =	vst v63  }
0x5e: {  	_ =	swait.ge @!p0 [sflag:s26], $0x400  }
0x5f: {  	[sflag:s26] =	ssyncset.done @!p0 $0x0  }
0x60: {  	s25 =	simm.s32 $0x0;
	[sflag:s26] =	ssyncadd.s32 @!p0 $0xFFFFFC00  }
0x61: {  	[tilespmem:s25], [sflag:$0x4] =	stream.linear.gather [hbm4b:s9+s25], $0x1000, $0x38;
	[tilespmem:$0x1FC80] =	vst v63  }
0x62: {  	_ =	swait.ge [sflag:s17], $0x1000  }
0x63: {  	[sflag:s17] =	ssyncset.done $0x0  }
0x64: {  	s0 =	simm.s32 $0x2000;
	[sflag:s17] =	ssyncadd.s32 $0xFFFFF000  }
0x65: {  	[tilespmem:s0], [sflag:$0x4] =	stream.linear.gather [hbm4b:s10+s25], $0x1000, $0x38;
	[tilespmem:$0x1FC80] =	vst v63  }
0x66: {  	_ =	swait.ge [sflag:s17], $0x1000  }
0x67: {  	[sflag:s17] =	ssyncset.done $0x0  }
0x68: {  	[sflag:s17] =	ssyncadd.s32 $0xFFFFF000  }
0x69: {  	[bflag:$0x0] =	sbarrier.arrive $0xFFFF  }
.LBB2_4:
0x6a: {  	p1 =	seq.s32 s25, $0x0  }
0x6b: {  	s26 =	simm.s32 @!p1 $0x3  }
0x6c: {  	_ =	swait.ge @!p1 [sflag:s26], $0x1000  }
0x6d: {  	[sflag:s26] =	ssyncset.done @!p1 $0x0  }
0x6e: {  	[sflag:s26] =	ssyncadd.s32 @!p1 $0xFFFFF000  }
0x6f: {  	_ =	swait.ge @!p1 [sflag:s26], $0x1000  }
0x70: {  	p2 =	seq.s32 @!p1 s25, $0x4;
	[sflag:s26] =	ssyncset.done @!p1 $0x0  }
0x71: {  	p2 =	por p1, !p2;
	[sflag:s26] =	ssyncadd.s32 @!p1 $0xFFFFF000;
	s26 =	simm.s32 @!p1 $0x0  }
0x72: {  	s26 =	sshll.u32 @p2 s25, $0xC  }
0x73: {  	s28 =	sadd.s32 @p2 $0x1000, s26  }
0x74: {  	s29 =	sadd.s32 @p2 s11, s28  }
0x75: {  	s29 =	sshrl.u32 @p2 s29, $0x3  }
0x76: {  	s28 =	sand.u32 @p2 $0x1000, s28;
	s30 =	sadd.s32 @p2 s4, s29  }
0x77: {  	[tilespmem:s28], [sflag:$0x3] =	stream.linear.gather @p2 [hbm4b:s30+s2], $0x1000, $0x38;
	[tilespmem:$0x1FC80] =	vst v63  }
0x78: {  	s26 =	sand.u32 @p2 $0x1000, s26;
	s29 =	sadd.s32 @p2 s5, s29;
	s28 =	sor.u32 @p2 $0x2000, s28  }
0x79: {  	[tilespmem:s28], [sflag:$0x3] =	stream.linear.gather @p2 [hbm4b:s29+s2], $0x1000, $0x38;
	[tilespmem:$0x1FC80] =	vst v63  }
0x7a: {  	s29 =	sadd.s32 $0x0, s26  }
0x7b: {  	[tilespmem:s20], [sflag:$0x1] =	stream.indirect.gather [hbm4b:s12+s19], $0x80, s26, s19, $0xb8;
	[tilespmem:$0x1FC80] =	vst v63  }
0x7c: {  	s28 =	sadd.s32 $0x80, s29  }
0x7d: {  	[tilespmem:s21], [sflag:$0x2] =	stream.indirect.gather [hbm4b:s12+s19], $0x80, s28, s19, $0xb8;
	[tilespmem:$0x1FC80] =	vst v63  }
0x7e: {  	_ =	swait.ge [sflag:s22], $0x3E80  }
0x7f: {  	s28 =	sor.u32 $0x2000, s26;
	[sflag:s22] =	ssyncset.done $0x0  }
0x80: {  	s30 =	sadd.s32 $0x0, s28;
	[sflag:s22] =	ssyncadd.s32 $0xFFFFC180  }
0x81: {  	[spmem:s1] =	stream.indirect.scatter.add.f32 [tilespmem:s20], [sflag:$0x4], $0x80, s30, s19, $0xb8;
	[tilespmem:$0x1FC80] =	vst v63  }
0x82: {  	_ =	swait.ge [sflag:s17], $0x3E80  }
0x83: {  	[sflag:s17] =	ssyncset.done $0x0  }
0x84: {  	s29 =	sadd.s32 $0x100, s29;
	[sflag:s17] =	ssyncadd.s32 $0xFFFFC180  }
0x85: {  	[tilespmem:s20], [sflag:$0x1] =	stream.indirect.gather [hbm4b:s12+s19], $0x80, s29, s19, $0xb8;
	[tilespmem:$0x1FC80] =	vst v63  }
0x86: {  	_ =	swait.ge [sflag:s23], $0x3E80  }
0x87: {  	[sflag:s23] =	ssyncset.done $0x0  }
0x88: {  	s29 =	sadd.s32 $0x80, s30;
	[sflag:s23] =	ssyncadd.s32 $0xFFFFC180  }
0x89: {  	[spmem:s1] =	stream.indirect.scatter.add.f32 [tilespmem:s21], [sflag:$0x4], $0x80, s29, s19, $0xb8;
	[tilespmem:$0x1FC80] =	vst v63  }
0x8a: {  	s31 =	simm.s32 $0x800;
	_ =	swait.ge [sflag:s17], $0x3E80  }
0x8b: {  	s30 =	simm.s32 $0x100;
	s29 =	sadd.s32 $0x100, s26;
	[sflag:s17] =	ssyncset.done $0x0  }
.LBB2_5:
0x8c: {  	s0 =	sadd.s32 $0x80, s29  }
0x8d: {  	[sflag:s17] =	ssyncadd.s32 $0xFFFFC180;
	s18 =	smov.u32 s31;
	s3 =	sadd.s32 $0x400, s31  }
0x8e: {  	[tilespmem:s21], [sflag:$0x2] =	stream.indirect.gather [hbm4b:s12+s19], $0x80, s0, s19, $0xb8;
	[tilespmem:$0x1FC80] =	vst v63  }
0x8f: {  	p1 =	sne.s32 s31, $0x3800;
	_ =	swait.ge [sflag:s22], $0x3E80  }
0x90: {  	[sflag:s22] =	ssyncset.done $0x0  }
0x91: {  	s0 =	sadd.s32 s30, s28;
	[sflag:s22] =	ssyncadd.s32 $0xFFFFC180  }
0x92: {  	[spmem:s1] =	stream.indirect.scatter.add.f32 [tilespmem:s20], [sflag:$0x4], $0x80, s0, s19, $0xb8;
	[tilespmem:$0x1FC80] =	vst v63  }
0x93: {  	_ =	swait.ge [sflag:s17], $0x3E80  }
0x94: {  	[sflag:s17] =	ssyncset.done $0x0  }
0x95: {  	s29 =	sadd.s32 $0x100, s29;
	[sflag:s17] =	ssyncadd.s32 $0xFFFFC180  }
0x96: {  	[tilespmem:s20], [sflag:$0x1] =	stream.indirect.gather [hbm4b:s12+s19], $0x80, s29, s19, $0xb8;
	[tilespmem:$0x1FC80] =	vst v63  }
0x97: {  	_ =	swait.ge [sflag:s23], $0x3E80  }
.Ltmp1:
0x98: {  	[sflag:s23] =	ssyncset.done $0x0;
	(pc) =	sbr.rel @p1 .LBB2_5-.Ltmp1, $4  }
0x99: {  	s0 =	sadd.s32 $0x80, s0;
	[sflag:s23] =	ssyncadd.s32 $0xFFFFC180  }
0x9a: {  	[spmem:s1] =	stream.indirect.scatter.add.f32 [tilespmem:s21], [sflag:$0x4], $0x80, s0, s19, $0xb8;
	[tilespmem:$0x1FC80] =	vst v63  }
0x9b: {  	s30 =	sshra.s32 s18, $0x2;
	_ =	swait.ge [sflag:s17], $0x3E80  }
0x9c: {  	s31 =	smov.u32 s3;
	s29 =	sadd.s32 s30, s26;
	[sflag:s17] =	ssyncset.done $0x0  }
0x9d: {  	s0 =	sadd.s32 $0x80, s29;
	[sflag:s17] =	ssyncadd.s32 $0xFFFFC180  }
0x9e: {  	[tilespmem:s21], [sflag:$0x2] =	stream.indirect.gather [hbm4b:s12+s19], $0x80, s0, s19, $0xb8;
	[tilespmem:$0x1FC80] =	vst v63  }
0x9f: {  	_ =	swait.ge [sflag:s22], $0x3E80  }
0xa0: {  	[sflag:s22] =	ssyncset.done $0x0  }
0xa1: {  	s28 =	sadd.s32 s30, s28;
	[sflag:s22] =	ssyncadd.s32 $0xFFFFC180  }
0xa2: {  	[spmem:s1] =	stream.indirect.scatter.add.f32 [tilespmem:s20], [sflag:$0x4], $0x80, s28, s19, $0xb8;
	[tilespmem:$0x1FC80] =	vst v63  }
0xa3: {  	_ =	swait.ge [sflag:s17], $0x3E80  }
0xa4: {  	[sflag:s17] =	ssyncset.done $0x0  }
0xa5: {  	s3 =	sadd.s32 $0x100, s29;
	[sflag:s17] =	ssyncadd.s32 $0xFFFFC180  }
0xa6: {  	[tilespmem:s20], [sflag:$0x1] =	stream.indirect.gather [hbm4b:s12+s19], $0x80, s3, s19, $0xb8;
	[tilespmem:$0x1FC80] =	vst v63  }
0xa7: {  	_ =	swait.ge [sflag:s23], $0x3E80  }
0xa8: {  	[sflag:s23] =	ssyncset.done $0x0  }
0xa9: {  	s0 =	sadd.s32 $0x80, s28;
	[sflag:s23] =	ssyncadd.s32 $0xFFFFC180  }
0xaa: {  	[spmem:s1] =	stream.indirect.scatter.add.f32 [tilespmem:s21], [sflag:$0x4], $0x80, s0, s19, $0xb8;
	[tilespmem:$0x1FC80] =	vst v63  }
0xab: {  	_ =	swait.ge [sflag:s17], $0x3E80  }
0xac: {  	[sflag:s17] =	ssyncset.done $0x0  }
0xad: {  	s29 =	sor.u32 $0xF80, s26;
	[sflag:s17] =	ssyncadd.s32 $0xFFFFC180  }
0xae: {  	[tilespmem:s21], [sflag:$0x2] =	stream.indirect.gather [hbm4b:s12+s19], $0x80, s29, s19, $0xb8;
	[tilespmem:$0x1FC80] =	vst v63  }
0xaf: {  	_ =	swait.ge [sflag:s22], $0x3E80  }
0xb0: {  	[sflag:s22] =	ssyncset.done $0x0  }
0xb1: {  	s30 =	sadd.s32 $0x2F00, s26;
	[sflag:s22] =	ssyncadd.s32 $0xFFFFC180  }
0xb2: {  	[spmem:s1] =	stream.indirect.scatter.add.f32 [tilespmem:s20], [sflag:$0x4], $0x80, s30, s19, $0xb8;
	[tilespmem:$0x1FC80] =	vst v63  }
0xb3: {  	_ =	swait.ge [sflag:s17], $0x3E80  }
0xb4: {  	[sflag:s17] =	ssyncset.done $0x0  }
0xb5: {  	[sflag:s17] =	ssyncadd.s32 $0xFFFFC180  }
0xb6: {  	s25 =	sadd.s32 $0x1, s25;
	_ =	swait.ge [sflag:s23], $0x3E80  }
0xb7: {  	p1 =	sne.s32 s25, $0x5;
	[sflag:s23] =	ssyncset.done $0x0  }
.Ltmp2:
0xb8: {  	s31 =	sor.u32 $0x2F80, s26;
	[sflag:s23] =	ssyncadd.s32 $0xFFFFC180;
	(pc) =	sbr.rel @p1 .LBB2_4-.Ltmp2, $4  }
0xb9: {  	[spmem:s1] =	stream.indirect.scatter.add.f32 [tilespmem:s21], [sflag:$0x4], $0x80, s31, s19, $0xb8;
	[tilespmem:$0x1FC80] =	vst v63  }
0xba: {  	_ =	swait.ge [sflag:s17], $0x3E80  }
0xbb: {  	[sflag:s17] =	ssyncset.done $0x0  }
0xbc: {  	[sflag:s17] =	ssyncadd.s32 $0xFFFFC180  }
0xbd: {  	s0 =	stileid.u32  }
0xbe: {  	s0 =	sshll.u32 s0, $0x6  }
0xbf: {  	[bflag:$0x0] =	sbarrier.arrive $0xFFFF;
	s3 =	sshrl.u32 s6, $0x3;
	s0 =	sor.u32 $0x1C04, s0  }
0xc0: {  	[hbm:s13], [sflag:s0] =	dma.local [spmem:s3], $0x2700  }
0xc1: {  	_ =	swait.ge [sflag:s17], $0x2700  }
0xc2: {  	s24 =	sadd.s32 $0x1, s24;
	[sflag:s17] =	ssyncset.done $0x0  }
0xc3: {  	p1 =	sne.s32 s24, s15;
	s3 =	sshrl.u32 @!p0 s7, $0x3;
	[sflag:s17] =	ssyncadd.s32 $0xFFFFD900  }
0xc4: {  	[hbm:s14], [sflag:s0] =	dma.local @!p0 [spmem:s3], $0x100  }
.Ltmp3:
0xc5: {  	_ = 	snop;
	(pc) =	sbr.rel @p1 .LBB2_1-.Ltmp3, $4  }
0xc6: {  	s0 =	simm.s32 @!p0 $0x4  }
0xc7: {  	_ =	swait.ge @!p0 [sflag:s0], $0x100  }
0xc8: {  	[sflag:s0] =	ssyncset.done @!p0 $0x0  }
0xc9: {  	[sflag:s0] =	ssyncadd.s32 @!p0 $0xFFFFFF00  }
0xca: {  	_ =	sfence.sel $0x180000  }
0xcb: {  	[bflag:$0x0] =	sbarrier.arrive $0xFFFF  }
0xcc: {  	_ =	strace $0x9000004D  }
0xcd: {  	s0 =	stileid.u32;
	[bflag:$0x2] =	sbarrier.arrive $0xFFFF  }
0xce: {  	p0 =	sne.s32 s0, $0x0;
	s0 =	rddreg [dreg:$0x2]  }
0xcf: {  	s0 =	sadd.s32 @!p0 $0x100000, s0  }
0xd0: {  	[sflag:s0] =	ssyncadd.tile.s32 @!p0 $0x1;
	_ =	shalt  }
.Lfunc_end2:
_tile_overlayer_lowered:
.L_overlay_start_2:
0xd1: {  	(tag) =	ssettag $0x2  }
0xd2: {  	s0 =	rddreg [dreg:$0x0];
	s2 =	stileid.u32  }
0xd3: {  	s1 =	rddreg [dreg:$0x1];
	p0 =	sne.s32 s2, $0x0  }
0xd4: {  	s3 =	rddreg [dreg:$0x2];
	[bflag:$0x3] =	sbarrier.arrive $0xFFFF;
	s2 =	simm.s32 @!p0 $0x1C04  }
0xd5: {  	[timem:s3], [sflag:s2] =	dma.local @!p0 [hbm:s0], s1  }
0xd6: {  	s0 =	simm.s32 @!p0 $0x4  }
0xd7: {  	_ =	swait.ge @!p0 [sflag:s0], s1  }
0xd8: {  	s1 =	ssub.s32 @!p0 $0x0, s1;
	[sflag:s0] =	ssyncset.done @!p0 $0x0  }
0xd9: {  	[sflag:s0] =	ssyncadd.s32 @!p0 s1  }
0xda: {  	[bflag:$0x3] =	sbarrier.arrive $0xFFFF  }
0xdb: {  	_ =	shalt  }

// kernel: kernel.8.cloned.1.call-start
scs
__scs_entry_jumppad:
0x0: {  	(pc) =	sbr.rel $0x88, $3  }
0x1: {  	(tag) =	ssettag $0x0;
	lr =	simm.s32 $0x1  }
0x2: {  	[smem:$0x3F8D] =	sst lr;
	_ =	strace $0xD0000000  }
0x3: {  	_ = 	snop  }
0x4: {  	_ = 	snop  }
0x5: {  	_ = 	snop  }
0x6: {  	_ = 	snop  }
0x7: {  	_ = 	snop  }
__scs_overlays_trampoline_lowered:
0x8: {  	[smem:$0x3F9C] =	sst s0  }
0x9: {  	[smem:$0x3F9D] =	sst s1  }
0xa: {  	[smem:$0x3F9E] =	sst s2  }
0xb: {  	[smem:$0x3F9F] =	sst s3  }
0xc: {  	[smem:$0x3FA0] =	sst s4  }
0xd: {  	[smem:$0x3FA1] =	sst s5  }
0xe: {  	[smem:$0x3FA2] =	sst s6  }
0xf: {  	[smem:$0x3FA3] =	sst s7  }
0x10: {  	[smem:$0x3FA4] =	sst s8  }
0x11: {  	[smem:$0x3FA5] =	sst s9;
	s0 =	simm.s32 @!p0 $0x0  }
0x12: {  	s1 =	sld [smem:$0x3F8B];
	s0 =	simm.s32 @p0 $0x1  }
0x13: {  	[smem:$0x3FA6] =	sst s0;
	s0 =	simm.s32 @!p1 $0x0  }
0x14: {  	s2 =	sld [smem:$0x3F8A];
	s0 =	simm.s32 @p1 $0x1  }
0x15: {  	[smem:$0x3FA7] =	sst s0;
	s0 =	simm.s32 @!p2 $0x0  }
0x16: {  	s3 =	sld [smem:$0x3FDB];
	s0 =	simm.s32 @p2 $0x1  }
0x17: {  	s4 =	simm.s32 $0x1BF5;
	[smem:$0x3FA9] =	sst s0  }
0x18: {  	s0 =	sld [smem:$0x3F8C];
	_ =	swait.ge [sflag:s4], $0x0  }
0x19: {  	s7 =	sld [smem:$0x3F8D]  }
0x1a: {  	s8 =	sadd.s32 $0xFFFFE003, lr  }
0x1b: {  	s9 =	sadd.s32 $0xFFFFFEF7, lr;
	s5 =	simm.s32 $0xFFFFFFFF;
	p2 =	slt.u32 s8, $0xFFFFF086  }
0x1c: {  	p1 =	slt.u32 s9, $0xF7A;
	s5 =	simm.s32 @!p2 $0x0  }
0x1d: {  	s5 =	simm.s32 @p1 $0x1;
	p0 =	seq.s32 s7, s2  }
0x1e: {  	s7 =	smul.u32 @!p0 $0xF7A, s2;
	p2 =	seq.s32 @!p0 s5, $0x0  }
0x1f: {  	s9 =	smul.u32 $0xF7A, s1;
	s8 =	simm.s32 @!p0 $0x1BF5;
	p2 =	por !p2, p0  }
0x20: {  	[sflag:s8] =	ssyncset.s32 @!p0 $0xFFFFF086;
	s6 =	sadd.s32 @!p0 s3, s7;
	s7 =	simm.s32 @!p0 $0x108  }
0x21: {  	s3 =	sadd.s32 s3, s9;
	s6 =	sadd.s32 @!p0 $0x88, s6;
	s7 =	simm.s32 @p2 $0x1082  }
0x22: {  	[simem:s7], [sflag:s8] =	dma.local @!p0 [hbm:s6], $0xF7A  }
0x23: {  	s9 =	sor.u32 $0xD0000000, s2;
	s6 =	simm.s32 $0x108;
	_ =	swait.ge @!p0 [sflag:s8], $0x0  }
0x24: {  	s3 =	sadd.s32 $0x88, s3;
	s6 =	simm.s32 @!p1 $0x1082;
	[sflag:s4] =	ssyncset.s32 $0xFFFFF086  }
0x25: {  	[simem:s6], [sflag:s4] =	dma.local [hbm:s3], $0xF7A  }
0x26: {  	[smem:$0x3F8D] =	sst s1;
	(tag) =	ssettag s2;
	_ =	strace s9  }
0x27: {  	s1 =	sld [smem:$0x3F9D]  }
0x28: {  	s2 =	sld [smem:$0x3F9E]  }
0x29: {  	s4 =	sld [smem:$0x3FA0]  }
0x2a: {  	p0 =	seq.s32 s5, $0x0;
	s5 =	sld [smem:$0x3FA1]  }
0x2b: {  	s6 =	sld [smem:$0x3FA2]  }
0x2c: {  	s7 =	sld [smem:$0x3FA3]  }
0x2d: {  	s3 =	simm.s32 $0x108;
	s8 =	sld [smem:$0x3FA4]  }
0x2e: {  	s3 =	simm.s32 @!p0 $0x1082;
	s9 =	sld [smem:$0x3FA5]  }
0x2f: {  	lr =	sadd.s32 s0, s3;
	s0 =	sld [smem:$0x3F9C]  }
0x30: {  	s3 =	sld [smem:$0x3F9F]  }
0x31: {  	[smem:$0x3FA8] =	sst s10  }
0x32: {  	s10 =	sld [smem:$0x3FA6];
	_ =	sdelay $0x3  }
0x33: {  	p0 =	seq.s32 s10, $0x1;
	s10 =	sld [smem:$0x3FA8];
	_ =	sdelay $0x3  }
0x34: {  	[smem:$0x3FA8] =	sst s10  }
0x35: {  	s10 =	sld [smem:$0x3FA7];
	_ =	sdelay $0x3  }
0x36: {  	p1 =	seq.s32 s10, $0x1;
	s10 =	sld [smem:$0x3FA8];
	_ =	sdelay $0x3  }
0x37: {  	[smem:$0x3FA8] =	sst s10  }
0x38: {  	s10 =	sld [smem:$0x3FA9]  }
0x39: {  	_ = 	snop;
	(pc) =	sbr.ind lr, $3  }
0x3a: {  	_ = 	snop  }
0x3b: {  	_ = 	snop  }
0x3c: {  	p2 =	seq.s32 s10, $0x1;
	s10 =	sld [smem:$0x3FA8]  }
0x3d: {  	_ =	shalt  }
0x3e: {  	_ =	shalt  }
0x3f: {  	_ =	shalt  }
0x40: {  	_ =	shalt  }
0x41: {  	_ =	shalt  }
0x42: {  	_ =	shalt  }
0x43: {  	_ =	shalt  }
0x44: {  	_ =	shalt  }
0x45: {  	_ =	shalt  }
0x46: {  	_ =	shalt  }
0x47: {  	_ =	shalt  }
0x48: {  	_ =	shalt  }
0x49: {  	_ =	shalt  }
0x4a: {  	_ =	shalt  }
0x4b: {  	_ =	shalt  }
0x4c: {  	_ =	shalt  }
0x4d: {  	_ =	shalt  }
0x4e: {  	_ =	shalt  }
0x4f: {  	_ =	shalt  }
0x50: {  	_ =	shalt  }
0x51: {  	_ =	shalt  }
0x52: {  	_ =	shalt  }
0x53: {  	_ =	shalt  }
0x54: {  	_ =	shalt  }
0x55: {  	_ =	shalt  }
0x56: {  	_ =	shalt  }
0x57: {  	_ =	shalt  }
0x58: {  	_ =	shalt  }
0x59: {  	_ =	shalt  }
0x5a: {  	_ =	shalt  }
0x5b: {  	_ =	shalt  }
0x5c: {  	_ =	shalt  }
0x5d: {  	_ =	shalt  }
0x5e: {  	_ =	shalt  }
0x5f: {  	_ =	shalt  }
0x60: {  	_ =	shalt  }
0x61: {  	_ =	shalt  }
0x62: {  	_ =	shalt  }
0x63: {  	_ =	shalt  }
0x64: {  	_ =	shalt  }
0x65: {  	_ =	shalt  }
0x66: {  	_ =	shalt  }
0x67: {  	_ =	shalt  }
0x68: {  	_ =	shalt  }
0x69: {  	_ =	shalt  }
0x6a: {  	_ =	shalt  }
0x6b: {  	_ =	shalt  }
0x6c: {  	_ =	shalt  }
0x6d: {  	_ =	shalt  }
0x6e: {  	_ =	shalt  }
0x6f: {  	_ =	shalt  }
0x70: {  	_ =	shalt  }
0x71: {  	_ =	shalt  }
0x72: {  	_ =	shalt  }
0x73: {  	_ =	shalt  }
0x74: {  	_ =	shalt  }
0x75: {  	_ =	shalt  }
0x76: {  	_ =	shalt  }
0x77: {  	_ =	shalt  }
0x78: {  	_ =	shalt  }
0x79: {  	_ =	shalt  }
0x7a: {  	_ =	shalt  }
0x7b: {  	_ =	shalt  }
0x7c: {  	_ =	shalt  }
0x7d: {  	_ =	shalt  }
0x7e: {  	_ =	shalt  }
0x7f: {  	_ =	shalt  }
0x80: {  	_ =	shalt  }
0x81: {  	_ =	shalt  }
0x82: {  	_ =	shalt  }
0x83: {  	_ =	shalt  }
0x84: {  	_ =	shalt  }
0x85: {  	_ =	shalt  }
0x86: {  	_ =	shalt  }
0x87: {  	_ =	shalt  }
.Lfunc_end0:
.L_simem_size_0:
called_computation_lowered:
.L_overlay_start_0:
0x88: {  	s2 =	sld [smem:$0x3FD9]  }
0x89: {  	s3 =	sld [smem:$0x3FFE];
	_ =	sdelay $0x1  }
0x8a: {  	s1 =	srdreg.scid  }
0x8b: {  	s0 =	sand.u32 $0x1, s1  }
0x8c: {  	s16 =	sshll.u32 s0, $0xA;
	s2 =	sadd.s32 s3, s2  }
0x8d: {  	s2 =	sadd.s32 s2, s16  }
0x8e: {  	[smem:$0x3FB4] =	sst s2  }
0x8f: {  	_ = 	snop  }
0x90: {  	(tm) =	ssettm $0x1  }
0x91: {  	s17 =	sld [smem:$0x3FFB];
	_ =	sdelay $0x3  }
0x92: {  	_ =	strace s17  }
0x93: {  	s2 =	sld [smem:$0x3FFC];
	_ =	sdelay $0x3  }
0x94: {  	_ =	strace s2  }
0x95: {  	s2 =	sld [smem:$0x3FFD];
	_ =	sdelay $0x3  }
0x96: {  	_ =	strace s2  }
0x97: {  	_ =	strace $0x8FFFFFFF  }
0x98: {  	s18 =	sld [smem:$0x3FDB];
	_ =	sdelay $0x1  }
0x99: {  	s19 =	simm.s32 $_scs_section_size  }
0x9a: {  	s4 =	simm.s32 $_size__tile_overlayer_lowered;
	s5 =	simm.s32 $_tile_overlayer_lowered  }
0x9b: {  	s22 =	simm.s32 $0x1BFF;
	s21 =	sshll.u32 s5, $0x1;
	s2 =	sadd.s32 s19, s18  }
0x9c: {  	s6 =	simm.s32 $0x0;
	s20 =	sshll.u32 s4, $0x1;
	s4 =	sadd.s32 s21, s2  }
0x9d: {  	[timem:s6], [sflag:s22] =	dma.local [hbm:s4], s20  }
0x9e: {  	_ =	swait.ge [sflag:s22], s20  }
0x9f: {  	s3 =	ssub.s32 $0x0, s20;
	[sflag:s22] =	ssyncset.done $0x0  }
0xa0: {  	[sflag:s22] =	ssyncadd.s32 s3;
	_ =	sdelay $0x1  }
0xa1: {  	s23 =	simm.s32 $0x1B8B  }
0xa2: {  	_ =	swait.ge [sflag:s23], $0x1  }
0xa3: {  	[sflag:s23] =	ssyncset.done $0x0  }
0xa4: {  	s25 =	simm.s32 $0x1B8E;
	s24 =	sld [smem:$0x3FFE];
	[sflag:s23] =	ssyncadd.s32 $0xFFFFFFFF  }
0xa5: {  	s26 =	simm.s32 $execute0_lowered;
	[smem:$0x3FD2] =	sst s25  }
0xa6: {  	s4 =	sshll.u32 s26, $0x1;
	_ =	strace $0x80000046;
	[dreg:$0x1] =	wrdreg $0xFFFFFFFF  }
0xa7: {  	s28 =	simm.s32 $_size_execute0_lowered;
	s2 =	sadd.s32 s2, s4;
	[dreg:$0x0] =	wrdreg $0x0  }
0xa8: {  	s4 =	sshll.u32 s28, $0x1;
	[dreg:$0x2] =	wrdreg s2  }
0xa9: {  	[dreg:$0x3] =	wrdreg s4  }
0xaa: {  	[dreg:$0x4] =	wrdreg $0xC0  }
0xab: {  	_ =	task [dreg:s6], $0x5FFFF  }
0xac: {  	[dreg:$0x1] =	wrdreg $0xFFFFFFFF  }
0xad: {  	[dreg:$0x0] =	wrdreg $0x60  }
0xae: {  	[dreg:$0x2] =	wrdreg s24  }
0xaf: {  	[dreg:$0x3] =	wrdreg $0x9  }
0xb0: {  	_ =	task.clear_ibuf [dreg:s6], $0x4FFFF;
	_ =	strace $0x90000046  }
0xb1: {  	s29 =	simm.s32 $0x9;
	_ =	strace $0x80000048  }
0xb2: {  	_ =	swait.ge [sflag:s29], $0x1  }
0xb3: {  	[sflag:s29] =	ssyncadd.s32 $0xFFFFFFFF  }
0xb4: {  	_ =	strace $0x90000048  }
0xb5: {  	_ =	sfence  }
0xb6: {  	s30 =	sld [smem:$0x0];
	_ =	sdelay $0x2  }
0xb7: {  	s31 =	sshll.u32 s1, $0xD;
	s1 =	sshrl.u32 s1, $0x2  }
0xb8: {  	s3 =	sand.u32 $0x4000, s31;
	s1 =	sadd.s32 s1, s30  }
0xb9: {  	s0 =	sor.u32 s3, s0;
	s1 =	sshll.u32 s1, $0x11  }
0xba: {  	s0 =	sor.u32 s1, s0  }
0xbb: {  	s0 =	sadd.s32 $0x8F2B, s0  }
0xbc: {  	[sflag:s0] =	ssyncadd.remote.s32 $0x1  }
0xbd: {  	_ =	sfence.sel $0xFFFF  }
0xbe: {  	[dreg:$0x0] =	wrdreg $0xFFFFFFFF;
	(pc) =	sbr.abs _section_cstart, $3  }
0xbf: {  	[dreg:$0x1] =	wrdreg $0xFFFFFFFF  }
0xc0: {  	_ =	task.clear_ibuf [dreg:s6], $0x2FFFF;
	_ =	strace $0x9FFFFFFF  }
0xc1: {  	(tm) =	ssettm $0x7FFFFFFF  }
tec
execute0_lowered:
.L_overlay_start_1:
0x0: {  	(tag) =	ssettag $0x1  }
0x1: {  	s1 =	srdreg.scid;
	s0 =	stileid.u32  }
0x2: {  	s4 =	sand.u32 $0x1, s1;
	s2 =	sshll.u32 s0, $0x1  }
0x3: {  	s3 =	rddreg [dreg:$0x0];
	s5 =	sor.u32 s4, s2  }
0x4: {  	s7 =	simm.s32 $0x1;
	s8 =	simm.s32 $0x0;
	s5 =	smul.u32 $0x4E2, s5  }
0x5: {  	s1 =	rddreg [dreg:$0x1];
	s2 =	simm.s32 $0x0;
	s4 =	ssub.s32 $0x2, s4  }
0x6: {  	[smem:$0x7FF] =	sst s2;
	s6 =	sshrl.u32 s4, $0x1;
	s5 =	sadd.s32 s5, s3  }
0x7: {  	_ =	strace $0x80000047;
	s6 =	ssub.s32 s4, s6;
	s3 =	sadd.s32 $0x3600, s5  }
0x8: {  	v0 =	vimm.f32 $0.0e+00;
	v1 =	vimm.f32 $1.000000000e+00;
	s4 =	sadd.s32 $0xD400, s5;
	s5 =	smax.u32 s6, $0x1;
	s6 =	simm.s32 $0x2780  }
.LBB2_1:
0x9: {  	s9 =	simm.s32 $0x40;
	s10 =	simm.s32 $0x0  }
.LBB2_2:
0xa: {  	p0 =	sne.s32 s9, $0x9C00;
	[tilespmem:s10+$0x0] =	vst v0;
	s10 =	smov.u32 s9;
	s9 =	sadd.s32 $0x40, s9  }
.Ltmp0:
0xb: {  	(pc) =	sbr.rel @p0 .LBB2_2-.Ltmp0, $2  }
0xc: {  	_ =	sdelay $0x2  }
0xd: {  	s10 =	sshra.s32 s10, $0x2  }
0xe: {  	[tilespmem:s10+$0x0] =	vst v0;
	s9 =	simm.s32 $0x0  }
0xf: {  	[tilespmem:s6], [sflag:$0x1] =	stream.linear.gather [hbm4b:s3+s9], $0x2710, $0x38;
	[tilespmem:$0x4F00] =	vst v63  }
0x10: {  	_ =	swait.ge [sflag:s7], $0x2710  }
0x11: {  	[sflag:s7] =	ssyncset.done $0x0  }
0x12: {  	s10 =	simm.s32 $0x0;
	s9 =	simm.s32 $0x40;
	[sflag:s7] =	ssyncadd.s32 $0xFFFFD8F0  }
.LBB2_4:
0x13: {  	p0 =	sne.s32 s9, $0x9C00;
	v2 =	vld [tilespmem:s10+$0x2780];
	_ =	sdelay $0x3  }
.Ltmp1:
0x14: {  	(pc) =	sbr.rel @p0 .LBB2_4-.Ltmp1, $2  }
0x15: {  	_ =	sdelay $0x2  }
0x16: {  	s10 =	sshra.s32 s9, $0x2;
	s9 =	sadd.s32 $0x40, s9;
	[tilespmem:v2+s2+$0x0] =	vst.idx.add.f32.msk $0xffff, v1  }
0x17: {  	v2 =	vld [tilespmem:s10+$0x2780];
	_ =	sdelay $0x5  }
0x18: {  	s8 =	sadd.s32 $0x1, s8  }
0x19: {  	p0 =	sne.s32 s8, s5  }
.Ltmp2:
0x1a: {  	[tilespmem:v2+s2+$0x0] =	vst.idx.add.f32.msk $0xffff, v1;
	(pc) =	sbr.rel @p0 .LBB2_1-.Ltmp2, $4  }
0x1b: {  	[hbm4b:s4+s2] =	stream.linear.scatter [tilespmem:s2], [sflag:$0x1], $0x2710, $0x38;
	[tilespmem:$0x4F00] =	vst v63  }
0x1c: {  	_ =	swait.ge [sflag:s7], $0x2710  }
0x1d: {  	[sflag:s7] =	ssyncset.done $0x0  }
0x1e: {  	[sflag:s7] =	ssyncadd.s32 $0xFFFFD8F0  }
0x1f: {  	_ =	sfence.sel $0x180000  }
0x20: {  	[bflag:$0x0] =	sbarrier.arrive $0xFFFF  }
0x21: {  	p0 =	sne.s32 s0, $0x0;
	_ =	strace $0x90000047  }
0x22: {  	s0 =	sadd.s32 @!p0 $0x100000, s1;
	[bflag:$0x2] =	sbarrier.arrive $0xFFFF  }
0x23: {  	[sflag:s0] =	ssyncadd.tile.s32 @!p0 $0x1;
	_ =	shalt  }
.Lfunc_end2:
_tile_overlayer_lowered:
.L_overlay_start_2:
0x24: {  	(tag) =	ssettag $0x2  }
0x25: {  	s0 =	rddreg [dreg:$0x0];
	s2 =	stileid.u32  }
0x26: {  	s1 =	rddreg [dreg:$0x1];
	p0 =	sne.s32 s2, $0x0  }
0x27: {  	s3 =	rddreg [dreg:$0x2];
	[bflag:$0x3] =	sbarrier.arrive $0xFFFF;
	s2 =	simm.s32 @!p0 $0x1C01  }
0x28: {  	[timem:s3], [sflag:s2] =	dma.local @!p0 [hbm:s0], s1  }
0x29: {  	s0 =	simm.s32 @!p0 $0x1  }
0x2a: {  	_ =	swait.ge @!p0 [sflag:s0], s1  }
0x2b: {  	s1 =	ssub.s32 @!p0 $0x0, s1;
	[sflag:s0] =	ssyncset.done @!p0 $0x0  }
0x2c: {  	[sflag:s0] =	ssyncadd.s32 @!p0 s1  }
0x2d: {  	[bflag:$0x3] =	sbarrier.arrive $0xFFFF  }
0x2e: {  	_ =	shalt  }

</sc_bundles>
